<compile_context>
chip_gen: v7x
topology: tpu7x:2x2x1
jax: 0.10.2.dev20260603
libtpu: 0.0.44.dev20260713+nightly
codegen_flags: <defaults>
</compile_context>

<pallas_src>
import math

import jax
import jax.numpy as jnp
from jax import lax
from jax.experimental import pallas as pl
from jax.experimental.pallas import tpu as pltpu
from jax.experimental.pallas import tpu_sc as plsc

N = 10000
E = 160000
EMB = 8
HID = 16
NB = 8
RAD = 64
MAXR = 2.0
NN = 16.0

NC = 2
NS = 16
LANES = 16
NW = NC * NS
CHUNK = 128
NCH = 40
EPW = CHUNK * NCH
E_PAD = EPW * NW
N_PAD = 10240

EB = 8192
BN = 2000

_PREC = lax.Precision.DEFAULT


def _sc_mesh():
    return plsc.VectorSubcoreMesh(
        core_axis_name="c", subcore_axis_name="s", num_cores=NC, num_subcores=NS
    )


_SC_PARAMS = pltpu.CompilerParams(
    needs_layout_passes=False, use_tc_tiling_on_sc=False
)


def _worker_id():
    return lax.axis_index("s") * NC + lax.axis_index("c")



def _gather_chunks(hx_h, idx_v, rows_v, sem):

    def fire(j, carry):
        sl = pl.ds(j * CHUNK, CHUNK)
        pltpu.async_copy(hx_h.at[idx_v.at[sl]], rows_v.at[sl], sem)
        return carry

    lax.fori_loop(0, NCH, fire, 0)

    def drain(j, carry):
        sl = pl.ds(j * CHUNK, CHUNK)
        pltpu.make_async_copy(hx_h.at[idx_v.at[sl]], rows_v.at[sl], sem).wait()
        return carry

    lax.fori_loop(0, NCH, drain, 0)


def _sc_gather0_body(hx_h, src_h, dst_h, px_h, py_h, pz_h, hxs_h, r2_h,
                     idx_v, d_v, rows_v, px_v, py_v, pz_v, r2_v, sem):
    base = _worker_id() * EPW
    pltpu.sync_copy(src_h.at[pl.ds(base, EPW)], idx_v)
    pltpu.sync_copy(dst_h.at[pl.ds(base, EPW)], d_v)
    pltpu.sync_copy(px_h, px_v)
    pltpu.sync_copy(py_h, py_v)
    pltpu.sync_copy(pz_h, pz_v)

    def fire(j, carry):
        sl = pl.ds(j * CHUNK, CHUNK)
        pltpu.async_copy(hx_h.at[idx_v.at[sl]], rows_v.at[sl], sem)
        return carry

    lax.fori_loop(0, NCH, fire, 0)

    def body(i, carry):
        s16 = idx_v[pl.ds(i * LANES, LANES)]
        d16 = d_v[pl.ds(i * LANES, LANES)]
        dx = plsc.load_gather(px_v, [s16]) - plsc.load_gather(px_v, [d16])
        dy = plsc.load_gather(py_v, [s16]) - plsc.load_gather(py_v, [d16])
        dz = plsc.load_gather(pz_v, [s16]) - plsc.load_gather(pz_v, [d16])
        r2_v[pl.ds(i * LANES, LANES)] = dx * dx + dy * dy + dz * dz
        return carry

    lax.fori_loop(0, EPW // LANES, body, 0, unroll=4)
    pltpu.sync_copy(r2_v, r2_h.at[pl.ds(base, EPW)])

    def drain(j, carry):
        sl = pl.ds(j * CHUNK, CHUNK)
        pltpu.make_async_copy(hx_h.at[idx_v.at[sl]], rows_v.at[sl], sem).wait()
        return carry

    lax.fori_loop(0, NCH, drain, 0)
    pltpu.sync_copy(rows_v, hxs_h.at[pl.ds(base, EPW)])


def _sc_gather_body(hx_h, src_h, out_h, idx_v, rows_v, sem):
    base = _worker_id() * EPW
    pltpu.sync_copy(src_h.at[pl.ds(base, EPW)], idx_v)
    _gather_chunks(hx_h, idx_v, rows_v, sem)
    pltpu.sync_copy(rows_v, out_h.at[pl.ds(base, EPW)])


def _sc_scatter_body(msg_h, dst_h, zero_h, agg_h, didx_v, msg_v, agg_sh, sem):
    cid = lax.axis_index("c")
    sid = lax.axis_index("s")
    wid = sid * NC + cid
    base = wid * EPW
    pltpu.sync_copy(dst_h.at[wid], didx_v)
    pltpu.sync_copy(msg_h.at[pl.ds(base, EPW)], msg_v)
    zrows = N_PAD // NS
    pltpu.sync_copy(zero_h.at[pl.ds(sid * zrows, zrows)],
                    agg_sh.at[pl.ds(sid * zrows, zrows)])
    plsc.subcore_barrier()

    def fire(j, carry):
        pltpu.async_copy(msg_v.at[pl.ds(j * CHUNK, CHUNK)],
                         agg_sh.at[didx_v.at[j]], sem, add=True)
        return carry

    lax.fori_loop(0, NCH, fire, 0)

    def drain(j, carry):
        pltpu.make_async_copy(msg_v.at[pl.ds(j * CHUNK, CHUNK)],
                              agg_sh.at[didx_v.at[j]], sem).wait()
        return carry

    lax.fori_loop(0, NCH, drain, 0)
    plsc.subcore_barrier()
    orows = N // NS
    pltpu.sync_copy(agg_sh.at[pl.ds(sid * orows, orows)],
                    agg_h.at[cid].at[pl.ds(sid * orows, orows)])


def _sc_gather0(hx, src_p, dst_p, posx, posy, posz):
    return pl.kernel(
        _sc_gather0_body,
        out_type=(
            jax.ShapeDtypeStruct((E_PAD, HID), jnp.float32),
            jax.ShapeDtypeStruct((E_PAD,), jnp.float32),
        ),
        mesh=_sc_mesh(),
        compiler_params=_SC_PARAMS,
        scratch_types=[
            pltpu.VMEM((EPW,), jnp.int32),
            pltpu.VMEM((EPW,), jnp.int32),
            pltpu.VMEM((EPW, HID), jnp.float32),
            pltpu.VMEM((N,), jnp.float32),
            pltpu.VMEM((N,), jnp.float32),
            pltpu.VMEM((N,), jnp.float32),
            pltpu.VMEM((EPW,), jnp.float32),
            pltpu.SemaphoreType.DMA,
        ],
    )(hx, src_p, dst_p, posx, posy, posz)


def _sc_gather(hx, src_p):
    return pl.kernel(
        _sc_gather_body,
        out_type=jax.ShapeDtypeStruct((E_PAD, HID), jnp.float32),
        mesh=_sc_mesh(),
        compiler_params=_SC_PARAMS,
        scratch_types=[
            pltpu.VMEM((EPW,), jnp.int32),
            pltpu.VMEM((EPW, HID), jnp.float32),
            pltpu.SemaphoreType.DMA,
        ],
    )(hx, src_p)


def _sc_scatter(msg, dst3, zeros_pad):
    return pl.kernel(
        _sc_scatter_body,
        out_type=jax.ShapeDtypeStruct((NC, N, HID), jnp.float32),
        mesh=_sc_mesh(),
        compiler_params=_SC_PARAMS,
        scratch_types=[
            pltpu.VMEM((NCH, CHUNK), jnp.int32),
            pltpu.VMEM((EPW, HID), jnp.float32),
            pltpu.VMEM_SHARED((N_PAD, HID), jnp.float32),
            pltpu.SemaphoreType.DMA,
        ],
    )(msg, dst3, zeros_pad)



def _rep_mat(k, m):
    jj = lax.broadcasted_iota(jnp.int32, (k, k * m), 1)
    ii = lax.broadcasted_iota(jnp.int32, (k, k * m), 0)
    return (jj // m == ii).astype(jnp.float32)


def _tile_mat(m, k):
    jj = lax.broadcasted_iota(jnp.int32, (m, k * m), 1)
    ii = lax.broadcasted_iota(jnp.int32, (m, k * m), 0)
    return (jj % m == ii).astype(jnp.float32)


def _sum_mat(k, m):
    ii = lax.broadcasted_iota(jnp.int32, (k * m, m), 0)
    jj = lax.broadcasted_iota(jnp.int32, (k * m, m), 1)
    return (ii % m == jj).astype(jnp.float32)


def _outer_sq(h, k):
    rep = jnp.dot(h, _rep_mat(k, k), precision=_PREC)
    til = jnp.dot(h, _tile_mat(k, k), precision=_PREC)
    return rep * til


def _tc_init_body(x_ref, z_ref, emb_ref, wtp_ref, wsc_ref, wlin_ref,
                  sc_ref, hxp_ref):
    xi = x_ref[...]
    oh = (lax.broadcasted_iota(jnp.int32, (BN, 20), 1) == xi)
    h = jnp.dot(oh.astype(jnp.float32), emb_ref[...], precision=_PREC)
    hh = _outer_sq(h, EMB)
    h0 = jnp.dot(hh, wtp_ref[...], precision=_PREC) * (1.0 / EMB)
    sc_ref[...] = (jnp.dot(h0, wsc_ref[...], precision=_PREC)
                   * (1.0 / math.sqrt(EMB)) * z_ref[...])
    hx = jnp.dot(h0, wlin_ref[...], precision=_PREC) * (1.0 / math.sqrt(EMB))
    hxp_ref[...] = jnp.concatenate(
        [hx, jnp.zeros((BN, HID - EMB), jnp.float32)], axis=1)


def _tc_edge_body(ind, r2_ref, hxs_ref, w1_ref, w2_ref, msg_ref):
    r2 = r2_ref[...]
    r = jnp.sqrt(r2 + 1e-12)
    nv = (lax.broadcasted_iota(jnp.int32, (NB, 1), 0).astype(jnp.float32)
          + 1.0) * (math.pi / MAXR)
    ebT = (jnp.sin(nv * r) * (math.sqrt(2.0 / MAXR) * math.sqrt(float(NB)))
           / (r + 1e-9))
    u = 2.0 * (r / MAXR - 1.0)
    ea = (1.0 - jnp.cos(math.pi * u)) * 0.5
    ea = jnp.where(u > 0, 0.0, ea)
    ea = jnp.where(u < -1.0, 1.0, ea)
    z1T = lax.dot_general(w1_ref[...], ebT, (((0,), (0,)), ((), ())),
                          precision=_PREC) * (1.0 / math.sqrt(NB))
    sT = z1T * jax.nn.sigmoid(z1T) * ea
    hxsP = hxs_ref[...]
    qb = EB // 8
    wscale = 1.0 / (math.sqrt(RAD) * math.sqrt(ind))
    jj = lax.broadcasted_iota(jnp.int32, (HID, ind * HID), 1)
    ii = lax.broadcasted_iota(jnp.int32, (HID, ind * HID), 0)
    rep = (jj // HID == ii).astype(jnp.float32)
    summ = _sum_mat(ind, HID)
    parts = []
    for p in range(8):
        hxs_p = hxsP[:, p * HID:(p + 1) * HID]
        hxrep_p = jnp.dot(hxs_p, rep, precision=_PREC)
        w_p = lax.dot_general(sT[:, p * qb:(p + 1) * qb], w2_ref[...],
                              (((0,), (0,)), ((), ())),
                              precision=_PREC) * wscale
        parts.append(jnp.dot(w_p * hxrep_p, summ, precision=_PREC))
    msg_ref[...] = jnp.concatenate(parts, axis=1)


def _tc_update_body(sc_ref, a0_ref, a1_ref, wlin2_ref, wsc_ref, wlin1_ref,
                    z_ref, sc1_ref, hx1_ref):
    agg = (a0_ref[...] + a1_ref[...]) * (1.0 / math.sqrt(NN))
    y = sc_ref[...] + jnp.dot(agg, wlin2_ref[...], precision=_PREC) * (
        1.0 / math.sqrt(HID))
    y = y * lax.rsqrt(jnp.mean(y * y, axis=1, keepdims=True) + 1e-6)
    h = y * jax.nn.sigmoid(y)
    sc1_ref[...] = (jnp.dot(h, wsc_ref[...], precision=_PREC)
                    * (1.0 / math.sqrt(HID)) * z_ref[...])
    hx1_ref[...] = jnp.dot(h, wlin1_ref[...], precision=_PREC) * (
        1.0 / math.sqrt(HID))


def _tc_final_body(sc_ref, a0_ref, a1_ref, wlin2_ref, wa_ref, wb_ref, out_ref):
    agg = (a0_ref[...] + a1_ref[...]) * (1.0 / math.sqrt(NN))
    y = sc_ref[...] + jnp.dot(agg, wlin2_ref[...], precision=_PREC) * (
        1.0 / math.sqrt(HID))
    y = y * lax.rsqrt(jnp.mean(y * y, axis=1, keepdims=True) + 1e-6)
    h = y * jax.nn.sigmoid(y)
    hh = _outer_sq(h, HID)
    za = jnp.dot(hh, wa_ref[...], precision=_PREC) * (1.0 / HID)
    ha = za * jax.nn.sigmoid(za)
    hha = _outer_sq(ha, HID)
    hb = jnp.dot(hha, wb_ref[...], precision=_PREC) * (1.0 / HID)
    part = jnp.sum(hb) * (1.0 / math.sqrt(float(N)))

    @pl.when(pl.program_id(0) == 0)
    def _():
        out_ref[...] = jnp.zeros((1, 1), jnp.float32)

    out_ref[...] += part


def _full(shape):
    return pl.BlockSpec(shape, lambda i: (0,) * len(shape))


def _tc_init(xi, z, emb, wtp, wsc, wlin):
    grid = (N // BN,)
    return pl.pallas_call(
        _tc_init_body,
        grid=grid,
        in_specs=[
            pl.BlockSpec((BN, 1), lambda i: (i, 0)),
            pl.BlockSpec((BN, 1), lambda i: (i, 0)),
            _full((20, EMB)),
            _full((EMB * EMB, EMB)),
            _full((EMB, HID)),
            _full((EMB, EMB)),
        ],
        out_specs=[
            pl.BlockSpec((BN, HID), lambda i: (i, 0)),
            pl.BlockSpec((BN, HID), lambda i: (i, 0)),
        ],
        out_shape=[
            jax.ShapeDtypeStruct((N, HID), jnp.float32),
            jax.ShapeDtypeStruct((N, HID), jnp.float32),
        ],
    )(xi, z, emb, wtp, wsc, wlin)


def _tc_edge(ind, r2p, hxsP, w1, w2):
    grid = (E_PAD // EB,)
    body = lambda *refs: _tc_edge_body(ind, *refs)
    return pl.pallas_call(
        body,
        grid=grid,
        in_specs=[
            pl.BlockSpec((1, EB), lambda i: (0, i)),
            pl.BlockSpec((EB // 8, 128), lambda i: (i, 0)),
            _full((NB, RAD)),
            _full((RAD, ind * HID)),
        ],
        out_specs=pl.BlockSpec((EB // 8, 128), lambda i: (i, 0)),
        out_shape=jax.ShapeDtypeStruct((E_PAD // 8, 128), jnp.float32),
    )(r2p, hxsP, w1, w2)


def _tc_update(sc, a0, a1, wlin2, wsc, wlin1, z):
    grid = (N // BN,)
    nspec = pl.BlockSpec((BN, HID), lambda i: (i, 0))
    return pl.pallas_call(
        _tc_update_body,
        grid=grid,
        in_specs=[nspec, nspec, nspec, _full((HID, HID)), _full((HID, HID)),
                  _full((HID, HID)), pl.BlockSpec((BN, 1), lambda i: (i, 0))],
        out_specs=[nspec, nspec],
        out_shape=[
            jax.ShapeDtypeStruct((N, HID), jnp.float32),
            jax.ShapeDtypeStruct((N, HID), jnp.float32),
        ],
    )(sc, a0, a1, wlin2, wsc, wlin1, z)


def _tc_final(sc, a0, a1, wlin2, wa, wb):
    grid = (N // BN,)
    nspec = pl.BlockSpec((BN, HID), lambda i: (i, 0))
    return pl.pallas_call(
        _tc_final_body,
        grid=grid,
        in_specs=[nspec, nspec, nspec, _full((HID, HID)),
                  _full((HID * HID, HID)), _full((HID * HID, 1))],
        out_specs=pl.BlockSpec((1, 1), lambda i: (0, 0)),
        out_shape=jax.ShapeDtypeStruct((1, 1), jnp.float32),
    )(sc, a0, a1, wlin2, wa, wb)



def kernel(pos, x, z, edge_index, batch, emb, W_tp0, Wsc0, Wlin1_0, Wfc1_0,
           Wfc2_0, Wlin2_0, Wsc1, Wlin1_1, Wfc1_1, Wfc2_1, Wlin2_1, W_a, W_b):
    src = edge_index[0].astype(jnp.int32)
    dst = edge_index[1].astype(jnp.int32)
    padn = E_PAD - E
    src_p = jnp.concatenate([src, jnp.zeros((padn,), jnp.int32)])
    dst_p = jnp.concatenate([dst, jnp.full((padn,), N, jnp.int32)])
    dst3 = dst_p.reshape(NW, NCH, CHUNK)
    posx = pos[:, 0]
    posy = pos[:, 1]
    posz = pos[:, 2]
    zeros_pad = jnp.zeros((N_PAD, HID), jnp.float32)
    wtp = W_tp0.reshape(EMB * EMB, EMB)
    wa = W_a.reshape(HID * HID, HID)
    wb = W_b.reshape(HID * HID, 1)
    xi = x.astype(jnp.int32)

    sc0, hxp0 = _tc_init(xi, z, emb, wtp, Wsc0, Wlin1_0)
    hxs0, r2 = _sc_gather0(hxp0, src_p, dst_p, posx, posy, posz)
    r2p = (r2.reshape(E_PAD // EB, EB // 8, 8)
           .transpose(0, 2, 1).reshape(1, E_PAD))
    msg0 = _tc_edge(EMB, r2p, hxs0.reshape(E_PAD // 8, 128), Wfc1_0, Wfc2_0)
    agg0 = _sc_scatter(msg0.reshape(E_PAD, HID), dst3, zeros_pad)
    sc1, hx1 = _tc_update(sc0, agg0[0], agg0[1], Wlin2_0, Wsc1, Wlin1_1, z)
    hxs1 = _sc_gather(hx1, src_p)
    msg1 = _tc_edge(HID, r2p, hxs1.reshape(E_PAD // 8, 128), Wfc1_1, Wfc2_1)
    agg1 = _sc_scatter(msg1.reshape(E_PAD, HID), dst3, zeros_pad)
    out = _tc_final(sc1, agg1[0], agg1[1], Wlin2_1, wa, wb)
    return out

# --- scband reference (transcript-rebuilt; emitter-appended) ---
"""Pipeline reference for scband-nequ-ip-39024072851680 (READ-ONLY COPY).

The authoritative reference and input builder live on the scoring server;
editing this copy changes nothing except your own understanding.
"""

import math
import jax
import jax.numpy as jnp
import numpy as np

N = 10000
E = 160000
EMB = 8
HID = 16
NB = 8
RAD = 64
MAXR = 2.0
NN = 16.0


def smooth_cutoff(x):
    u = 2.0 * (x - 1.0)
    y = (1.0 - jnp.cos(math.pi * u)) / 2.0
    y = jnp.where(u > 0, 0.0, y)
    y = jnp.where(u < -1.0, 1.0, y)
    return y


def setup_inputs(seed: int = 0):
    key = jax.random.key(seed)
    ks = jax.random.split(key, 24)
    def nrm(k, shape):
        return jax.random.normal(k, shape, dtype=jnp.float32)
    inp = {}
    inp["pos"] = jax.random.uniform(ks[0], (N, 3), dtype=jnp.float32)
    inp["x"] = jax.random.randint(ks[1], (N, 1), 0, 20)
    inp["z"] = jnp.ones((N, 1), dtype=jnp.float32)
    inp["edge_index"] = jax.random.randint(ks[2], (2, E), 0, N)
    inp["batch"] = jnp.zeros((N,), dtype=jnp.int32)
    inp["emb"] = nrm(ks[3], (20, EMB))
    inp["W_tp0"] = nrm(ks[4], (EMB, EMB, EMB))
    inp["Wsc0"] = nrm(ks[5], (EMB, HID))
    inp["Wlin1_0"] = nrm(ks[6], (EMB, EMB))
    inp["Wfc1_0"] = nrm(ks[7], (NB, RAD))
    inp["Wfc2_0"] = nrm(ks[8], (RAD, EMB * HID))
    inp["Wlin2_0"] = nrm(ks[9], (HID, HID))
    inp["Wsc1"] = nrm(ks[10], (HID, HID))
    inp["Wlin1_1"] = nrm(ks[11], (HID, HID))
    inp["Wfc1_1"] = nrm(ks[12], (NB, RAD))
    inp["Wfc2_1"] = nrm(ks[13], (RAD, HID * HID))
    inp["Wlin2_1"] = nrm(ks[14], (HID, HID))
    inp["W_a"] = nrm(ks[15], (HID, HID, HID))
    inp["W_b"] = nrm(ks[16], (HID, HID, 1))
    return inp


def reference(pos, x, z, edge_index, batch, emb, W_tp0, Wsc0, Wlin1_0, Wfc1_0, Wfc2_0, Wlin2_0, Wsc1, Wlin1_1, Wfc1_1, Wfc2_1, Wlin2_1, W_a, W_b):
    src = edge_index[0]
    dst = edge_index[1]
    edge_vec = pos[src] - pos[dst]
    r = jnp.sqrt(jnp.sum(edge_vec * edge_vec, axis=1) + 1e-12)
    # bessel radial basis (soft_one_hot_linspace, basis='bessel', cutoff=False) scaled by sqrt(NB)
    n = jnp.arange(1, NB + 1, dtype=jnp.float32)
    eb = math.sqrt(2.0 / MAXR) * jnp.sin(n[None, :] * math.pi * r[:, None] / MAXR) / (r[:, None] + 1e-9)
    eb = eb * math.sqrt(float(NB))
    # spherical harmonics of 1x0e with component normalization is identically 1
    edge_attr = smooth_cutoff(r / MAXR)[:, None]
    # node embedding + first self tensor product (all-scalar FullyConnectedTensorProduct)
    h = emb[x[:, 0]]
    h = jnp.einsum('ni,nj,ijk->nk', h, h, W_tp0) / float(EMB)
    layers = [(Wsc0, Wlin1_0, Wfc1_0, Wfc2_0, Wlin2_0, EMB),
              (Wsc1, Wlin1_1, Wfc1_1, Wfc2_1, Wlin2_1, HID)]
    for Wsc, Wlin1, Wfc1, Wfc2, Wlin2, ind in layers:
        # self-connection: x (x) z -> hidden
        sc = (h @ Wsc) / math.sqrt(float(ind)) * z
        # linear pre-mix
        hx = (h @ Wlin1) / math.sqrt(float(ind))
        # radial MLP produces per-edge tensor-product weights
        w = jax.nn.silu(eb @ Wfc1 / math.sqrt(float(NB))) @ Wfc2 / math.sqrt(float(RAD))
        w = w.reshape(-1, ind, HID)
        # edge messages: gather source features, weight by edge_attr and per-edge TP weights
        msg = jnp.einsum('ei,eih->eh', hx[src] * edge_attr, w) / math.sqrt(float(ind))
        # scatter-add to destination nodes
        agg = jax.ops.segment_sum(msg, dst, num_segments=N) / math.sqrt(NN)
        y = sc + (agg @ Wlin2) / math.sqrt(float(HID))
        # TvNorm (per-node RMS norm) then gate (silu on scalar irreps)
        y = y / jnp.sqrt(jnp.mean(y * y, axis=1, keepdims=True) + 1e-6)
        h = jax.nn.silu(y)
    # readout self tensor products + activation
    ha = jax.nn.silu(jnp.einsum('ni,nj,ijk->nk', h, h, W_a) / float(HID))
    hb = jnp.einsum('ni,nj,ijk->nk', ha, ha, W_b) / float(HID)
    out = jax.ops.segment_sum(hb, batch, num_segments=1) / math.sqrt(float(N))
    return out

if __name__ == "__main__":
    import jax
    _d = setup_inputs()
    print(jax.jit(kernel)(*tuple(_d.values())))

</pallas_src>

<mosaic_0001>
#map = affine_map<(d0, d1) -> (0, 0)>
#map1 = affine_map<(d0, d1) -> (0)>
module attributes {stable_mosaic.version = 14 : i64} {
  func.func @_sc_gather_body(%arg0: i32, %arg1: i32, %arg2: memref<10000x16xf32, #tpu.memory_space<hbm>>, %arg3: memref<163840xi32, #tpu.memory_space<hbm>>, %arg4: memref<163840x16xf32, #tpu.memory_space<hbm>>, %arg5: memref<5120xi32, #tpu.memory_space<vmem>>, %arg6: memref<5120x16xf32, #tpu.memory_space<vmem>>, %arg7: memref<!tpu.dma_semaphore, #tpu.memory_space<semaphore_mem>>) attributes {dimension_semantics = [#tpu.dimension_semantics<core_parallel>, #tpu.dimension_semantics<subcore_parallel>], iteration_bounds = array<i64: 2, 16>, scalar_prefetch = 0 : i64, scratch_operands = 3 : i64, tpu.core_type = #tpu.core_type<sc_vector_subcore>, window_params = [{transform_indices = #map}, {transform_indices = #map1}, {transform_indices = #map}]} {
    %mul3A = arith.constant 2 : i32
    %mul3A_0 = arith.muli %arg1, %mul3A : i32
    %add3A = arith.addi %mul3A_0, %arg0 : i32
    %mul3A_1 = arith.constant 5120 : i32
    %mul3A_2 = arith.muli %add3A, %mul3A_1 : i32
    "tpu.region"() ({
      %run_scoped3A = tpu.sem_alloc : memref<!tpu.dma_semaphore, #tpu.memory_space<semaphore_mem>>
      %dma_start3A = tpu.memref_slice %arg3[%mul3A_2] : memref<163840xi32, #tpu.memory_space<hbm>> -> memref<5120xi32, #tpu.memory_space<hbm>>
      %dma_start3A_14 = tpu.memref_slice %arg3[%mul3A_2] : memref<163840xi32, #tpu.memory_space<hbm>> -> memref<5120xi32, #tpu.memory_space<hbm>>
      tpu.enqueue_dma source(%dma_start3A_14 : memref<5120xi32, #tpu.memory_space<hbm>>) target(%arg5 : memref<5120xi32, #tpu.memory_space<vmem>>) target_semaphore(%run_scoped3A : memref<!tpu.dma_semaphore, #tpu.memory_space<semaphore_mem>>)
      %dma_wait3A = tpu.memref_slice %arg3[%mul3A_2] : memref<163840xi32, #tpu.memory_space<hbm>> -> memref<5120xi32, #tpu.memory_space<hbm>>
      %dma_wait3A_15 = tpu.memref_slice %arg3[%mul3A_2] : memref<163840xi32, #tpu.memory_space<hbm>> -> memref<5120xi32, #tpu.memory_space<hbm>>
      tpu.wait_dma2 semaphore(%run_scoped3A : memref<!tpu.dma_semaphore, #tpu.memory_space<semaphore_mem>>) src(%dma_wait3A_15 : memref<5120xi32, #tpu.memory_space<hbm>>) dst(%arg5 : memref<5120xi32, #tpu.memory_space<vmem>>)
      tpu.yield
    }) : () -> ()
    %scan3A = arith.constant 0 : i32
    %scan3A_3 = arith.constant 0 : i32
    %scan3A_4 = arith.constant 40 : i32
    %scan3A_5 = arith.addi %scan3A_3, %scan3A_4 : i32
    %scan3A_6 = arith.constant 1 : i32
    scf.for %scan3A_14 = %scan3A_3 to %scan3A_5 step %scan3A_6  : i32 {
      %mul3A_15 = arith.constant 128 : i32
      %mul3A_16 = arith.muli %scan3A_14, %mul3A_15 : i32
      %dma_start3A = arith.constant 0 : i32
      %dma_start3A_17 = tpu.memref_slice %arg6[%mul3A_16, %dma_start3A] : memref<5120x16xf32, #tpu.memory_space<vmem>> -> memref<128x16xf32, #tpu.memory_space<vmem>>
      %dma_start3A_18 = tpu.memref_slice %arg5[%mul3A_16] : memref<5120xi32, #tpu.memory_space<vmem>> -> memref<128xi32, #tpu.memory_space<vmem>>
      %dma_start3A_19 = arith.constant 0 : i32
      %dma_start3A_20 = arith.constant 0 : i32
      %dma_start3A_21 = tpu.memref_slice %arg2[%dma_start3A_19, %dma_start3A_20] : memref<10000x16xf32, #tpu.memory_space<hbm>> -> memref<10000x16xf32, #tpu.memory_space<hbm>>
      tpu.enqueue_indirect_dma source(%dma_start3A_21 : memref<10000x16xf32, #tpu.memory_space<hbm>>) target(%dma_start3A_17 : memref<128x16xf32, #tpu.memory_space<vmem>>) offsets(%dma_start3A_18 : memref<128xi32, #tpu.memory_space<vmem>>) semaphore(%arg7 : memref<!tpu.dma_semaphore, #tpu.memory_space<semaphore_mem>>)
    }
    %scan3A_7 = arith.constant 40 : i32
    %scan3A_8 = arith.constant 0 : i32
    %scan3A_9 = arith.constant 0 : i32
    %scan3A_10 = arith.constant 40 : i32
    %scan3A_11 = arith.addi %scan3A_9, %scan3A_10 : i32
    %scan3A_12 = arith.constant 1 : i32
    scf.for %scan3A_14 = %scan3A_9 to %scan3A_11 step %scan3A_12  : i32 {
      %mul3A_15 = arith.constant 128 : i32
      %mul3A_16 = arith.muli %scan3A_14, %mul3A_15 : i32
      %dma_wait3A = arith.constant 0 : i32
      %dma_wait3A_17 = tpu.memref_slice %arg6[%mul3A_16, %dma_wait3A] : memref<5120x16xf32, #tpu.memory_space<vmem>> -> memref<128x16xf32, #tpu.memory_space<vmem>>
      %dma_wait3A_18 = tpu.memref_slice %arg5[%mul3A_16] : memref<5120xi32, #tpu.memory_space<vmem>> -> memref<128xi32, #tpu.memory_space<vmem>>
      %dma_wait3A_19 = arith.constant 0 : i32
      %dma_wait3A_20 = arith.constant 0 : i32
      %dma_wait3A_21 = tpu.memref_slice %arg2[%dma_wait3A_19, %dma_wait3A_20] : memref<10000x16xf32, #tpu.memory_space<hbm>> -> memref<10000x16xf32, #tpu.memory_space<hbm>>
      tpu.wait_indirect_dma semaphore(%arg7 : memref<!tpu.dma_semaphore, #tpu.memory_space<semaphore_mem>>) src(%dma_wait3A_21 : memref<10000x16xf32, #tpu.memory_space<hbm>>) dst(%dma_wait3A_17 : memref<128x16xf32, #tpu.memory_space<vmem>>)
    }
    %scan3A_13 = arith.constant 40 : i32
    "tpu.region"() ({
      %run_scoped3A = tpu.sem_alloc : memref<!tpu.dma_semaphore, #tpu.memory_space<semaphore_mem>>
      %dma_start3A = arith.constant 0 : i32
      %dma_start3A_14 = tpu.memref_slice %arg4[%mul3A_2, %dma_start3A] : memref<163840x16xf32, #tpu.memory_space<hbm>> -> memref<5120x16xf32, #tpu.memory_space<hbm>>
      %dma_start3A_15 = arith.constant 0 : i32
      %dma_start3A_16 = tpu.memref_slice %arg4[%mul3A_2, %dma_start3A_15] : memref<163840x16xf32, #tpu.memory_space<hbm>> -> memref<5120x16xf32, #tpu.memory_space<hbm>>
      tpu.enqueue_dma source(%arg6 : memref<5120x16xf32, #tpu.memory_space<vmem>>) target(%dma_start3A_16 : memref<5120x16xf32, #tpu.memory_space<hbm>>) target_semaphore(%run_scoped3A : memref<!tpu.dma_semaphore, #tpu.memory_space<semaphore_mem>>)
      %dma_wait3A = arith.constant 0 : i32
      %dma_wait3A_17 = tpu.memref_slice %arg4[%mul3A_2, %dma_wait3A] : memref<163840x16xf32, #tpu.memory_space<hbm>> -> memref<5120x16xf32, #tpu.memory_space<hbm>>
      %dma_wait3A_18 = arith.constant 0 : i32
      %dma_wait3A_19 = tpu.memref_slice %arg4[%mul3A_2, %dma_wait3A_18] : memref<163840x16xf32, #tpu.memory_space<hbm>> -> memref<5120x16xf32, #tpu.memory_space<hbm>>
      tpu.wait_dma2 semaphore(%run_scoped3A : memref<!tpu.dma_semaphore, #tpu.memory_space<semaphore_mem>>) src(%arg6 : memref<5120x16xf32, #tpu.memory_space<vmem>>) dst(%dma_wait3A_19 : memref<5120x16xf32, #tpu.memory_space<hbm>>)
      tpu.yield
    }) : () -> ()
    return
  }
}

#map = affine_map<(d0, d1) -> (0, 0)>
#map1 = affine_map<(d0, d1) -> (0)>
module attributes {stable_mosaic.version = 14 : i64} {
  func.func @_sc_gather0_body(%arg0: i32, %arg1: i32, %arg2: memref<10000x16xf32, #tpu.memory_space<hbm>>, %arg3: memref<163840xi32, #tpu.memory_space<hbm>>, %arg4: memref<163840xi32, #tpu.memory_space<hbm>>, %arg5: memref<10000xf32, #tpu.memory_space<hbm>>, %arg6: memref<10000xf32, #tpu.memory_space<hbm>>, %arg7: memref<10000xf32, #tpu.memory_space<hbm>>, %arg8: memref<163840x16xf32, #tpu.memory_space<hbm>>, %arg9: memref<163840xf32, #tpu.memory_space<hbm>>, %arg10: memref<5120xi32, #tpu.memory_space<vmem>>, %arg11: memref<5120xi32, #tpu.memory_space<vmem>>, %arg12: memref<5120x16xf32, #tpu.memory_space<vmem>>, %arg13: memref<10000xf32, #tpu.memory_space<vmem>>, %arg14: memref<10000xf32, #tpu.memory_space<vmem>>, %arg15: memref<10000xf32, #tpu.memory_space<vmem>>, %arg16: memref<5120xf32, #tpu.memory_space<vmem>>, %arg17: memref<!tpu.dma_semaphore, #tpu.memory_space<semaphore_mem>>) attributes {dimension_semantics = [#tpu.dimension_semantics<core_parallel>, #tpu.dimension_semantics<subcore_parallel>], iteration_bounds = array<i64: 2, 16>, scalar_prefetch = 0 : i64, scratch_operands = 8 : i64, tpu.core_type = #tpu.core_type<sc_vector_subcore>, window_params = [{transform_indices = #map}, {transform_indices = #map1}, {transform_indices = #map1}, {transform_indices = #map1}, {transform_indices = #map1}, {transform_indices = #map1}, {transform_indices = #map}, {transform_indices = #map1}]} {
    %mul3A = arith.constant 2 : i32
    %mul3A_0 = arith.muli %arg1, %mul3A : i32
    %add3A = arith.addi %mul3A_0, %arg0 : i32
    %mul3A_1 = arith.constant 5120 : i32
    %mul3A_2 = arith.muli %add3A, %mul3A_1 : i32
    "tpu.region"() ({
      %run_scoped3A = tpu.sem_alloc : memref<!tpu.dma_semaphore, #tpu.memory_space<semaphore_mem>>
      %dma_start3A = tpu.memref_slice %arg3[%mul3A_2] : memref<163840xi32, #tpu.memory_space<hbm>> -> memref<5120xi32, #tpu.memory_space<hbm>>
      %dma_start3A_20 = tpu.memref_slice %arg3[%mul3A_2] : memref<163840xi32, #tpu.memory_space<hbm>> -> memref<5120xi32, #tpu.memory_space<hbm>>
      tpu.enqueue_dma source(%dma_start3A_20 : memref<5120xi32, #tpu.memory_space<hbm>>) target(%arg10 : memref<5120xi32, #tpu.memory_space<vmem>>) target_semaphore(%run_scoped3A : memref<!tpu.dma_semaphore, #tpu.memory_space<semaphore_mem>>)
      %dma_wait3A = tpu.memref_slice %arg3[%mul3A_2] : memref<163840xi32, #tpu.memory_space<hbm>> -> memref<5120xi32, #tpu.memory_space<hbm>>
      %dma_wait3A_21 = tpu.memref_slice %arg3[%mul3A_2] : memref<163840xi32, #tpu.memory_space<hbm>> -> memref<5120xi32, #tpu.memory_space<hbm>>
      tpu.wait_dma2 semaphore(%run_scoped3A : memref<!tpu.dma_semaphore, #tpu.memory_space<semaphore_mem>>) src(%dma_wait3A_21 : memref<5120xi32, #tpu.memory_space<hbm>>) dst(%arg10 : memref<5120xi32, #tpu.memory_space<vmem>>)
      tpu.yield
    }) : () -> ()
    "tpu.region"() ({
      %run_scoped3A = tpu.sem_alloc : memref<!tpu.dma_semaphore, #tpu.memory_space<semaphore_mem>>
      %dma_start3A = tpu.memref_slice %arg4[%mul3A_2] : memref<163840xi32, #tpu.memory_space<hbm>> -> memref<5120xi32, #tpu.memory_space<hbm>>
      %dma_start3A_20 = tpu.memref_slice %arg4[%mul3A_2] : memref<163840xi32, #tpu.memory_space<hbm>> -> memref<5120xi32, #tpu.memory_space<hbm>>
      tpu.enqueue_dma source(%dma_start3A_20 : memref<5120xi32, #tpu.memory_space<hbm>>) target(%arg11 : memref<5120xi32, #tpu.memory_space<vmem>>) target_semaphore(%run_scoped3A : memref<!tpu.dma_semaphore, #tpu.memory_space<semaphore_mem>>)
      %dma_wait3A = tpu.memref_slice %arg4[%mul3A_2] : memref<163840xi32, #tpu.memory_space<hbm>> -> memref<5120xi32, #tpu.memory_space<hbm>>
      %dma_wait3A_21 = tpu.memref_slice %arg4[%mul3A_2] : memref<163840xi32, #tpu.memory_space<hbm>> -> memref<5120xi32, #tpu.memory_space<hbm>>
      tpu.wait_dma2 semaphore(%run_scoped3A : memref<!tpu.dma_semaphore, #tpu.memory_space<semaphore_mem>>) src(%dma_wait3A_21 : memref<5120xi32, #tpu.memory_space<hbm>>) dst(%arg11 : memref<5120xi32, #tpu.memory_space<vmem>>)
      tpu.yield
    }) : () -> ()
    "tpu.region"() ({
      %run_scoped3A = tpu.sem_alloc : memref<!tpu.dma_semaphore, #tpu.memory_space<semaphore_mem>>
      tpu.enqueue_dma source(%arg5 : memref<10000xf32, #tpu.memory_space<hbm>>) target(%arg13 : memref<10000xf32, #tpu.memory_space<vmem>>) target_semaphore(%run_scoped3A : memref<!tpu.dma_semaphore, #tpu.memory_space<semaphore_mem>>)
      tpu.wait_dma2 semaphore(%run_scoped3A : memref<!tpu.dma_semaphore, #tpu.memory_space<semaphore_mem>>) src(%arg5 : memref<10000xf32, #tpu.memory_space<hbm>>) dst(%arg13 : memref<10000xf32, #tpu.memory_space<vmem>>)
      tpu.yield
    }) : () -> ()
    "tpu.region"() ({
      %run_scoped3A = tpu.sem_alloc : memref<!tpu.dma_semaphore, #tpu.memory_space<semaphore_mem>>
      tpu.enqueue_dma source(%arg6 : memref<10000xf32, #tpu.memory_space<hbm>>) target(%arg14 : memref<10000xf32, #tpu.memory_space<vmem>>) target_semaphore(%run_scoped3A : memref<!tpu.dma_semaphore, #tpu.memory_space<semaphore_mem>>)
      tpu.wait_dma2 semaphore(%run_scoped3A : memref<!tpu.dma_semaphore, #tpu.memory_space<semaphore_mem>>) src(%arg6 : memref<10000xf32, #tpu.memory_space<hbm>>) dst(%arg14 : memref<10000xf32, #tpu.memory_space<vmem>>)
      tpu.yield
    }) : () -> ()
    "tpu.region"() ({
      %run_scoped3A = tpu.sem_alloc : memref<!tpu.dma_semaphore, #tpu.memory_space<semaphore_mem>>
      tpu.enqueue_dma source(%arg7 : memref<10000xf32, #tpu.memory_space<hbm>>) target(%arg15 : memref<10000xf32, #tpu.memory_space<vmem>>) target_semaphore(%run_scoped3A : memref<!tpu.dma_semaphore, #tpu.memory_space<semaphore_mem>>)
      tpu.wait_dma2 semaphore(%run_scoped3A : memref<!tpu.dma_semaphore, #tpu.memory_space<semaphore_mem>>) src(%arg7 : memref<10000xf32, #tpu.memory_space<hbm>>) dst(%arg15 : memref<10000xf32, #tpu.memory_space<vmem>>)
      tpu.yield
    }) : () -> ()
    %scan3A = arith.constant 0 : i32
    %scan3A_3 = arith.constant 0 : i32
    %scan3A_4 = arith.constant 40 : i32
    %scan3A_5 = arith.addi %scan3A_3, %scan3A_4 : i32
    %scan3A_6 = arith.constant 1 : i32
    scf.for %scan3A_20 = %scan3A_3 to %scan3A_5 step %scan3A_6  : i32 {
      %mul3A_21 = arith.constant 128 : i32
      %mul3A_22 = arith.muli %scan3A_20, %mul3A_21 : i32
      %dma_start3A = arith.constant 0 : i32
      %dma_start3A_23 = tpu.memref_slice %arg12[%mul3A_22, %dma_start3A] : memref<5120x16xf32, #tpu.memory_space<vmem>> -> memref<128x16xf32, #tpu.memory_space<vmem>>
      %dma_start3A_24 = tpu.memref_slice %arg10[%mul3A_22] : memref<5120xi32, #tpu.memory_space<vmem>> -> memref<128xi32, #tpu.memory_space<vmem>>
      %dma_start3A_25 = arith.constant 0 : i32
      %dma_start3A_26 = arith.constant 0 : i32
      %dma_start3A_27 = tpu.memref_slice %arg2[%dma_start3A_25, %dma_start3A_26] : memref<10000x16xf32, #tpu.memory_space<hbm>> -> memref<10000x16xf32, #tpu.memory_space<hbm>>
      tpu.enqueue_indirect_dma source(%dma_start3A_27 : memref<10000x16xf32, #tpu.memory_space<hbm>>) target(%dma_start3A_23 : memref<128x16xf32, #tpu.memory_space<vmem>>) offsets(%dma_start3A_24 : memref<128xi32, #tpu.memory_space<vmem>>) semaphore(%arg17 : memref<!tpu.dma_semaphore, #tpu.memory_space<semaphore_mem>>)
    }
    %scan3A_7 = arith.constant 40 : i32
    %scan3A_8 = arith.constant 0 : i32
    %scan3A_9 = arith.constant 0 : i32
    %scan3A_10 = arith.constant 320 : i32
    %scan3A_11 = arith.addi %scan3A_9, %scan3A_10 : i32
    %scan3A_12 = arith.constant 4 : i32
    scf.for %scan3A_20 = %scan3A_9 to %scan3A_11 step %scan3A_12  : i32 {
      %mul3A_21 = arith.constant 16 : i32
      %mul3A_22 = arith.muli %scan3A_20, %mul3A_21 : i32
      %get3A = arith.index_cast %mul3A_22 : i32 to index
      %get3A_23 = tpu.vector_load %arg10[%get3A] {strides = array<i32>} : memref<5120xi32, #tpu.memory_space<vmem>>, vector<16xi32>,
      %mul3A_24 = arith.constant 16 : i32
      %mul3A_25 = arith.muli %scan3A_20, %mul3A_24 : i32
      %get3A_26 = arith.index_cast %mul3A_25 : i32 to index
      %get3A_27 = tpu.vector_load %arg11[%get3A_26] {strides = array<i32>} : memref<5120xi32, #tpu.memory_space<vmem>>, vector<16xi32>,
      %gather3A = tpu.vector_load_idx %arg13[%get3A_23] : memref<10000xf32, #tpu.memory_space<vmem>>[vector<16xi32>], vector<16xf32>,
      %gather3A_28 = tpu.vector_load_idx %arg13[%get3A_27] : memref<10000xf32, #tpu.memory_space<vmem>>[vector<16xi32>], vector<16xf32>,
      %sub3A = arith.subf %gather3A, %gather3A_28 : vector<16xf32>
      %gather3A_29 = tpu.vector_load_idx %arg14[%get3A_23] : memref<10000xf32, #tpu.memory_space<vmem>>[vector<16xi32>], vector<16xf32>,
      %gather3A_30 = tpu.vector_load_idx %arg14[%get3A_27] : memref<10000xf32, #tpu.memory_space<vmem>>[vector<16xi32>], vector<16xf32>,
      %sub3A_31 = arith.subf %gather3A_29, %gather3A_30 : vector<16xf32>
      %gather3A_32 = tpu.vector_load_idx %arg15[%get3A_23] : memref<10000xf32, #tpu.memory_space<vmem>>[vector<16xi32>], vector<16xf32>,
      %gather3A_33 = tpu.vector_load_idx %arg15[%get3A_27] : memref<10000xf32, #tpu.memory_space<vmem>>[vector<16xi32>], vector<16xf32>,
      %sub3A_34 = arith.subf %gather3A_32, %gather3A_33 : vector<16xf32>
      %mul3A_35 = arith.mulf %sub3A, %sub3A : vector<16xf32>
      %mul3A_36 = arith.mulf %sub3A_31, %sub3A_31 : vector<16xf32>
      %add3A_37 = arith.addf %mul3A_35, %mul3A_36 : vector<16xf32>
      %mul3A_38 = arith.mulf %sub3A_34, %sub3A_34 : vector<16xf32>
      %add3A_39 = arith.addf %add3A_37, %mul3A_38 : vector<16xf32>
      %mul3A_40 = arith.constant 16 : i32
      %mul3A_41 = arith.muli %scan3A_20, %mul3A_40 : i32
      %swap3A = arith.index_cast %mul3A_41 : i32 to index
      %swap3A_42 = tpu.vector_load %arg16[%swap3A] {strides = array<i32>} : memref<5120xf32, #tpu.memory_space<vmem>>, vector<16xf32>,
      tpu.vector_store %arg16[%swap3A], %add3A_39 {strides = array<i32>} : memref<5120xf32, #tpu.memory_space<vmem>>, vector<16xf32>,
      %scan3A_43 = arith.constant 1 : i32
      %scan3A_44 = arith.addi %scan3A_20, %scan3A_43 : i32
      %mul3A_45 = arith.constant 16 : i32
      %mul3A_46 = arith.muli %scan3A_44, %mul3A_45 : i32
      %get3A_47 = arith.index_cast %mul3A_46 : i32 to index
      %get3A_48 = tpu.vector_load %arg10[%get3A_47] {strides = array<i32>} : memref<5120xi32, #tpu.memory_space<vmem>>, vector<16xi32>,
      %mul3A_49 = arith.constant 16 : i32
      %mul3A_50 = arith.muli %scan3A_44, %mul3A_49 : i32
      %get3A_51 = arith.index_cast %mul3A_50 : i32 to index
      %get3A_52 = tpu.vector_load %arg11[%get3A_51] {strides = array<i32>} : memref<5120xi32, #tpu.memory_space<vmem>>, vector<16xi32>,
      %gather3A_53 = tpu.vector_load_idx %arg13[%get3A_48] : memref<10000xf32, #tpu.memory_space<vmem>>[vector<16xi32>], vector<16xf32>,
      %gather3A_54 = tpu.vector_load_idx %arg13[%get3A_52] : memref<10000xf32, #tpu.memory_space<vmem>>[vector<16xi32>], vector<16xf32>,
      %sub3A_55 = arith.subf %gather3A_53, %gather3A_54 : vector<16xf32>
      %gather3A_56 = tpu.vector_load_idx %arg14[%get3A_48] : memref<10000xf32, #tpu.memory_space<vmem>>[vector<16xi32>], vector<16xf32>,
      %gather3A_57 = tpu.vector_load_idx %arg14[%get3A_52] : memref<10000xf32, #tpu.memory_space<vmem>>[vector<16xi32>], vector<16xf32>,
      %sub3A_58 = arith.subf %gather3A_56, %gather3A_57 : vector<16xf32>
      %gather3A_59 = tpu.vector_load_idx %arg15[%get3A_48] : memref<10000xf32, #tpu.memory_space<vmem>>[vector<16xi32>], vector<16xf32>,
      %gather3A_60 = tpu.vector_load_idx %arg15[%get3A_52] : memref<10000xf32, #tpu.memory_space<vmem>>[vector<16xi32>], vector<16xf32>,
      %sub3A_61 = arith.subf %gather3A_59, %gather3A_60 : vector<16xf32>
      %mul3A_62 = arith.mulf %sub3A_55, %sub3A_55 : vector<16xf32>
      %mul3A_63 = arith.mulf %sub3A_58, %sub3A_58 : vector<16xf32>
      %add3A_64 = arith.addf %mul3A_62, %mul3A_63 : vector<16xf32>
      %mul3A_65 = arith.mulf %sub3A_61, %sub3A_61 : vector<16xf32>
      %add3A_66 = arith.addf %add3A_64, %mul3A_65 : vector<16xf32>
      %mul3A_67 = arith.constant 16 : i32
      %mul3A_68 = arith.muli %scan3A_44, %mul3A_67 : i32
      %swap3A_69 = arith.index_cast %mul3A_68 : i32 to index
      %swap3A_70 = tpu.vector_load %arg16[%swap3A_69] {strides = array<i32>} : memref<5120xf32, #tpu.memory_space<vmem>>, vector<16xf32>,
      tpu.vector_store %arg16[%swap3A_69], %add3A_66 {strides = array<i32>} : memref<5120xf32, #tpu.memory_space<vmem>>, vector<16xf32>,
      %scan3A_71 = arith.constant 2 : i32
      %scan3A_72 = arith.addi %scan3A_20, %scan3A_71 : i32
      %mul3A_73 = arith.constant 16 : i32
      %mul3A_74 = arith.muli %scan3A_72, %mul3A_73 : i32
      %get3A_75 = arith.index_cast %mul3A_74 : i32 to index
      %get3A_76 = tpu.vector_load %arg10[%get3A_75] {strides = array<i32>} : memref<5120xi32, #tpu.memory_space<vmem>>, vector<16xi32>,
      %mul3A_77 = arith.constant 16 : i32
      %mul3A_78 = arith.muli %scan3A_72, %mul3A_77 : i32
      %get3A_79 = arith.index_cast %mul3A_78 : i32 to index
      %get3A_80 = tpu.vector_load %arg11[%get3A_79] {strides = array<i32>} : memref<5120xi32, #tpu.memory_space<vmem>>, vector<16xi32>,
      %gather3A_81 = tpu.vector_load_idx %arg13[%get3A_76] : memref<10000xf32, #tpu.memory_space<vmem>>[vector<16xi32>], vector<16xf32>,
      %gather3A_82 = tpu.vector_load_idx %arg13[%get3A_80] : memref<10000xf32, #tpu.memory_space<vmem>>[vector<16xi32>], vector<16xf32>,
      %sub3A_83 = arith.subf %gather3A_81, %gather3A_82 : vector<16xf32>
      %gather3A_84 = tpu.vector_load_idx %arg14[%get3A_76] : memref<10000xf32, #tpu.memory_space<vmem>>[vector<16xi32>], vector<16xf32>,
      %gather3A_85 = tpu.vector_load_idx %arg14[%get3A_80] : memref<10000xf32, #tpu.memory_space<vmem>>[vector<16xi32>], vector<16xf32>,
      %sub3A_86 = arith.subf %gather3A_84, %gather3A_85 : vector<16xf32>
      %gather3A_87 = tpu.vector_load_idx %arg15[%get3A_76] : memref<10000xf32, #tpu.memory_space<vmem>>[vector<16xi32>], vector<16xf32>,
      %gather3A_88 = tpu.vector_load_idx %arg15[%get3A_80] : memref<10000xf32, #tpu.memory_space<vmem>>[vector<16xi32>], vector<16xf32>,
      %sub3A_89 = arith.subf %gather3A_87, %gather3A_88 : vector<16xf32>
      %mul3A_90 = arith.mulf %sub3A_83, %sub3A_83 : vector<16xf32>
      %mul3A_91 = arith.mulf %sub3A_86, %sub3A_86 : vector<16xf32>
      %add3A_92 = arith.addf %mul3A_90, %mul3A_91 : vector<16xf32>
      %mul3A_93 = arith.mulf %sub3A_89, %sub3A_89 : vector<16xf32>
      %add3A_94 = arith.addf %add3A_92, %mul3A_93 : vector<16xf32>
      %mul3A_95 = arith.constant 16 : i32
      %mul3A_96 = arith.muli %scan3A_72, %mul3A_95 : i32
      %swap3A_97 = arith.index_cast %mul3A_96 : i32 to index
      %swap3A_98 = tpu.vector_load %arg16[%swap3A_97] {strides = array<i32>} : memref<5120xf32, #tpu.memory_space<vmem>>, vector<16xf32>,
      tpu.vector_store %arg16[%swap3A_97], %add3A_94 {strides = array<i32>} : memref<5120xf32, #tpu.memory_space<vmem>>, vector<16xf32>,
      %scan3A_99 = arith.constant 3 : i32
      %scan3A_100 = arith.addi %scan3A_20, %scan3A_99 : i32
      %mul3A_101 = arith.constant 16 : i32
      %mul3A_102 = arith.muli %scan3A_100, %mul3A_101 : i32
      %get3A_103 = arith.index_cast %mul3A_102 : i32 to index
      %get3A_104 = tpu.vector_load %arg10[%get3A_103] {strides = array<i32>} : memref<5120xi32, #tpu.memory_space<vmem>>, vector<16xi32>,
      %mul3A_105 = arith.constant 16 : i32
      %mul3A_106 = arith.muli %scan3A_100, %mul3A_105 : i32
      %get3A_107 = arith.index_cast %mul3A_106 : i32 to index
      %get3A_108 = tpu.vector_load %arg11[%get3A_107] {strides = array<i32>} : memref<5120xi32, #tpu.memory_space<vmem>>, vector<16xi32>,
      %gather3A_109 = tpu.vector_load_idx %arg13[%get3A_104] : memref<10000xf32, #tpu.memory_space<vmem>>[vector<16xi32>], vector<16xf32>,
      %gather3A_110 = tpu.vector_load_idx %arg13[%get3A_108] : memref<10000xf32, #tpu.memory_space<vmem>>[vector<16xi32>], vector<16xf32>,
      %sub3A_111 = arith.subf %gather3A_109, %gather3A_110 : vector<16xf32>
      %gather3A_112 = tpu.vector_load_idx %arg14[%get3A_104] : memref<10000xf32, #tpu.memory_space<vmem>>[vector<16xi32>], vector<16xf32>,
      %gather3A_113 = tpu.vector_load_idx %arg14[%get3A_108] : memref<10000xf32, #tpu.memory_space<vmem>>[vector<16xi32>], vector<16xf32>,
      %sub3A_114 = arith.subf %gather3A_112, %gather3A_113 : vector<16xf32>
      %gather3A_115 = tpu.vector_load_idx %arg15[%get3A_104] : memref<10000xf32, #tpu.memory_space<vmem>>[vector<16xi32>], vector<16xf32>,
      %gather3A_116 = tpu.vector_load_idx %arg15[%get3A_108] : memref<10000xf32, #tpu.memory_space<vmem>>[vector<16xi32>], vector<16xf32>,
      %sub3A_117 = arith.subf %gather3A_115, %gather3A_116 : vector<16xf32>
      %mul3A_118 = arith.mulf %sub3A_111, %sub3A_111 : vector<16xf32>
      %mul3A_119 = arith.mulf %sub3A_114, %sub3A_114 : vector<16xf32>
      %add3A_120 = arith.addf %mul3A_118, %mul3A_119 : vector<16xf32>
      %mul3A_121 = arith.mulf %sub3A_117, %sub3A_117 : vector<16xf32>
      %add3A_122 = arith.addf %add3A_120, %mul3A_121 : vector<16xf32>
      %mul3A_123 = arith.constant 16 : i32
      %mul3A_124 = arith.muli %scan3A_100, %mul3A_123 : i32
      %swap3A_125 = arith.index_cast %mul3A_124 : i32 to index
      %swap3A_126 = tpu.vector_load %arg16[%swap3A_125] {strides = array<i32>} : memref<5120xf32, #tpu.memory_space<vmem>>, vector<16xf32>,
      tpu.vector_store %arg16[%swap3A_125], %add3A_122 {strides = array<i32>} : memref<5120xf32, #tpu.memory_space<vmem>>, vector<16xf32>,
    }
    %scan3A_13 = arith.constant 320 : i32
    "tpu.region"() ({
      %run_scoped3A = tpu.sem_alloc : memref<!tpu.dma_semaphore, #tpu.memory_space<semaphore_mem>>
      %dma_start3A = tpu.memref_slice %arg9[%mul3A_2] : memref<163840xf32, #tpu.memory_space<hbm>> -> memref<5120xf32, #tpu.memory_space<hbm>>
      %dma_start3A_20 = tpu.memref_slice %arg9[%mul3A_2] : memref<163840xf32, #tpu.memory_space<hbm>> -> memref<5120xf32, #tpu.memory_space<hbm>>
      tpu.enqueue_dma source(%arg16 : memref<5120xf32, #tpu.memory_space<vmem>>) target(%dma_start3A_20 : memref<5120xf32, #tpu.memory_space<hbm>>) target_semaphore(%run_scoped3A : memref<!tpu.dma_semaphore, #tpu.memory_space<semaphore_mem>>)
      %dma_wait3A = tpu.memref_slice %arg9[%mul3A_2] : memref<163840xf32, #tpu.memory_space<hbm>> -> memref<5120xf32, #tpu.memory_space<hbm>>
      %dma_wait3A_21 = tpu.memref_slice %arg9[%mul3A_2] : memref<163840xf32, #tpu.memory_space<hbm>> -> memref<5120xf32, #tpu.memory_space<hbm>>
      tpu.wait_dma2 semaphore(%run_scoped3A : memref<!tpu.dma_semaphore, #tpu.memory_space<semaphore_mem>>) src(%arg16 : memref<5120xf32, #tpu.memory_space<vmem>>) dst(%dma_wait3A_21 : memref<5120xf32, #tpu.memory_space<hbm>>)
      tpu.yield
    }) : () -> ()
    %scan3A_14 = arith.constant 0 : i32
    %scan3A_15 = arith.constant 0 : i32
    %scan3A_16 = arith.constant 40 : i32
    %scan3A_17 = arith.addi %scan3A_15, %scan3A_16 : i32
    %scan3A_18 = arith.constant 1 : i32
    scf.for %scan3A_20 = %scan3A_15 to %scan3A_17 step %scan3A_18  : i32 {
      %mul3A_21 = arith.constant 128 : i32
      %mul3A_22 = arith.muli %scan3A_20, %mul3A_21 : i32
      %dma_wait3A = arith.constant 0 : i32
      %dma_wait3A_23 = tpu.memref_slice %arg12[%mul3A_22, %dma_wait3A] : memref<5120x16xf32, #tpu.memory_space<vmem>> -> memref<128x16xf32, #tpu.memory_space<vmem>>
      %dma_wait3A_24 = tpu.memref_slice %arg10[%mul3A_22] : memref<5120xi32, #tpu.memory_space<vmem>> -> memref<128xi32, #tpu.memory_space<vmem>>
      %dma_wait3A_25 = arith.constant 0 : i32
      %dma_wait3A_26 = arith.constant 0 : i32
      %dma_wait3A_27 = tpu.memref_slice %arg2[%dma_wait3A_25, %dma_wait3A_26] : memref<10000x16xf32, #tpu.memory_space<hbm>> -> memref<10000x16xf32, #tpu.memory_space<hbm>>
      tpu.wait_indirect_dma semaphore(%arg17 : memref<!tpu.dma_semaphore, #tpu.memory_space<semaphore_mem>>) src(%dma_wait3A_27 : memref<10000x16xf32, #tpu.memory_space<hbm>>) dst(%dma_wait3A_23 : memref<128x16xf32, #tpu.memory_space<vmem>>)
    }
    %scan3A_19 = arith.constant 40 : i32
    "tpu.region"() ({
      %run_scoped3A = tpu.sem_alloc : memref<!tpu.dma_semaphore, #tpu.memory_space<semaphore_mem>>
      %dma_start3A = arith.constant 0 : i32
      %dma_start3A_20 = tpu.memref_slice %arg8[%mul3A_2, %dma_start3A] : memref<163840x16xf32, #tpu.memory_space<hbm>> -> memref<5120x16xf32, #tpu.memory_space<hbm>>
      %dma_start3A_21 = arith.constant 0 : i32
      %dma_start3A_22 = tpu.memref_slice %arg8[%mul3A_2, %dma_start3A_21] : memref<163840x16xf32, #tpu.memory_space<hbm>> -> memref<5120x16xf32, #tpu.memory_space<hbm>>
      tpu.enqueue_dma source(%arg12 : memref<5120x16xf32, #tpu.memory_space<vmem>>) target(%dma_start3A_22 : memref<5120x16xf32, #tpu.memory_space<hbm>>) target_semaphore(%run_scoped3A : memref<!tpu.dma_semaphore, #tpu.memory_space<semaphore_mem>>)
      %dma_wait3A = arith.constant 0 : i32
      %dma_wait3A_23 = tpu.memref_slice %arg8[%mul3A_2, %dma_wait3A] : memref<163840x16xf32, #tpu.memory_space<hbm>> -> memref<5120x16xf32, #tpu.memory_space<hbm>>
      %dma_wait3A_24 = arith.constant 0 : i32
      %dma_wait3A_25 = tpu.memref_slice %arg8[%mul3A_2, %dma_wait3A_24] : memref<163840x16xf32, #tpu.memory_space<hbm>> -> memref<5120x16xf32, #tpu.memory_space<hbm>>
      tpu.wait_dma2 semaphore(%run_scoped3A : memref<!tpu.dma_semaphore, #tpu.memory_space<semaphore_mem>>) src(%arg12 : memref<5120x16xf32, #tpu.memory_space<vmem>>) dst(%dma_wait3A_25 : memref<5120x16xf32, #tpu.memory_space<hbm>>)
      tpu.yield
    }) : () -> ()
    return
  }
}

#map = affine_map<(d0, d1) -> (0, 0)>
#map1 = affine_map<(d0, d1) -> (0, 0, 0)>
module attributes {stable_mosaic.version = 14 : i64} {
  func.func @_sc_scatter_body(%arg0: i32, %arg1: i32, %arg2: memref<163840x16xf32, #tpu.memory_space<hbm>>, %arg3: memref<32x40x128xi32, #tpu.memory_space<hbm>>, %arg4: memref<10240x16xf32, #tpu.memory_space<hbm>>, %arg5: memref<2x10000x16xf32, #tpu.memory_space<hbm>>, %arg6: memref<40x128xi32, #tpu.memory_space<vmem>>, %arg7: memref<5120x16xf32, #tpu.memory_space<vmem>>, %arg8: memref<10240x16xf32, #tpu.memory_space<vmem_shared>>, %arg9: memref<!tpu.dma_semaphore, #tpu.memory_space<semaphore_mem>>) attributes {dimension_semantics = [#tpu.dimension_semantics<core_parallel>, #tpu.dimension_semantics<subcore_parallel>], iteration_bounds = array<i64: 2, 16>, scalar_prefetch = 0 : i64, scratch_operands = 4 : i64, tpu.core_type = #tpu.core_type<sc_vector_subcore>, window_params = [{transform_indices = #map}, {transform_indices = #map1}, {transform_indices = #map}, {transform_indices = #map1}]} {
    %mul3A = arith.constant 2 : i32
    %mul3A_0 = arith.muli %arg1, %mul3A : i32
    %add3A = arith.addi %mul3A_0, %arg0 : i32
    %mul3A_1 = arith.constant 5120 : i32
    %mul3A_2 = arith.muli %add3A, %mul3A_1 : i32
    "tpu.region"() ({
      %run_scoped3A = tpu.sem_alloc : memref<!tpu.dma_semaphore, #tpu.memory_space<semaphore_mem>>
      %dma_start3A = arith.constant 0 : i32
      %dma_start3A_23 = arith.constant 0 : i32
      %dma_start3A_24 = tpu.memref_slice %arg3[%add3A, %dma_start3A, %dma_start3A_23] : memref<32x40x128xi32, #tpu.memory_space<hbm>> -> memref<1x40x128xi32, #tpu.memory_space<hbm>>
      %dma_start3A_25 = tpu.memref_squeeze %dma_start3A_24 : memref<1x40x128xi32, #tpu.memory_space<hbm>> -> memref<40x128xi32, #tpu.memory_space<hbm>>
      %dma_start3A_26 = arith.constant 0 : i32
      %dma_start3A_27 = arith.constant 0 : i32
      %dma_start3A_28 = tpu.memref_slice %arg3[%add3A, %dma_start3A_26, %dma_start3A_27] : memref<32x40x128xi32, #tpu.memory_space<hbm>> -> memref<1x40x128xi32, #tpu.memory_space<hbm>>
      %dma_start3A_29 = tpu.memref_squeeze %dma_start3A_28 : memref<1x40x128xi32, #tpu.memory_space<hbm>> -> memref<40x128xi32, #tpu.memory_space<hbm>>
      tpu.enqueue_dma source(%dma_start3A_29 : memref<40x128xi32, #tpu.memory_space<hbm>>) target(%arg6 : memref<40x128xi32, #tpu.memory_space<vmem>>) target_semaphore(%run_scoped3A : memref<!tpu.dma_semaphore, #tpu.memory_space<semaphore_mem>>)
      %dma_wait3A = arith.constant 0 : i32
      %dma_wait3A_30 = arith.constant 0 : i32
      %dma_wait3A_31 = tpu.memref_slice %arg3[%add3A, %dma_wait3A, %dma_wait3A_30] : memref<32x40x128xi32, #tpu.memory_space<hbm>> -> memref<1x40x128xi32, #tpu.memory_space<hbm>>
      %dma_wait3A_32 = tpu.memref_squeeze %dma_wait3A_31 : memref<1x40x128xi32, #tpu.memory_space<hbm>> -> memref<40x128xi32, #tpu.memory_space<hbm>>
      %dma_wait3A_33 = arith.constant 0 : i32
      %dma_wait3A_34 = arith.constant 0 : i32
      %dma_wait3A_35 = tpu.memref_slice %arg3[%add3A, %dma_wait3A_33, %dma_wait3A_34] : memref<32x40x128xi32, #tpu.memory_space<hbm>> -> memref<1x40x128xi32, #tpu.memory_space<hbm>>
      %dma_wait3A_36 = tpu.memref_squeeze %dma_wait3A_35 : memref<1x40x128xi32, #tpu.memory_space<hbm>> -> memref<40x128xi32, #tpu.memory_space<hbm>>
      tpu.wait_dma2 semaphore(%run_scoped3A : memref<!tpu.dma_semaphore, #tpu.memory_space<semaphore_mem>>) src(%dma_wait3A_36 : memref<40x128xi32, #tpu.memory_space<hbm>>) dst(%arg6 : memref<40x128xi32, #tpu.memory_space<vmem>>)
      tpu.yield
    }) : () -> ()
    "tpu.region"() ({
      %run_scoped3A = tpu.sem_alloc : memref<!tpu.dma_semaphore, #tpu.memory_space<semaphore_mem>>
      %dma_start3A = arith.constant 0 : i32
      %dma_start3A_23 = tpu.memref_slice %arg2[%mul3A_2, %dma_start3A] : memref<163840x16xf32, #tpu.memory_space<hbm>> -> memref<5120x16xf32, #tpu.memory_space<hbm>>
      %dma_start3A_24 = arith.constant 0 : i32
      %dma_start3A_25 = tpu.memref_slice %arg2[%mul3A_2, %dma_start3A_24] : memref<163840x16xf32, #tpu.memory_space<hbm>> -> memref<5120x16xf32, #tpu.memory_space<hbm>>
      tpu.enqueue_dma source(%dma_start3A_25 : memref<5120x16xf32, #tpu.memory_space<hbm>>) target(%arg7 : memref<5120x16xf32, #tpu.memory_space<vmem>>) target_semaphore(%run_scoped3A : memref<!tpu.dma_semaphore, #tpu.memory_space<semaphore_mem>>)
      %dma_wait3A = arith.constant 0 : i32
      %dma_wait3A_26 = tpu.memref_slice %arg2[%mul3A_2, %dma_wait3A] : memref<163840x16xf32, #tpu.memory_space<hbm>> -> memref<5120x16xf32, #tpu.memory_space<hbm>>
      %dma_wait3A_27 = arith.constant 0 : i32
      %dma_wait3A_28 = tpu.memref_slice %arg2[%mul3A_2, %dma_wait3A_27] : memref<163840x16xf32, #tpu.memory_space<hbm>> -> memref<5120x16xf32, #tpu.memory_space<hbm>>
      tpu.wait_dma2 semaphore(%run_scoped3A : memref<!tpu.dma_semaphore, #tpu.memory_space<semaphore_mem>>) src(%dma_wait3A_28 : memref<5120x16xf32, #tpu.memory_space<hbm>>) dst(%arg7 : memref<5120x16xf32, #tpu.memory_space<vmem>>)
      tpu.yield
    }) : () -> ()
    %mul3A_3 = arith.constant 640 : i32
    %mul3A_4 = arith.muli %arg1, %mul3A_3 : i32
    %mul3A_5 = arith.constant 640 : i32
    %mul3A_6 = arith.muli %arg1, %mul3A_5 : i32
    "tpu.region"() ({
      %run_scoped3A = tpu.sem_alloc : memref<!tpu.dma_semaphore, #tpu.memory_space<semaphore_mem>>
      %dma_start3A = arith.constant 0 : i32
      %dma_start3A_23 = tpu.memref_slice %arg8[%mul3A_6, %dma_start3A] : memref<10240x16xf32, #tpu.memory_space<vmem_shared>> -> memref<640x16xf32, #tpu.memory_space<vmem_shared>>
      %dma_start3A_24 = arith.constant 0 : i32
      %dma_start3A_25 = tpu.memref_slice %arg4[%mul3A_4, %dma_start3A_24] : memref<10240x16xf32, #tpu.memory_space<hbm>> -> memref<640x16xf32, #tpu.memory_space<hbm>>
      tpu.enqueue_dma source(%dma_start3A_25 : memref<640x16xf32, #tpu.memory_space<hbm>>) target(%dma_start3A_23 : memref<640x16xf32, #tpu.memory_space<vmem_shared>>) target_semaphore(%run_scoped3A : memref<!tpu.dma_semaphore, #tpu.memory_space<semaphore_mem>>)
      %dma_wait3A = arith.constant 0 : i32
      %dma_wait3A_26 = tpu.memref_slice %arg8[%mul3A_6, %dma_wait3A] : memref<10240x16xf32, #tpu.memory_space<vmem_shared>> -> memref<640x16xf32, #tpu.memory_space<vmem_shared>>
      %dma_wait3A_27 = arith.constant 0 : i32
      %dma_wait3A_28 = tpu.memref_slice %arg4[%mul3A_4, %dma_wait3A_27] : memref<10240x16xf32, #tpu.memory_space<hbm>> -> memref<640x16xf32, #tpu.memory_space<hbm>>
      tpu.wait_dma2 semaphore(%run_scoped3A : memref<!tpu.dma_semaphore, #tpu.memory_space<semaphore_mem>>) src(%dma_wait3A_28 : memref<640x16xf32, #tpu.memory_space<hbm>>) dst(%dma_wait3A_26 : memref<640x16xf32, #tpu.memory_space<vmem_shared>>)
      tpu.yield
    }) : () -> ()
    %barrier3A = arith.constant 0 : index
    tpu.barrier barrier_id(%barrier3A)
    %scan3A = arith.constant 0 : i32
    %scan3A_7 = arith.constant 0 : i32
    %scan3A_8 = arith.constant 40 : i32
    %scan3A_9 = arith.addi %scan3A_7, %scan3A_8 : i32
    %scan3A_10 = arith.constant 1 : i32
    scf.for %scan3A_23 = %scan3A_7 to %scan3A_9 step %scan3A_10  : i32 {
      %mul3A_24 = arith.constant 128 : i32
      %mul3A_25 = arith.muli %scan3A_23, %mul3A_24 : i32
      %dma_start3A = arith.constant 0 : i32
      %dma_start3A_26 = tpu.memref_slice %arg7[%mul3A_25, %dma_start3A] : memref<5120x16xf32, #tpu.memory_space<vmem>> -> memref<128x16xf32, #tpu.memory_space<vmem>>
      %dma_start3A_27 = arith.constant 0 : i32
      %dma_start3A_28 = tpu.memref_slice %arg6[%scan3A_23, %dma_start3A_27] : memref<40x128xi32, #tpu.memory_space<vmem>> -> memref<1x128xi32, #tpu.memory_space<vmem>>
      %dma_start3A_29 = tpu.memref_squeeze %dma_start3A_28 : memref<1x128xi32, #tpu.memory_space<vmem>> -> memref<128xi32, #tpu.memory_space<vmem>>
      %dma_start3A_30 = arith.constant 0 : i32
      %dma_start3A_31 = arith.constant 0 : i32
      %dma_start3A_32 = tpu.memref_slice %arg8[%dma_start3A_30, %dma_start3A_31] : memref<10240x16xf32, #tpu.memory_space<vmem_shared>> -> memref<10240x16xf32, #tpu.memory_space<vmem_shared>>
      tpu.enqueue_indirect_dma source(%dma_start3A_26 : memref<128x16xf32, #tpu.memory_space<vmem>>) target(%dma_start3A_32 : memref<10240x16xf32, #tpu.memory_space<vmem_shared>>) offsets(%dma_start3A_29 : memref<128xi32, #tpu.memory_space<vmem>>) semaphore(%arg9 : memref<!tpu.dma_semaphore, #tpu.memory_space<semaphore_mem>>) {add = true}
    }
    %scan3A_11 = arith.constant 40 : i32
    %scan3A_12 = arith.constant 0 : i32
    %scan3A_13 = arith.constant 0 : i32
    %scan3A_14 = arith.constant 40 : i32
    %scan3A_15 = arith.addi %scan3A_13, %scan3A_14 : i32
    %scan3A_16 = arith.constant 1 : i32
    scf.for %scan3A_23 = %scan3A_13 to %scan3A_15 step %scan3A_16  : i32 {
      %mul3A_24 = arith.constant 128 : i32
      %mul3A_25 = arith.muli %scan3A_23, %mul3A_24 : i32
      %dma_wait3A = arith.constant 0 : i32
      %dma_wait3A_26 = tpu.memref_slice %arg7[%mul3A_25, %dma_wait3A] : memref<5120x16xf32, #tpu.memory_space<vmem>> -> memref<128x16xf32, #tpu.memory_space<vmem>>
      %dma_wait3A_27 = arith.constant 0 : i32
      %dma_wait3A_28 = tpu.memref_slice %arg6[%scan3A_23, %dma_wait3A_27] : memref<40x128xi32, #tpu.memory_space<vmem>> -> memref<1x128xi32, #tpu.memory_space<vmem>>
      %dma_wait3A_29 = tpu.memref_squeeze %dma_wait3A_28 : memref<1x128xi32, #tpu.memory_space<vmem>> -> memref<128xi32, #tpu.memory_space<vmem>>
      %dma_wait3A_30 = arith.constant 0 : i32
      %dma_wait3A_31 = arith.constant 0 : i32
      %dma_wait3A_32 = tpu.memref_slice %arg8[%dma_wait3A_30, %dma_wait3A_31] : memref<10240x16xf32, #tpu.memory_space<vmem_shared>> -> memref<10240x16xf32, #tpu.memory_space<vmem_shared>>
      tpu.wait_indirect_dma semaphore(%arg9 : memref<!tpu.dma_semaphore, #tpu.memory_space<semaphore_mem>>) src(%dma_wait3A_26 : memref<128x16xf32, #tpu.memory_space<vmem>>) dst(%dma_wait3A_32 : memref<10240x16xf32, #tpu.memory_space<vmem_shared>>)
    }
    %scan3A_17 = arith.constant 40 : i32
    %barrier3A_18 = arith.constant 0 : index
    tpu.barrier barrier_id(%barrier3A_18)
    %mul3A_19 = arith.constant 625 : i32
    %mul3A_20 = arith.muli %arg1, %mul3A_19 : i32
    %mul3A_21 = arith.constant 625 : i32
    %mul3A_22 = arith.muli %arg1, %mul3A_21 : i32
    "tpu.region"() ({
      %run_scoped3A = tpu.sem_alloc : memref<!tpu.dma_semaphore, #tpu.memory_space<semaphore_mem>>
      %dma_start3A = arith.constant 0 : i32
      %dma_start3A_23 = arith.constant 0 : i32
      %dma_start3A_24 = tpu.memref_slice %arg5[%arg0, %dma_start3A, %dma_start3A_23] : memref<2x10000x16xf32, #tpu.memory_space<hbm>> -> memref<1x10000x16xf32, #tpu.memory_space<hbm>>
      %dma_start3A_25 = tpu.memref_squeeze %dma_start3A_24 : memref<1x10000x16xf32, #tpu.memory_space<hbm>> -> memref<10000x16xf32, #tpu.memory_space<hbm>>
      %dma_start3A_26 = arith.constant 0 : i32
      %dma_start3A_27 = tpu.memref_slice %dma_start3A_25[%mul3A_22, %dma_start3A_26] : memref<10000x16xf32, #tpu.memory_space<hbm>> -> memref<625x16xf32, #tpu.memory_space<hbm>>
      %dma_start3A_28 = arith.constant 0 : i32
      %dma_start3A_29 = tpu.memref_slice %arg8[%mul3A_20, %dma_start3A_28] : memref<10240x16xf32, #tpu.memory_space<vmem_shared>> -> memref<625x16xf32, #tpu.memory_space<vmem_shared>>
      tpu.enqueue_dma source(%dma_start3A_29 : memref<625x16xf32, #tpu.memory_space<vmem_shared>>) target(%dma_start3A_27 : memref<625x16xf32, #tpu.memory_space<hbm>>) target_semaphore(%run_scoped3A : memref<!tpu.dma_semaphore, #tpu.memory_space<semaphore_mem>>)
      %dma_wait3A = arith.constant 0 : i32
      %dma_wait3A_30 = arith.constant 0 : i32
      %dma_wait3A_31 = tpu.memref_slice %arg5[%arg0, %dma_wait3A, %dma_wait3A_30] : memref<2x10000x16xf32, #tpu.memory_space<hbm>> -> memref<1x10000x16xf32, #tpu.memory_space<hbm>>
      %dma_wait3A_32 = tpu.memref_squeeze %dma_wait3A_31 : memref<1x10000x16xf32, #tpu.memory_space<hbm>> -> memref<10000x16xf32, #tpu.memory_space<hbm>>
      %dma_wait3A_33 = arith.constant 0 : i32
      %dma_wait3A_34 = tpu.memref_slice %dma_wait3A_32[%mul3A_22, %dma_wait3A_33] : memref<10000x16xf32, #tpu.memory_space<hbm>> -> memref<625x16xf32, #tpu.memory_space<hbm>>
      %dma_wait3A_35 = arith.constant 0 : i32
      %dma_wait3A_36 = tpu.memref_slice %arg8[%mul3A_20, %dma_wait3A_35] : memref<10240x16xf32, #tpu.memory_space<vmem_shared>> -> memref<625x16xf32, #tpu.memory_space<vmem_shared>>
      tpu.wait_dma2 semaphore(%run_scoped3A : memref<!tpu.dma_semaphore, #tpu.memory_space<semaphore_mem>>) src(%dma_wait3A_36 : memref<625x16xf32, #tpu.memory_space<vmem_shared>>) dst(%dma_wait3A_34 : memref<625x16xf32, #tpu.memory_space<hbm>>)
      tpu.yield
    }) : () -> ()
    return
  }
}

#map = affine_map<(d0, d1) -> (0, 0)>
#map1 = affine_map<(d0, d1) -> (0, 0, 0)>
module attributes {stable_mosaic.version = 14 : i64} {
  func.func @_sc_scatter_body(%arg0: i32, %arg1: i32, %arg2: memref<163840x16xf32, #tpu.memory_space<hbm>>, %arg3: memref<32x40x128xi32, #tpu.memory_space<hbm>>, %arg4: memref<10240x16xf32, #tpu.memory_space<hbm>>, %arg5: memref<2x10000x16xf32, #tpu.memory_space<hbm>>, %arg6: memref<40x128xi32, #tpu.memory_space<vmem>>, %arg7: memref<5120x16xf32, #tpu.memory_space<vmem>>, %arg8: memref<10240x16xf32, #tpu.memory_space<vmem_shared>>, %arg9: memref<!tpu.dma_semaphore, #tpu.memory_space<semaphore_mem>>) attributes {dimension_semantics = [#tpu.dimension_semantics<core_parallel>, #tpu.dimension_semantics<subcore_parallel>], iteration_bounds = array<i64: 2, 16>, scalar_prefetch = 0 : i64, scratch_operands = 4 : i64, tpu.core_type = #tpu.core_type<sc_vector_subcore>, window_params = [{transform_indices = #map}, {transform_indices = #map1}, {transform_indices = #map}, {transform_indices = #map1}]} {
    %mul3A = arith.constant 2 : i32
    %mul3A_0 = arith.muli %arg1, %mul3A : i32
    %add3A = arith.addi %mul3A_0, %arg0 : i32
    %mul3A_1 = arith.constant 5120 : i32
    %mul3A_2 = arith.muli %add3A, %mul3A_1 : i32
    "tpu.region"() ({
      %run_scoped3A = tpu.sem_alloc : memref<!tpu.dma_semaphore, #tpu.memory_space<semaphore_mem>>
      %dma_start3A = arith.constant 0 : i32
      %dma_start3A_23 = arith.constant 0 : i32
      %dma_start3A_24 = tpu.memref_slice %arg3[%add3A, %dma_start3A, %dma_start3A_23] : memref<32x40x128xi32, #tpu.memory_space<hbm>> -> memref<1x40x128xi32, #tpu.memory_space<hbm>>
      %dma_start3A_25 = tpu.memref_squeeze %dma_start3A_24 : memref<1x40x128xi32, #tpu.memory_space<hbm>> -> memref<40x128xi32, #tpu.memory_space<hbm>>
      %dma_start3A_26 = arith.constant 0 : i32
      %dma_start3A_27 = arith.constant 0 : i32
      %dma_start3A_28 = tpu.memref_slice %arg3[%add3A, %dma_start3A_26, %dma_start3A_27] : memref<32x40x128xi32, #tpu.memory_space<hbm>> -> memref<1x40x128xi32, #tpu.memory_space<hbm>>
      %dma_start3A_29 = tpu.memref_squeeze %dma_start3A_28 : memref<1x40x128xi32, #tpu.memory_space<hbm>> -> memref<40x128xi32, #tpu.memory_space<hbm>>
      tpu.enqueue_dma source(%dma_start3A_29 : memref<40x128xi32, #tpu.memory_space<hbm>>) target(%arg6 : memref<40x128xi32, #tpu.memory_space<vmem>>) target_semaphore(%run_scoped3A : memref<!tpu.dma_semaphore, #tpu.memory_space<semaphore_mem>>)
      %dma_wait3A = arith.constant 0 : i32
      %dma_wait3A_30 = arith.constant 0 : i32
      %dma_wait3A_31 = tpu.memref_slice %arg3[%add3A, %dma_wait3A, %dma_wait3A_30] : memref<32x40x128xi32, #tpu.memory_space<hbm>> -> memref<1x40x128xi32, #tpu.memory_space<hbm>>
      %dma_wait3A_32 = tpu.memref_squeeze %dma_wait3A_31 : memref<1x40x128xi32, #tpu.memory_space<hbm>> -> memref<40x128xi32, #tpu.memory_space<hbm>>
      %dma_wait3A_33 = arith.constant 0 : i32
      %dma_wait3A_34 = arith.constant 0 : i32
      %dma_wait3A_35 = tpu.memref_slice %arg3[%add3A, %dma_wait3A_33, %dma_wait3A_34] : memref<32x40x128xi32, #tpu.memory_space<hbm>> -> memref<1x40x128xi32, #tpu.memory_space<hbm>>
      %dma_wait3A_36 = tpu.memref_squeeze %dma_wait3A_35 : memref<1x40x128xi32, #tpu.memory_space<hbm>> -> memref<40x128xi32, #tpu.memory_space<hbm>>
      tpu.wait_dma2 semaphore(%run_scoped3A : memref<!tpu.dma_semaphore, #tpu.memory_space<semaphore_mem>>) src(%dma_wait3A_36 : memref<40x128xi32, #tpu.memory_space<hbm>>) dst(%arg6 : memref<40x128xi32, #tpu.memory_space<vmem>>)
      tpu.yield
    }) : () -> ()
    "tpu.region"() ({
      %run_scoped3A = tpu.sem_alloc : memref<!tpu.dma_semaphore, #tpu.memory_space<semaphore_mem>>
      %dma_start3A = arith.constant 0 : i32
      %dma_start3A_23 = tpu.memref_slice %arg2[%mul3A_2, %dma_start3A] : memref<163840x16xf32, #tpu.memory_space<hbm>> -> memref<5120x16xf32, #tpu.memory_space<hbm>>
      %dma_start3A_24 = arith.constant 0 : i32
      %dma_start3A_25 = tpu.memref_slice %arg2[%mul3A_2, %dma_start3A_24] : memref<163840x16xf32, #tpu.memory_space<hbm>> -> memref<5120x16xf32, #tpu.memory_space<hbm>>
      tpu.enqueue_dma source(%dma_start3A_25 : memref<5120x16xf32, #tpu.memory_space<hbm>>) target(%arg7 : memref<5120x16xf32, #tpu.memory_space<vmem>>) target_semaphore(%run_scoped3A : memref<!tpu.dma_semaphore, #tpu.memory_space<semaphore_mem>>)
      %dma_wait3A = arith.constant 0 : i32
      %dma_wait3A_26 = tpu.memref_slice %arg2[%mul3A_2, %dma_wait3A] : memref<163840x16xf32, #tpu.memory_space<hbm>> -> memref<5120x16xf32, #tpu.memory_space<hbm>>
      %dma_wait3A_27 = arith.constant 0 : i32
      %dma_wait3A_28 = tpu.memref_slice %arg2[%mul3A_2, %dma_wait3A_27] : memref<163840x16xf32, #tpu.memory_space<hbm>> -> memref<5120x16xf32, #tpu.memory_space<hbm>>
      tpu.wait_dma2 semaphore(%run_scoped3A : memref<!tpu.dma_semaphore, #tpu.memory_space<semaphore_mem>>) src(%dma_wait3A_28 : memref<5120x16xf32, #tpu.memory_space<hbm>>) dst(%arg7 : memref<5120x16xf32, #tpu.memory_space<vmem>>)
      tpu.yield
    }) : () -> ()
    %mul3A_3 = arith.constant 640 : i32
    %mul3A_4 = arith.muli %arg1, %mul3A_3 : i32
    %mul3A_5 = arith.constant 640 : i32
    %mul3A_6 = arith.muli %arg1, %mul3A_5 : i32
    "tpu.region"() ({
      %run_scoped3A = tpu.sem_alloc : memref<!tpu.dma_semaphore, #tpu.memory_space<semaphore_mem>>
      %dma_start3A = arith.constant 0 : i32
      %dma_start3A_23 = tpu.memref_slice %arg8[%mul3A_6, %dma_start3A] : memref<10240x16xf32, #tpu.memory_space<vmem_shared>> -> memref<640x16xf32, #tpu.memory_space<vmem_shared>>
      %dma_start3A_24 = arith.constant 0 : i32
      %dma_start3A_25 = tpu.memref_slice %arg4[%mul3A_4, %dma_start3A_24] : memref<10240x16xf32, #tpu.memory_space<hbm>> -> memref<640x16xf32, #tpu.memory_space<hbm>>
      tpu.enqueue_dma source(%dma_start3A_25 : memref<640x16xf32, #tpu.memory_space<hbm>>) target(%dma_start3A_23 : memref<640x16xf32, #tpu.memory_space<vmem_shared>>) target_semaphore(%run_scoped3A : memref<!tpu.dma_semaphore, #tpu.memory_space<semaphore_mem>>)
      %dma_wait3A = arith.constant 0 : i32
      %dma_wait3A_26 = tpu.memref_slice %arg8[%mul3A_6, %dma_wait3A] : memref<10240x16xf32, #tpu.memory_space<vmem_shared>> -> memref<640x16xf32, #tpu.memory_space<vmem_shared>>
      %dma_wait3A_27 = arith.constant 0 : i32
      %dma_wait3A_28 = tpu.memref_slice %arg4[%mul3A_4, %dma_wait3A_27] : memref<10240x16xf32, #tpu.memory_space<hbm>> -> memref<640x16xf32, #tpu.memory_space<hbm>>
      tpu.wait_dma2 semaphore(%run_scoped3A : memref<!tpu.dma_semaphore, #tpu.memory_space<semaphore_mem>>) src(%dma_wait3A_28 : memref<640x16xf32, #tpu.memory_space<hbm>>) dst(%dma_wait3A_26 : memref<640x16xf32, #tpu.memory_space<vmem_shared>>)
      tpu.yield
    }) : () -> ()
    %barrier3A = arith.constant 0 : index
    tpu.barrier barrier_id(%barrier3A)
    %scan3A = arith.constant 0 : i32
    %scan3A_7 = arith.constant 0 : i32
    %scan3A_8 = arith.constant 40 : i32
    %scan3A_9 = arith.addi %scan3A_7, %scan3A_8 : i32
    %scan3A_10 = arith.constant 1 : i32
    scf.for %scan3A_23 = %scan3A_7 to %scan3A_9 step %scan3A_10  : i32 {
      %mul3A_24 = arith.constant 128 : i32
      %mul3A_25 = arith.muli %scan3A_23, %mul3A_24 : i32
      %dma_start3A = arith.constant 0 : i32
      %dma_start3A_26 = tpu.memref_slice %arg7[%mul3A_25, %dma_start3A] : memref<5120x16xf32, #tpu.memory_space<vmem>> -> memref<128x16xf32, #tpu.memory_space<vmem>>
      %dma_start3A_27 = arith.constant 0 : i32
      %dma_start3A_28 = tpu.memref_slice %arg6[%scan3A_23, %dma_start3A_27] : memref<40x128xi32, #tpu.memory_space<vmem>> -> memref<1x128xi32, #tpu.memory_space<vmem>>
      %dma_start3A_29 = tpu.memref_squeeze %dma_start3A_28 : memref<1x128xi32, #tpu.memory_space<vmem>> -> memref<128xi32, #tpu.memory_space<vmem>>
      %dma_start3A_30 = arith.constant 0 : i32
      %dma_start3A_31 = arith.constant 0 : i32
      %dma_start3A_32 = tpu.memref_slice %arg8[%dma_start3A_30, %dma_start3A_31] : memref<10240x16xf32, #tpu.memory_space<vmem_shared>> -> memref<10240x16xf32, #tpu.memory_space<vmem_shared>>
      tpu.enqueue_indirect_dma source(%dma_start3A_26 : memref<128x16xf32, #tpu.memory_space<vmem>>) target(%dma_start3A_32 : memref<10240x16xf32, #tpu.memory_space<vmem_shared>>) offsets(%dma_start3A_29 : memref<128xi32, #tpu.memory_space<vmem>>) semaphore(%arg9 : memref<!tpu.dma_semaphore, #tpu.memory_space<semaphore_mem>>) {add = true}
    }
    %scan3A_11 = arith.constant 40 : i32
    %scan3A_12 = arith.constant 0 : i32
    %scan3A_13 = arith.constant 0 : i32
    %scan3A_14 = arith.constant 40 : i32
    %scan3A_15 = arith.addi %scan3A_13, %scan3A_14 : i32
    %scan3A_16 = arith.constant 1 : i32
    scf.for %scan3A_23 = %scan3A_13 to %scan3A_15 step %scan3A_16  : i32 {
      %mul3A_24 = arith.constant 128 : i32
      %mul3A_25 = arith.muli %scan3A_23, %mul3A_24 : i32
      %dma_wait3A = arith.constant 0 : i32
      %dma_wait3A_26 = tpu.memref_slice %arg7[%mul3A_25, %dma_wait3A] : memref<5120x16xf32, #tpu.memory_space<vmem>> -> memref<128x16xf32, #tpu.memory_space<vmem>>
      %dma_wait3A_27 = arith.constant 0 : i32
      %dma_wait3A_28 = tpu.memref_slice %arg6[%scan3A_23, %dma_wait3A_27] : memref<40x128xi32, #tpu.memory_space<vmem>> -> memref<1x128xi32, #tpu.memory_space<vmem>>
      %dma_wait3A_29 = tpu.memref_squeeze %dma_wait3A_28 : memref<1x128xi32, #tpu.memory_space<vmem>> -> memref<128xi32, #tpu.memory_space<vmem>>
      %dma_wait3A_30 = arith.constant 0 : i32
      %dma_wait3A_31 = arith.constant 0 : i32
      %dma_wait3A_32 = tpu.memref_slice %arg8[%dma_wait3A_30, %dma_wait3A_31] : memref<10240x16xf32, #tpu.memory_space<vmem_shared>> -> memref<10240x16xf32, #tpu.memory_space<vmem_shared>>
      tpu.wait_indirect_dma semaphore(%arg9 : memref<!tpu.dma_semaphore, #tpu.memory_space<semaphore_mem>>) src(%dma_wait3A_26 : memref<128x16xf32, #tpu.memory_space<vmem>>) dst(%dma_wait3A_32 : memref<10240x16xf32, #tpu.memory_space<vmem_shared>>)
    }
    %scan3A_17 = arith.constant 40 : i32
    %barrier3A_18 = arith.constant 0 : index
    tpu.barrier barrier_id(%barrier3A_18)
    %mul3A_19 = arith.constant 625 : i32
    %mul3A_20 = arith.muli %arg1, %mul3A_19 : i32
    %mul3A_21 = arith.constant 625 : i32
    %mul3A_22 = arith.muli %arg1, %mul3A_21 : i32
    "tpu.region"() ({
      %run_scoped3A = tpu.sem_alloc : memref<!tpu.dma_semaphore, #tpu.memory_space<semaphore_mem>>
      %dma_start3A = arith.constant 0 : i32
      %dma_start3A_23 = arith.constant 0 : i32
      %dma_start3A_24 = tpu.memref_slice %arg5[%arg0, %dma_start3A, %dma_start3A_23] : memref<2x10000x16xf32, #tpu.memory_space<hbm>> -> memref<1x10000x16xf32, #tpu.memory_space<hbm>>
      %dma_start3A_25 = tpu.memref_squeeze %dma_start3A_24 : memref<1x10000x16xf32, #tpu.memory_space<hbm>> -> memref<10000x16xf32, #tpu.memory_space<hbm>>
      %dma_start3A_26 = arith.constant 0 : i32
      %dma_start3A_27 = tpu.memref_slice %dma_start3A_25[%mul3A_22, %dma_start3A_26] : memref<10000x16xf32, #tpu.memory_space<hbm>> -> memref<625x16xf32, #tpu.memory_space<hbm>>
      %dma_start3A_28 = arith.constant 0 : i32
      %dma_start3A_29 = tpu.memref_slice %arg8[%mul3A_20, %dma_start3A_28] : memref<10240x16xf32, #tpu.memory_space<vmem_shared>> -> memref<625x16xf32, #tpu.memory_space<vmem_shared>>
      tpu.enqueue_dma source(%dma_start3A_29 : memref<625x16xf32, #tpu.memory_space<vmem_shared>>) target(%dma_start3A_27 : memref<625x16xf32, #tpu.memory_space<hbm>>) target_semaphore(%run_scoped3A : memref<!tpu.dma_semaphore, #tpu.memory_space<semaphore_mem>>)
      %dma_wait3A = arith.constant 0 : i32
      %dma_wait3A_30 = arith.constant 0 : i32
      %dma_wait3A_31 = tpu.memref_slice %arg5[%arg0, %dma_wait3A, %dma_wait3A_30] : memref<2x10000x16xf32, #tpu.memory_space<hbm>> -> memref<1x10000x16xf32, #tpu.memory_space<hbm>>
      %dma_wait3A_32 = tpu.memref_squeeze %dma_wait3A_31 : memref<1x10000x16xf32, #tpu.memory_space<hbm>> -> memref<10000x16xf32, #tpu.memory_space<hbm>>
      %dma_wait3A_33 = arith.constant 0 : i32
      %dma_wait3A_34 = tpu.memref_slice %dma_wait3A_32[%mul3A_22, %dma_wait3A_33] : memref<10000x16xf32, #tpu.memory_space<hbm>> -> memref<625x16xf32, #tpu.memory_space<hbm>>
      %dma_wait3A_35 = arith.constant 0 : i32
      %dma_wait3A_36 = tpu.memref_slice %arg8[%mul3A_20, %dma_wait3A_35] : memref<10240x16xf32, #tpu.memory_space<vmem_shared>> -> memref<625x16xf32, #tpu.memory_space<vmem_shared>>
      tpu.wait_dma2 semaphore(%run_scoped3A : memref<!tpu.dma_semaphore, #tpu.memory_space<semaphore_mem>>) src(%dma_wait3A_36 : memref<625x16xf32, #tpu.memory_space<vmem_shared>>) dst(%dma_wait3A_34 : memref<625x16xf32, #tpu.memory_space<hbm>>)
      tpu.yield
    }) : () -> ()
    return
  }
}

module attributes {stable_mosaic.version = 14 : i64} {
  func.func @_tc_init_body(%arg0: i32, %arg1: memref<2000x1xi32, #tpu.memory_space<vmem>>, %arg2: memref<2000x1xf32, #tpu.memory_space<vmem>>, %arg3: memref<20x8xf32, #tpu.memory_space<vmem>>, %arg4: memref<64x8xf32, #tpu.memory_space<vmem>>, %arg5: memref<8x16xf32, #tpu.memory_space<vmem>>, %arg6: memref<8x8xf32, #tpu.memory_space<vmem>>, %arg7: memref<2000x16xf32, #tpu.memory_space<vmem>>, %arg8: memref<2000x16xf32, #tpu.memory_space<vmem>>) attributes {dimension_semantics = [#tpu.dimension_semantics<arbitrary>], iteration_bounds = array<i64: 5>, scalar_prefetch = 0 : i64, scratch_operands = 0 : i64, tpu.core_type = #tpu.core_type<tc>, window_params = [{transform_indices = @transform_0, window_bounds = array<i64: 2000, 1>}, {transform_indices = @transform_1, window_bounds = array<i64: 2000, 1>}, {pipeline_mode = #tpu.pipeline_mode<synchronous>, transform_indices = @transform_2, window_bounds = array<i64: 20, 8>}, {pipeline_mode = #tpu.pipeline_mode<synchronous>, transform_indices = @transform_3, window_bounds = array<i64: 64, 8>}, {pipeline_mode = #tpu.pipeline_mode<synchronous>, transform_indices = @transform_4, window_bounds = array<i64: 8, 16>}, {pipeline_mode = #tpu.pipeline_mode<synchronous>, transform_indices = @transform_5, window_bounds = array<i64: 8, 8>}, {transform_indices = @transform_6, window_bounds = array<i64: 2000, 16>}, {transform_indices = @transform_7, window_bounds = array<i64: 2000, 16>}]} {
    %get3A = arith.constant 0 : index
    %get3A_0 = arith.constant 0 : index
    %get3A_1 = vector.load %arg1[%get3A, %get3A_0] : memref<2000x1xi32, #tpu.memory_space<vmem>>, vector<2000x1xi32>
    %iota3A = tpu.iota {dimensions = array<i32: 1>} : vector<2000x20xi32>
    %eq3A = vector.broadcast %get3A_1 : vector<2000x1xi32> to vector<2000x20xi32>
    %eq3A_2 = arith.cmpi eq, %iota3A, %eq3A : vector<2000x20xi32>
    %convert_element_type3A = arith.extui %eq3A_2 : vector<2000x20xi1> to vector<2000x20xi32>
    %convert_element_type3A_3 = arith.sitofp %convert_element_type3A : vector<2000x20xi32> to vector<2000x20xf32>
    %get3A_4 = arith.constant 0 : index
    %get3A_5 = arith.constant 0 : index
    %get3A_6 = vector.load %arg3[%get3A_4, %get3A_5] : memref<20x8xf32, #tpu.memory_space<vmem>>, vector<20x8xf32>
    %dot_general3A = arith.constant dense<0.000000e+00> : vector<2000x8xf32>
    %dot_general3A_7 = tpu.matmul %convert_element_type3A_3, %get3A_6, %dot_general3A {dimension_numbers = #tpu.dot_dimension_numbers<[1], [0], [0], [1], [0, 0, 1, 1], [], []>, transpose_lhs_hint = false} : vector<2000x20xf32>, vector<20x8xf32>, vector<2000x8xf32> -> vector<2000x8xf32>
    %iota3A_8 = tpu.iota {dimensions = array<i32: 1>} : vector<8x64xi32>
    %iota3A_9 = tpu.iota {dimensions = array<i32: 0>} : vector<8x64xi32>
    %jit3A = arith.constant 8 : i32
    %div3A = vector.broadcast %jit3A : i32 to vector<8x64xi32>
    %div3A_10 = arith.divsi %iota3A_8, %div3A : vector<8x64xi32>
    %sign3A = arith.constant 0 : i32
    %sign3A_11 = vector.broadcast %sign3A : i32 to vector<8x64xi32>
    %sign3A_12 = arith.cmpi sgt, %iota3A_8, %sign3A_11 : vector<8x64xi32>
    %sign3A_13 = arith.extui %sign3A_12 : vector<8x64xi1> to vector<8x64xi32>
    %sign3A_14 = arith.constant 0 : i32
    %sign3A_15 = vector.broadcast %sign3A_14 : i32 to vector<8x64xi32>
    %sign3A_16 = arith.cmpi slt, %iota3A_8, %sign3A_15 : vector<8x64xi32>
    %sign3A_17 = arith.extui %sign3A_16 : vector<8x64xi1> to vector<8x64xi32>
    %sign3A_18 = arith.subi %sign3A_13, %sign3A_17 : vector<8x64xi32>
    %sign3A_19 = arith.constant 0 : i32
    %sign3A_20 = arith.cmpi sgt, %jit3A, %sign3A_19 : i32
    %sign3A_21 = arith.extui %sign3A_20 : i1 to i32
    %sign3A_22 = arith.constant 0 : i32
    %sign3A_23 = arith.cmpi slt, %jit3A, %sign3A_22 : i32
    %sign3A_24 = arith.extui %sign3A_23 : i1 to i32
    %sign3A_25 = arith.subi %sign3A_21, %sign3A_24 : i32
    %ne3A = vector.broadcast %sign3A_25 : i32 to vector<8x64xi32>
    %ne3A_26 = arith.cmpi ne, %sign3A_18, %ne3A : vector<8x64xi32>
    %rem3A = vector.broadcast %jit3A : i32 to vector<8x64xi32>
    %rem3A_27 = arith.remsi %iota3A_8, %rem3A : vector<8x64xi32>
    %ne3A_28 = arith.constant 0 : i32
    %ne3A_29 = vector.broadcast %ne3A_28 : i32 to vector<8x64xi32>
    %ne3A_30 = arith.cmpi ne, %rem3A_27, %ne3A_29 : vector<8x64xi32>
    %and3A = arith.andi %ne3A_26, %ne3A_30 : vector<8x64xi1>
    %sub3A = arith.constant 1 : i32
    %sub3A_31 = vector.broadcast %sub3A : i32 to vector<8x64xi32>
    %sub3A_32 = arith.subi %div3A_10, %sub3A_31 : vector<8x64xi32>
    %select_n3A = arith.select %and3A, %sub3A_32, %div3A_10 : vector<8x64xi1>, vector<8x64xi32>
    %eq3A_33 = arith.cmpi eq, %select_n3A, %iota3A_9 : vector<8x64xi32>
    %convert_element_type3A_34 = arith.extui %eq3A_33 : vector<8x64xi1> to vector<8x64xi32>
    %convert_element_type3A_35 = arith.sitofp %convert_element_type3A_34 : vector<8x64xi32> to vector<8x64xf32>
    %dot_general3A_36 = arith.constant dense<0.000000e+00> : vector<2000x64xf32>
    %dot_general3A_37 = tpu.matmul %dot_general3A_7, %convert_element_type3A_35, %dot_general3A_36 {dimension_numbers = #tpu.dot_dimension_numbers<[1], [0], [0], [1], [0, 0, 1, 1], [], []>, transpose_lhs_hint = false} : vector<2000x8xf32>, vector<8x64xf32>, vector<2000x64xf32> -> vector<2000x64xf32>
    %iota3A_38 = tpu.iota {dimensions = array<i32: 1>} : vector<8x64xi32>
    %iota3A_39 = tpu.iota {dimensions = array<i32: 0>} : vector<8x64xi32>
    %jit3A_40 = arith.constant 8 : i32
    %eq3A_41 = arith.constant 0 : i32
    %eq3A_42 = arith.cmpi eq, %jit3A_40, %eq3A_41 : i32
    %jit3A_43 = arith.constant 1 : i32
    %select_n3A_44 = arith.select %eq3A_42, %jit3A_43, %jit3A_40 : i32
    %rem3A_45 = vector.broadcast %select_n3A_44 : i32 to vector<8x64xi32>
    %rem3A_46 = arith.remsi %iota3A_38, %rem3A_45 : vector<8x64xi32>
    %ne3A_47 = arith.constant 0 : i32
    %ne3A_48 = vector.broadcast %ne3A_47 : i32 to vector<8x64xi32>
    %ne3A_49 = arith.cmpi ne, %rem3A_46, %ne3A_48 : vector<8x64xi32>
    %lt3A = arith.constant 0 : i32
    %lt3A_50 = vector.broadcast %lt3A : i32 to vector<8x64xi32>
    %lt3A_51 = arith.cmpi slt, %rem3A_46, %lt3A_50 : vector<8x64xi32>
    %lt3A_52 = arith.constant 0 : i32
    %lt3A_53 = arith.cmpi slt, %select_n3A_44, %lt3A_52 : i32
    %ne3A_54 = vector.broadcast %lt3A_53 : i1 to vector<8x64xi1>
    %ne3A_55 = vector.broadcast %ne3A_54 : vector<8x64xi1> to vector<8x64xi1>
    %ne3A_56 = arith.xori %lt3A_51, %ne3A_55 : vector<8x64xi1>
    %and3A_57 = arith.andi %ne3A_56, %ne3A_49 : vector<8x64xi1>
    %add3A = vector.broadcast %select_n3A_44 : i32 to vector<8x64xi32>
    %add3A_58 = arith.addi %rem3A_46, %add3A : vector<8x64xi32>
    %select_n3A_59 = arith.select %and3A_57, %add3A_58, %rem3A_46 : vector<8x64xi1>, vector<8x64xi32>
    %eq3A_60 = arith.cmpi eq, %select_n3A_59, %iota3A_39 : vector<8x64xi32>
    %convert_element_type3A_61 = arith.extui %eq3A_60 : vector<8x64xi1> to vector<8x64xi32>
    %convert_element_type3A_62 = arith.sitofp %convert_element_type3A_61 : vector<8x64xi32> to vector<8x64xf32>
    %dot_general3A_63 = arith.constant dense<0.000000e+00> : vector<2000x64xf32>
    %dot_general3A_64 = tpu.matmul %dot_general3A_7, %convert_element_type3A_62, %dot_general3A_63 {dimension_numbers = #tpu.dot_dimension_numbers<[1], [0], [0], [1], [0, 0, 1, 1], [], []>, transpose_lhs_hint = false} : vector<2000x8xf32>, vector<8x64xf32>, vector<2000x64xf32> -> vector<2000x64xf32>
    %mul3A = arith.mulf %dot_general3A_37, %dot_general3A_64 : vector<2000x64xf32>
    %get3A_65 = arith.constant 0 : index
    %get3A_66 = arith.constant 0 : index
    %get3A_67 = vector.load %arg4[%get3A_65, %get3A_66] : memref<64x8xf32, #tpu.memory_space<vmem>>, vector<64x8xf32>
    %dot_general3A_68 = arith.constant dense<0.000000e+00> : vector<2000x8xf32>
    %dot_general3A_69 = tpu.matmul %mul3A, %get3A_67, %dot_general3A_68 {dimension_numbers = #tpu.dot_dimension_numbers<[1], [0], [0], [1], [0, 0, 1, 1], [], []>, transpose_lhs_hint = false} : vector<2000x64xf32>, vector<64x8xf32>, vector<2000x8xf32> -> vector<2000x8xf32>
    %mul3A_70 = arith.constant 1.250000e-01 : f32
    %mul3A_71 = vector.broadcast %mul3A_70 : f32 to vector<2000x8xf32>
    %mul3A_72 = arith.mulf %dot_general3A_69, %mul3A_71 : vector<2000x8xf32>
    %get3A_73 = arith.constant 0 : index
    %get3A_74 = arith.constant 0 : index
    %get3A_75 = vector.load %arg5[%get3A_73, %get3A_74] : memref<8x16xf32, #tpu.memory_space<vmem>>, vector<8x16xf32>
    %dot_general3A_76 = arith.constant dense<0.000000e+00> : vector<2000x16xf32>
    %dot_general3A_77 = tpu.matmul %mul3A_72, %get3A_75, %dot_general3A_76 {dimension_numbers = #tpu.dot_dimension_numbers<[1], [0], [0], [1], [0, 0, 1, 1], [], []>, transpose_lhs_hint = false} : vector<2000x8xf32>, vector<8x16xf32>, vector<2000x16xf32> -> vector<2000x16xf32>
    %mul3A_78 = arith.constant 0.353553385 : f32
    %mul3A_79 = vector.broadcast %mul3A_78 : f32 to vector<2000x16xf32>
    %mul3A_80 = arith.mulf %dot_general3A_77, %mul3A_79 : vector<2000x16xf32>
    %get3A_81 = arith.constant 0 : index
    %get3A_82 = arith.constant 0 : index
    %get3A_83 = vector.load %arg2[%get3A_81, %get3A_82] : memref<2000x1xf32, #tpu.memory_space<vmem>>, vector<2000x1xf32>
    %mul3A_84 = vector.broadcast %get3A_83 : vector<2000x1xf32> to vector<2000x16xf32>
    %mul3A_85 = arith.mulf %mul3A_80, %mul3A_84 : vector<2000x16xf32>
    %swap3A = arith.constant 0 : index
    %swap3A_86 = arith.constant 0 : index
    %swap3A_87 = vector.load %arg7[%swap3A, %swap3A_86] : memref<2000x16xf32, #tpu.memory_space<vmem>>, vector<2000x16xf32>
    tpu.vector_store %arg7[%swap3A, %swap3A_86], %mul3A_85 {strides = array<i32>} : memref<2000x16xf32, #tpu.memory_space<vmem>>, vector<2000x16xf32>,
    %get3A_88 = arith.constant 0 : index
    %get3A_89 = arith.constant 0 : index
    %get3A_90 = vector.load %arg6[%get3A_88, %get3A_89] : memref<8x8xf32, #tpu.memory_space<vmem>>, vector<8x8xf32>
    %dot_general3A_91 = arith.constant dense<0.000000e+00> : vector<2000x8xf32>
    %dot_general3A_92 = tpu.matmul %mul3A_72, %get3A_90, %dot_general3A_91 {dimension_numbers = #tpu.dot_dimension_numbers<[1], [0], [0], [1], [0, 0, 1, 1], [], []>, transpose_lhs_hint = false} : vector<2000x8xf32>, vector<8x8xf32>, vector<2000x8xf32> -> vector<2000x8xf32>
    %mul3A_93 = arith.constant 0.353553385 : f32
    %mul3A_94 = vector.broadcast %mul3A_93 : f32 to vector<2000x8xf32>
    %mul3A_95 = arith.mulf %dot_general3A_92, %mul3A_94 : vector<2000x8xf32>
    %broadcast_in_dim3A = arith.constant 0.000000e+00 : f32
    %broadcast_in_dim3A_96 = vector.broadcast %broadcast_in_dim3A : f32 to vector<2000x8xf32>
    %concatenate3A = tpu.concatenate %mul3A_95, %broadcast_in_dim3A_96 in 1 : vector<2000x8xf32>, vector<2000x8xf32> -> vector<2000x16xf32>
    %swap3A_97 = arith.constant 0 : index
    %swap3A_98 = arith.constant 0 : index
    %swap3A_99 = vector.load %arg8[%swap3A_97, %swap3A_98] : memref<2000x16xf32, #tpu.memory_space<vmem>>, vector<2000x16xf32>
    tpu.vector_store %arg8[%swap3A_97, %swap3A_98], %concatenate3A {strides = array<i32>} : memref<2000x16xf32, #tpu.memory_space<vmem>>, vector<2000x16xf32>,
    return
  }
  func.func @transform_0(%arg0: i32) -> (i32, i32) {
    %c0_i32 = arith.constant 0 : i32
    %c0_i32_0 = arith.constant 0 : i32
    return %arg0, %c0_i32 : i32, i32
  }
  func.func @transform_1(%arg0: i32) -> (i32, i32) {
    %c0_i32 = arith.constant 0 : i32
    %c0_i32_0 = arith.constant 0 : i32
    return %arg0, %c0_i32 : i32, i32
  }
  func.func @transform_2(%arg0: i32) -> (i32, i32) {
    %c0_i32 = arith.constant 0 : i32
    %c0_i32_0 = arith.constant 0 : i32
    %c0_i32_1 = arith.constant 0 : i32
    return %c0_i32, %c0_i32_0 : i32, i32
  }
  func.func @transform_3(%arg0: i32) -> (i32, i32) {
    %c0_i32 = arith.constant 0 : i32
    %c0_i32_0 = arith.constant 0 : i32
    %c0_i32_1 = arith.constant 0 : i32
    return %c0_i32, %c0_i32_0 : i32, i32
  }
  func.func @transform_4(%arg0: i32) -> (i32, i32) {
    %c0_i32 = arith.constant 0 : i32
    %c0_i32_0 = arith.constant 0 : i32
    %c0_i32_1 = arith.constant 0 : i32
    return %c0_i32, %c0_i32_0 : i32, i32
  }
  func.func @transform_5(%arg0: i32) -> (i32, i32) {
    %c0_i32 = arith.constant 0 : i32
    %c0_i32_0 = arith.constant 0 : i32
    %c0_i32_1 = arith.constant 0 : i32
    return %c0_i32, %c0_i32_0 : i32, i32
  }
  func.func @transform_6(%arg0: i32) -> (i32, i32) {
    %c0_i32 = arith.constant 0 : i32
    %c0_i32_0 = arith.constant 0 : i32
    return %arg0, %c0_i32 : i32, i32
  }
  func.func @transform_7(%arg0: i32) -> (i32, i32) {
    %c0_i32 = arith.constant 0 : i32
    %c0_i32_0 = arith.constant 0 : i32
    return %arg0, %c0_i32 : i32, i32
  }
}

module attributes {stable_mosaic.version = 14 : i64} {
  func.func @_lambda_(%arg0: i32, %arg1: memref<1x8192xf32, #tpu.memory_space<vmem>>, %arg2: memref<1024x128xf32, #tpu.memory_space<vmem>>, %arg3: memref<8x64xf32, #tpu.memory_space<vmem>>, %arg4: memref<64x128xf32, #tpu.memory_space<vmem>>, %arg5: memref<1024x128xf32, #tpu.memory_space<vmem>>) attributes {dimension_semantics = [#tpu.dimension_semantics<arbitrary>], iteration_bounds = array<i64: 20>, scalar_prefetch = 0 : i64, scratch_operands = 0 : i64, tpu.core_type = #tpu.core_type<tc>, window_params = [{transform_indices = @transform_0, window_bounds = array<i64: 1, 8192>}, {transform_indices = @transform_1, window_bounds = array<i64: 1024, 128>}, {pipeline_mode = #tpu.pipeline_mode<synchronous>, transform_indices = @transform_2, window_bounds = array<i64: 8, 64>}, {pipeline_mode = #tpu.pipeline_mode<synchronous>, transform_indices = @transform_3, window_bounds = array<i64: 64, 128>}, {transform_indices = @transform_4, window_bounds = array<i64: 1024, 128>}]} {
    %get3A = arith.constant 0 : index
    %get3A_0 = arith.constant 0 : index
    %get3A_1 = vector.load %arg1[%get3A, %get3A_0] : memref<1x8192xf32, #tpu.memory_space<vmem>>, vector<1x8192xf32>
    %add3A = arith.constant 9.99999996E-13 : f32
    %add3A_2 = vector.broadcast %add3A : f32 to vector<1x8192xf32>
    %add3A_3 = arith.addf %get3A_1, %add3A_2 : vector<1x8192xf32>
    %sqrt3A = math.sqrt %add3A_3 : vector<1x8192xf32>
    %iota3A = tpu.iota {dimensions = array<i32: 0>} : vector<8x1xi32>
    %convert_element_type3A = arith.sitofp %iota3A : vector<8x1xi32> to vector<8x1xf32>
    %add3A_4 = arith.constant 1.000000e+00 : f32
    %add3A_5 = vector.broadcast %add3A_4 : f32 to vector<8x1xf32>
    %add3A_6 = arith.addf %convert_element_type3A, %add3A_5 : vector<8x1xf32>
    %mul3A = arith.constant 1.57079637 : f32
    %mul3A_7 = vector.broadcast %mul3A : f32 to vector<8x1xf32>
    %mul3A_8 = arith.mulf %add3A_6, %mul3A_7 : vector<8x1xf32>
    %mul3A_9 = vector.broadcast %mul3A_8 : vector<8x1xf32> to vector<8x8192xf32>
    %mul3A_10 = vector.broadcast %sqrt3A : vector<1x8192xf32> to vector<8x8192xf32>
    %mul3A_11 = arith.mulf %mul3A_9, %mul3A_10 : vector<8x8192xf32>
    %sin3A = math.sin %mul3A_11 : vector<8x8192xf32>
    %mul3A_12 = arith.constant 2.82842708 : f32
    %mul3A_13 = vector.broadcast %mul3A_12 : f32 to vector<8x8192xf32>
    %mul3A_14 = arith.mulf %sin3A, %mul3A_13 : vector<8x8192xf32>
    %add3A_15 = arith.constant 9.99999971E-10 : f32
    %add3A_16 = vector.broadcast %add3A_15 : f32 to vector<1x8192xf32>
    %add3A_17 = arith.addf %sqrt3A, %add3A_16 : vector<1x8192xf32>
    %div3A = vector.broadcast %add3A_17 : vector<1x8192xf32> to vector<8x8192xf32>
    %div3A_18 = arith.divf %mul3A_14, %div3A : vector<8x8192xf32>
    %div3A_19 = arith.constant 2.000000e+00 : f32
    %div3A_20 = vector.broadcast %div3A_19 : f32 to vector<1x8192xf32>
    %div3A_21 = arith.divf %sqrt3A, %div3A_20 : vector<1x8192xf32>
    %sub3A = arith.constant 1.000000e+00 : f32
    %sub3A_22 = vector.broadcast %sub3A : f32 to vector<1x8192xf32>
    %sub3A_23 = arith.subf %div3A_21, %sub3A_22 : vector<1x8192xf32>
    %mul3A_24 = arith.constant 2.000000e+00 : f32
    %mul3A_25 = vector.broadcast %mul3A_24 : f32 to vector<1x8192xf32>
    %mul3A_26 = arith.mulf %mul3A_25, %sub3A_23 : vector<1x8192xf32>
    %mul3A_27 = arith.constant 3.14159274 : f32
    %mul3A_28 = vector.broadcast %mul3A_27 : f32 to vector<1x8192xf32>
    %mul3A_29 = arith.mulf %mul3A_28, %mul3A_26 : vector<1x8192xf32>
    %cos3A = math.cos %mul3A_29 : vector<1x8192xf32>
    %sub3A_30 = arith.constant 1.000000e+00 : f32
    %sub3A_31 = vector.broadcast %sub3A_30 : f32 to vector<1x8192xf32>
    %sub3A_32 = arith.subf %sub3A_31, %cos3A : vector<1x8192xf32>
    %mul3A_33 = arith.constant 5.000000e-01 : f32
    %mul3A_34 = vector.broadcast %mul3A_33 : f32 to vector<1x8192xf32>
    %mul3A_35 = arith.mulf %sub3A_32, %mul3A_34 : vector<1x8192xf32>
    %gt3A = arith.constant 0.000000e+00 : f32
    %gt3A_36 = vector.broadcast %gt3A : f32 to vector<1x8192xf32>
    %gt3A_37 = arith.cmpf ogt, %mul3A_26, %gt3A_36 : vector<1x8192xf32>
    %jit3A = arith.constant 0.000000e+00 : f32
    %broadcast_in_dim3A = vector.broadcast %jit3A : f32 to vector<1x8192xf32>
    %select_n3A = arith.select %gt3A_37, %broadcast_in_dim3A, %mul3A_35 : vector<1x8192xi1>, vector<1x8192xf32>
    %lt3A = arith.constant -1.000000e+00 : f32
    %lt3A_38 = vector.broadcast %lt3A : f32 to vector<1x8192xf32>
    %lt3A_39 = arith.cmpf olt, %mul3A_26, %lt3A_38 : vector<1x8192xf32>
    %jit3A_40 = arith.constant 1.000000e+00 : f32
    %broadcast_in_dim3A_41 = vector.broadcast %jit3A_40 : f32 to vector<1x8192xf32>
    %select_n3A_42 = arith.select %lt3A_39, %broadcast_in_dim3A_41, %select_n3A : vector<1x8192xi1>, vector<1x8192xf32>
    %get3A_43 = arith.constant 0 : index
    %get3A_44 = arith.constant 0 : index
    %get3A_45 = vector.load %arg3[%get3A_43, %get3A_44] : memref<8x64xf32, #tpu.memory_space<vmem>>, vector<8x64xf32>
    %dot_general3A = arith.constant dense<0.000000e+00> : vector<64x8192xf32>
    %dot_general3A_46 = tpu.matmul %get3A_45, %div3A_18, %dot_general3A {dimension_numbers = #tpu.dot_dimension_numbers<[0], [0], [1], [1], [0, 1, 1, 1], [], []>, transpose_lhs_hint = false} : vector<8x64xf32>, vector<8x8192xf32>, vector<64x8192xf32> -> vector<64x8192xf32>
    %mul3A_47 = arith.constant 0.353553385 : f32
    %mul3A_48 = vector.broadcast %mul3A_47 : f32 to vector<64x8192xf32>
    %mul3A_49 = arith.mulf %dot_general3A_46, %mul3A_48 : vector<64x8192xf32>
    %logistic3A = arith.negf %mul3A_49 : vector<64x8192xf32>
    %logistic3A_50 = math.exp %logistic3A : vector<64x8192xf32>
    %logistic3A_51 = arith.constant 1.000000e+00 : f32
    %logistic3A_52 = vector.broadcast %logistic3A_51 : f32 to vector<64x8192xf32>
    %logistic3A_53 = arith.addf %logistic3A_52, %logistic3A_50 : vector<64x8192xf32>
    %logistic3A_54 = arith.divf %logistic3A_52, %logistic3A_53 : vector<64x8192xf32>
    %mul3A_55 = arith.mulf %mul3A_49, %logistic3A_54 : vector<64x8192xf32>
    %mul3A_56 = vector.broadcast %select_n3A_42 : vector<1x8192xf32> to vector<64x8192xf32>
    %mul3A_57 = arith.mulf %mul3A_55, %mul3A_56 : vector<64x8192xf32>
    %get3A_58 = arith.constant 0 : index
    %get3A_59 = arith.constant 0 : index
    %get3A_60 = vector.load %arg2[%get3A_58, %get3A_59] : memref<1024x128xf32, #tpu.memory_space<vmem>>, vector<1024x128xf32>
    %iota3A_61 = tpu.iota {dimensions = array<i32: 1>} : vector<16x128xi32>
    %iota3A_62 = tpu.iota {dimensions = array<i32: 0>} : vector<16x128xi32>
    %jit3A_63 = arith.constant 16 : i32
    %div3A_64 = vector.broadcast %jit3A_63 : i32 to vector<16x128xi32>
    %div3A_65 = arith.divsi %iota3A_61, %div3A_64 : vector<16x128xi32>
    %sign3A = arith.constant 0 : i32
    %sign3A_66 = vector.broadcast %sign3A : i32 to vector<16x128xi32>
    %sign3A_67 = arith.cmpi sgt, %iota3A_61, %sign3A_66 : vector<16x128xi32>
    %sign3A_68 = arith.extui %sign3A_67 : vector<16x128xi1> to vector<16x128xi32>
    %sign3A_69 = arith.constant 0 : i32
    %sign3A_70 = vector.broadcast %sign3A_69 : i32 to vector<16x128xi32>
    %sign3A_71 = arith.cmpi slt, %iota3A_61, %sign3A_70 : vector<16x128xi32>
    %sign3A_72 = arith.extui %sign3A_71 : vector<16x128xi1> to vector<16x128xi32>
    %sign3A_73 = arith.subi %sign3A_68, %sign3A_72 : vector<16x128xi32>
    %sign3A_74 = arith.constant 0 : i32
    %sign3A_75 = arith.cmpi sgt, %jit3A_63, %sign3A_74 : i32
    %sign3A_76 = arith.extui %sign3A_75 : i1 to i32
    %sign3A_77 = arith.constant 0 : i32
    %sign3A_78 = arith.cmpi slt, %jit3A_63, %sign3A_77 : i32
    %sign3A_79 = arith.extui %sign3A_78 : i1 to i32
    %sign3A_80 = arith.subi %sign3A_76, %sign3A_79 : i32
    %ne3A = vector.broadcast %sign3A_80 : i32 to vector<16x128xi32>
    %ne3A_81 = arith.cmpi ne, %sign3A_73, %ne3A : vector<16x128xi32>
    %rem3A = vector.broadcast %jit3A_63 : i32 to vector<16x128xi32>
    %rem3A_82 = arith.remsi %iota3A_61, %rem3A : vector<16x128xi32>
    %ne3A_83 = arith.constant 0 : i32
    %ne3A_84 = vector.broadcast %ne3A_83 : i32 to vector<16x128xi32>
    %ne3A_85 = arith.cmpi ne, %rem3A_82, %ne3A_84 : vector<16x128xi32>
    %and3A = arith.andi %ne3A_81, %ne3A_85 : vector<16x128xi1>
    %sub3A_86 = arith.constant 1 : i32
    %sub3A_87 = vector.broadcast %sub3A_86 : i32 to vector<16x128xi32>
    %sub3A_88 = arith.subi %div3A_65, %sub3A_87 : vector<16x128xi32>
    %select_n3A_89 = arith.select %and3A, %sub3A_88, %div3A_65 : vector<16x128xi1>, vector<16x128xi32>
    %eq3A = arith.cmpi eq, %select_n3A_89, %iota3A_62 : vector<16x128xi32>
    %convert_element_type3A_90 = arith.extui %eq3A : vector<16x128xi1> to vector<16x128xi32>
    %convert_element_type3A_91 = arith.sitofp %convert_element_type3A_90 : vector<16x128xi32> to vector<16x128xf32>
    %iota3A_92 = tpu.iota {dimensions = array<i32: 0>} : vector<128x16xi32>
    %iota3A_93 = tpu.iota {dimensions = array<i32: 1>} : vector<128x16xi32>
    %jit3A_94 = arith.constant 16 : i32
    %eq3A_95 = arith.constant 0 : i32
    %eq3A_96 = arith.cmpi eq, %jit3A_94, %eq3A_95 : i32
    %jit3A_97 = arith.constant 1 : i32
    %select_n3A_98 = arith.select %eq3A_96, %jit3A_97, %jit3A_94 : i32
    %rem3A_99 = vector.broadcast %select_n3A_98 : i32 to vector<128x16xi32>
    %rem3A_100 = arith.remsi %iota3A_92, %rem3A_99 : vector<128x16xi32>
    %ne3A_101 = arith.constant 0 : i32
    %ne3A_102 = vector.broadcast %ne3A_101 : i32 to vector<128x16xi32>
    %ne3A_103 = arith.cmpi ne, %rem3A_100, %ne3A_102 : vector<128x16xi32>
    %lt3A_104 = arith.constant 0 : i32
    %lt3A_105 = vector.broadcast %lt3A_104 : i32 to vector<128x16xi32>
    %lt3A_106 = arith.cmpi slt, %rem3A_100, %lt3A_105 : vector<128x16xi32>
    %lt3A_107 = arith.constant 0 : i32
    %lt3A_108 = arith.cmpi slt, %select_n3A_98, %lt3A_107 : i32
    %ne3A_109 = vector.broadcast %lt3A_108 : i1 to vector<128x16xi1>
    %ne3A_110 = vector.broadcast %ne3A_109 : vector<128x16xi1> to vector<128x16xi1>
    %ne3A_111 = arith.xori %lt3A_106, %ne3A_110 : vector<128x16xi1>
    %and3A_112 = arith.andi %ne3A_111, %ne3A_103 : vector<128x16xi1>
    %add3A_113 = vector.broadcast %select_n3A_98 : i32 to vector<128x16xi32>
    %add3A_114 = arith.addi %rem3A_100, %add3A_113 : vector<128x16xi32>
    %select_n3A_115 = arith.select %and3A_112, %add3A_114, %rem3A_100 : vector<128x16xi1>, vector<128x16xi32>
    %eq3A_116 = arith.cmpi eq, %select_n3A_115, %iota3A_93 : vector<128x16xi32>
    %convert_element_type3A_117 = arith.extui %eq3A_116 : vector<128x16xi1> to vector<128x16xi32>
    %convert_element_type3A_118 = arith.sitofp %convert_element_type3A_117 : vector<128x16xi32> to vector<128x16xf32>
    %slice3A = vector.extract_strided_slice %get3A_60 {offsets = [0, 0], sizes = [1024, 16], strides = [1, 1]} : vector<1024x128xf32> to vector<1024x16xf32>
    %dot_general3A_119 = arith.constant dense<0.000000e+00> : vector<1024x128xf32>
    %dot_general3A_120 = tpu.matmul %slice3A, %convert_element_type3A_91, %dot_general3A_119 {dimension_numbers = #tpu.dot_dimension_numbers<[1], [0], [0], [1], [0, 0, 1, 1], [], []>, transpose_lhs_hint = false} : vector<1024x16xf32>, vector<16x128xf32>, vector<1024x128xf32> -> vector<1024x128xf32>
    %slice3A_121 = vector.extract_strided_slice %mul3A_57 {offsets = [0, 0], sizes = [64, 1024], strides = [1, 1]} : vector<64x8192xf32> to vector<64x1024xf32>
    %get3A_122 = arith.constant 0 : index
    %get3A_123 = arith.constant 0 : index
    %get3A_124 = vector.load %arg4[%get3A_122, %get3A_123] : memref<64x128xf32, #tpu.memory_space<vmem>>, vector<64x128xf32>
    %dot_general3A_125 = arith.constant dense<0.000000e+00> : vector<1024x128xf32>
    %dot_general3A_126 = tpu.matmul %slice3A_121, %get3A_124, %dot_general3A_125 {dimension_numbers = #tpu.dot_dimension_numbers<[0], [0], [1], [1], [0, 1, 1, 1], [], []>, transpose_lhs_hint = false} : vector<64x1024xf32>, vector<64x128xf32>, vector<1024x128xf32> -> vector<1024x128xf32>
    %mul3A_127 = arith.constant 0.0441941731 : f32
    %mul3A_128 = vector.broadcast %mul3A_127 : f32 to vector<1024x128xf32>
    %mul3A_129 = arith.mulf %dot_general3A_126, %mul3A_128 : vector<1024x128xf32>
    %mul3A_130 = arith.mulf %mul3A_129, %dot_general3A_120 : vector<1024x128xf32>
    %dot_general3A_131 = arith.constant dense<0.000000e+00> : vector<1024x16xf32>
    %dot_general3A_132 = tpu.matmul %mul3A_130, %convert_element_type3A_118, %dot_general3A_131 {dimension_numbers = #tpu.dot_dimension_numbers<[1], [0], [0], [1], [0, 0, 1, 1], [], []>, transpose_lhs_hint = false} : vector<1024x128xf32>, vector<128x16xf32>, vector<1024x16xf32> -> vector<1024x16xf32>
    %slice3A_133 = vector.extract_strided_slice %get3A_60 {offsets = [0, 16], sizes = [1024, 16], strides = [1, 1]} : vector<1024x128xf32> to vector<1024x16xf32>
    %dot_general3A_134 = arith.constant dense<0.000000e+00> : vector<1024x128xf32>
    %dot_general3A_135 = tpu.matmul %slice3A_133, %convert_element_type3A_91, %dot_general3A_134 {dimension_numbers = #tpu.dot_dimension_numbers<[1], [0], [0], [1], [0, 0, 1, 1], [], []>, transpose_lhs_hint = false} : vector<1024x16xf32>, vector<16x128xf32>, vector<1024x128xf32> -> vector<1024x128xf32>
    %slice3A_136 = vector.extract_strided_slice %mul3A_57 {offsets = [0, 1024], sizes = [64, 1024], strides = [1, 1]} : vector<64x8192xf32> to vector<64x1024xf32>
    %get3A_137 = arith.constant 0 : index
    %get3A_138 = arith.constant 0 : index
    %get3A_139 = vector.load %arg4[%get3A_137, %get3A_138] : memref<64x128xf32, #tpu.memory_space<vmem>>, vector<64x128xf32>
    %dot_general3A_140 = arith.constant dense<0.000000e+00> : vector<1024x128xf32>
    %dot_general3A_141 = tpu.matmul %slice3A_136, %get3A_139, %dot_general3A_140 {dimension_numbers = #tpu.dot_dimension_numbers<[0], [0], [1], [1], [0, 1, 1, 1], [], []>, transpose_lhs_hint = false} : vector<64x1024xf32>, vector<64x128xf32>, vector<1024x128xf32> -> vector<1024x128xf32>
    %mul3A_142 = arith.constant 0.0441941731 : f32
    %mul3A_143 = vector.broadcast %mul3A_142 : f32 to vector<1024x128xf32>
    %mul3A_144 = arith.mulf %dot_general3A_141, %mul3A_143 : vector<1024x128xf32>
    %mul3A_145 = arith.mulf %mul3A_144, %dot_general3A_135 : vector<1024x128xf32>
    %dot_general3A_146 = arith.constant dense<0.000000e+00> : vector<1024x16xf32>
    %dot_general3A_147 = tpu.matmul %mul3A_145, %convert_element_type3A_118, %dot_general3A_146 {dimension_numbers = #tpu.dot_dimension_numbers<[1], [0], [0], [1], [0, 0, 1, 1], [], []>, transpose_lhs_hint = false} : vector<1024x128xf32>, vector<128x16xf32>, vector<1024x16xf32> -> vector<1024x16xf32>
    %slice3A_148 = vector.extract_strided_slice %get3A_60 {offsets = [0, 32], sizes = [1024, 16], strides = [1, 1]} : vector<1024x128xf32> to vector<1024x16xf32>
    %dot_general3A_149 = arith.constant dense<0.000000e+00> : vector<1024x128xf32>
    %dot_general3A_150 = tpu.matmul %slice3A_148, %convert_element_type3A_91, %dot_general3A_149 {dimension_numbers = #tpu.dot_dimension_numbers<[1], [0], [0], [1], [0, 0, 1, 1], [], []>, transpose_lhs_hint = false} : vector<1024x16xf32>, vector<16x128xf32>, vector<1024x128xf32> -> vector<1024x128xf32>
    %slice3A_151 = vector.extract_strided_slice %mul3A_57 {offsets = [0, 2048], sizes = [64, 1024], strides = [1, 1]} : vector<64x8192xf32> to vector<64x1024xf32>
    %get3A_152 = arith.constant 0 : index
    %get3A_153 = arith.constant 0 : index
    %get3A_154 = vector.load %arg4[%get3A_152, %get3A_153] : memref<64x128xf32, #tpu.memory_space<vmem>>, vector<64x128xf32>
    %dot_general3A_155 = arith.constant dense<0.000000e+00> : vector<1024x128xf32>
    %dot_general3A_156 = tpu.matmul %slice3A_151, %get3A_154, %dot_general3A_155 {dimension_numbers = #tpu.dot_dimension_numbers<[0], [0], [1], [1], [0, 1, 1, 1], [], []>, transpose_lhs_hint = false} : vector<64x1024xf32>, vector<64x128xf32>, vector<1024x128xf32> -> vector<1024x128xf32>
    %mul3A_157 = arith.constant 0.0441941731 : f32
    %mul3A_158 = vector.broadcast %mul3A_157 : f32 to vector<1024x128xf32>
    %mul3A_159 = arith.mulf %dot_general3A_156, %mul3A_158 : vector<1024x128xf32>
    %mul3A_160 = arith.mulf %mul3A_159, %dot_general3A_150 : vector<1024x128xf32>
    %dot_general3A_161 = arith.constant dense<0.000000e+00> : vector<1024x16xf32>
    %dot_general3A_162 = tpu.matmul %mul3A_160, %convert_element_type3A_118, %dot_general3A_161 {dimension_numbers = #tpu.dot_dimension_numbers<[1], [0], [0], [1], [0, 0, 1, 1], [], []>, transpose_lhs_hint = false} : vector<1024x128xf32>, vector<128x16xf32>, vector<1024x16xf32> -> vector<1024x16xf32>
    %slice3A_163 = vector.extract_strided_slice %get3A_60 {offsets = [0, 48], sizes = [1024, 16], strides = [1, 1]} : vector<1024x128xf32> to vector<1024x16xf32>
    %dot_general3A_164 = arith.constant dense<0.000000e+00> : vector<1024x128xf32>
    %dot_general3A_165 = tpu.matmul %slice3A_163, %convert_element_type3A_91, %dot_general3A_164 {dimension_numbers = #tpu.dot_dimension_numbers<[1], [0], [0], [1], [0, 0, 1, 1], [], []>, transpose_lhs_hint = false} : vector<1024x16xf32>, vector<16x128xf32>, vector<1024x128xf32> -> vector<1024x128xf32>
    %slice3A_166 = vector.extract_strided_slice %mul3A_57 {offsets = [0, 3072], sizes = [64, 1024], strides = [1, 1]} : vector<64x8192xf32> to vector<64x1024xf32>
    %get3A_167 = arith.constant 0 : index
    %get3A_168 = arith.constant 0 : index
    %get3A_169 = vector.load %arg4[%get3A_167, %get3A_168] : memref<64x128xf32, #tpu.memory_space<vmem>>, vector<64x128xf32>
    %dot_general3A_170 = arith.constant dense<0.000000e+00> : vector<1024x128xf32>
    %dot_general3A_171 = tpu.matmul %slice3A_166, %get3A_169, %dot_general3A_170 {dimension_numbers = #tpu.dot_dimension_numbers<[0], [0], [1], [1], [0, 1, 1, 1], [], []>, transpose_lhs_hint = false} : vector<64x1024xf32>, vector<64x128xf32>, vector<1024x128xf32> -> vector<1024x128xf32>
    %mul3A_172 = arith.constant 0.0441941731 : f32
    %mul3A_173 = vector.broadcast %mul3A_172 : f32 to vector<1024x128xf32>
    %mul3A_174 = arith.mulf %dot_general3A_171, %mul3A_173 : vector<1024x128xf32>
    %mul3A_175 = arith.mulf %mul3A_174, %dot_general3A_165 : vector<1024x128xf32>
    %dot_general3A_176 = arith.constant dense<0.000000e+00> : vector<1024x16xf32>
    %dot_general3A_177 = tpu.matmul %mul3A_175, %convert_element_type3A_118, %dot_general3A_176 {dimension_numbers = #tpu.dot_dimension_numbers<[1], [0], [0], [1], [0, 0, 1, 1], [], []>, transpose_lhs_hint = false} : vector<1024x128xf32>, vector<128x16xf32>, vector<1024x16xf32> -> vector<1024x16xf32>
    %slice3A_178 = vector.extract_strided_slice %get3A_60 {offsets = [0, 64], sizes = [1024, 16], strides = [1, 1]} : vector<1024x128xf32> to vector<1024x16xf32>
    %dot_general3A_179 = arith.constant dense<0.000000e+00> : vector<1024x128xf32>
    %dot_general3A_180 = tpu.matmul %slice3A_178, %convert_element_type3A_91, %dot_general3A_179 {dimension_numbers = #tpu.dot_dimension_numbers<[1], [0], [0], [1], [0, 0, 1, 1], [], []>, transpose_lhs_hint = false} : vector<1024x16xf32>, vector<16x128xf32>, vector<1024x128xf32> -> vector<1024x128xf32>
    %slice3A_181 = vector.extract_strided_slice %mul3A_57 {offsets = [0, 4096], sizes = [64, 1024], strides = [1, 1]} : vector<64x8192xf32> to vector<64x1024xf32>
    %get3A_182 = arith.constant 0 : index
    %get3A_183 = arith.constant 0 : index
    %get3A_184 = vector.load %arg4[%get3A_182, %get3A_183] : memref<64x128xf32, #tpu.memory_space<vmem>>, vector<64x128xf32>
    %dot_general3A_185 = arith.constant dense<0.000000e+00> : vector<1024x128xf32>
    %dot_general3A_186 = tpu.matmul %slice3A_181, %get3A_184, %dot_general3A_185 {dimension_numbers = #tpu.dot_dimension_numbers<[0], [0], [1], [1], [0, 1, 1, 1], [], []>, transpose_lhs_hint = false} : vector<64x1024xf32>, vector<64x128xf32>, vector<1024x128xf32> -> vector<1024x128xf32>
    %mul3A_187 = arith.constant 0.0441941731 : f32
    %mul3A_188 = vector.broadcast %mul3A_187 : f32 to vector<1024x128xf32>
    %mul3A_189 = arith.mulf %dot_general3A_186, %mul3A_188 : vector<1024x128xf32>
    %mul3A_190 = arith.mulf %mul3A_189, %dot_general3A_180 : vector<1024x128xf32>
    %dot_general3A_191 = arith.constant dense<0.000000e+00> : vector<1024x16xf32>
    %dot_general3A_192 = tpu.matmul %mul3A_190, %convert_element_type3A_118, %dot_general3A_191 {dimension_numbers = #tpu.dot_dimension_numbers<[1], [0], [0], [1], [0, 0, 1, 1], [], []>, transpose_lhs_hint = false} : vector<1024x128xf32>, vector<128x16xf32>, vector<1024x16xf32> -> vector<1024x16xf32>
    %slice3A_193 = vector.extract_strided_slice %get3A_60 {offsets = [0, 80], sizes = [1024, 16], strides = [1, 1]} : vector<1024x128xf32> to vector<1024x16xf32>
    %dot_general3A_194 = arith.constant dense<0.000000e+00> : vector<1024x128xf32>
    %dot_general3A_195 = tpu.matmul %slice3A_193, %convert_element_type3A_91, %dot_general3A_194 {dimension_numbers = #tpu.dot_dimension_numbers<[1], [0], [0], [1], [0, 0, 1, 1], [], []>, transpose_lhs_hint = false} : vector<1024x16xf32>, vector<16x128xf32>, vector<1024x128xf32> -> vector<1024x128xf32>
    %slice3A_196 = vector.extract_strided_slice %mul3A_57 {offsets = [0, 5120], sizes = [64, 1024], strides = [1, 1]} : vector<64x8192xf32> to vector<64x1024xf32>
    %get3A_197 = arith.constant 0 : index
    %get3A_198 = arith.constant 0 : index
    %get3A_199 = vector.load %arg4[%get3A_197, %get3A_198] : memref<64x128xf32, #tpu.memory_space<vmem>>, vector<64x128xf32>
    %dot_general3A_200 = arith.constant dense<0.000000e+00> : vector<1024x128xf32>
    %dot_general3A_201 = tpu.matmul %slice3A_196, %get3A_199, %dot_general3A_200 {dimension_numbers = #tpu.dot_dimension_numbers<[0], [0], [1], [1], [0, 1, 1, 1], [], []>, transpose_lhs_hint = false} : vector<64x1024xf32>, vector<64x128xf32>, vector<1024x128xf32> -> vector<1024x128xf32>
    %mul3A_202 = arith.constant 0.0441941731 : f32
    %mul3A_203 = vector.broadcast %mul3A_202 : f32 to vector<1024x128xf32>
    %mul3A_204 = arith.mulf %dot_general3A_201, %mul3A_203 : vector<1024x128xf32>
    %mul3A_205 = arith.mulf %mul3A_204, %dot_general3A_195 : vector<1024x128xf32>
    %dot_general3A_206 = arith.constant dense<0.000000e+00> : vector<1024x16xf32>
    %dot_general3A_207 = tpu.matmul %mul3A_205, %convert_element_type3A_118, %dot_general3A_206 {dimension_numbers = #tpu.dot_dimension_numbers<[1], [0], [0], [1], [0, 0, 1, 1], [], []>, transpose_lhs_hint = false} : vector<1024x128xf32>, vector<128x16xf32>, vector<1024x16xf32> -> vector<1024x16xf32>
    %slice3A_208 = vector.extract_strided_slice %get3A_60 {offsets = [0, 96], sizes = [1024, 16], strides = [1, 1]} : vector<1024x128xf32> to vector<1024x16xf32>
    %dot_general3A_209 = arith.constant dense<0.000000e+00> : vector<1024x128xf32>
    %dot_general3A_210 = tpu.matmul %slice3A_208, %convert_element_type3A_91, %dot_general3A_209 {dimension_numbers = #tpu.dot_dimension_numbers<[1], [0], [0], [1], [0, 0, 1, 1], [], []>, transpose_lhs_hint = false} : vector<1024x16xf32>, vector<16x128xf32>, vector<1024x128xf32> -> vector<1024x128xf32>
    %slice3A_211 = vector.extract_strided_slice %mul3A_57 {offsets = [0, 6144], sizes = [64, 1024], strides = [1, 1]} : vector<64x8192xf32> to vector<64x1024xf32>
    %get3A_212 = arith.constant 0 : index
    %get3A_213 = arith.constant 0 : index
    %get3A_214 = vector.load %arg4[%get3A_212, %get3A_213] : memref<64x128xf32, #tpu.memory_space<vmem>>, vector<64x128xf32>
    %dot_general3A_215 = arith.constant dense<0.000000e+00> : vector<1024x128xf32>
    %dot_general3A_216 = tpu.matmul %slice3A_211, %get3A_214, %dot_general3A_215 {dimension_numbers = #tpu.dot_dimension_numbers<[0], [0], [1], [1], [0, 1, 1, 1], [], []>, transpose_lhs_hint = false} : vector<64x1024xf32>, vector<64x128xf32>, vector<1024x128xf32> -> vector<1024x128xf32>
    %mul3A_217 = arith.constant 0.0441941731 : f32
    %mul3A_218 = vector.broadcast %mul3A_217 : f32 to vector<1024x128xf32>
    %mul3A_219 = arith.mulf %dot_general3A_216, %mul3A_218 : vector<1024x128xf32>
    %mul3A_220 = arith.mulf %mul3A_219, %dot_general3A_210 : vector<1024x128xf32>
    %dot_general3A_221 = arith.constant dense<0.000000e+00> : vector<1024x16xf32>
    %dot_general3A_222 = tpu.matmul %mul3A_220, %convert_element_type3A_118, %dot_general3A_221 {dimension_numbers = #tpu.dot_dimension_numbers<[1], [0], [0], [1], [0, 0, 1, 1], [], []>, transpose_lhs_hint = false} : vector<1024x128xf32>, vector<128x16xf32>, vector<1024x16xf32> -> vector<1024x16xf32>
    %slice3A_223 = vector.extract_strided_slice %get3A_60 {offsets = [0, 112], sizes = [1024, 16], strides = [1, 1]} : vector<1024x128xf32> to vector<1024x16xf32>
    %dot_general3A_224 = arith.constant dense<0.000000e+00> : vector<1024x128xf32>
    %dot_general3A_225 = tpu.matmul %slice3A_223, %convert_element_type3A_91, %dot_general3A_224 {dimension_numbers = #tpu.dot_dimension_numbers<[1], [0], [0], [1], [0, 0, 1, 1], [], []>, transpose_lhs_hint = false} : vector<1024x16xf32>, vector<16x128xf32>, vector<1024x128xf32> -> vector<1024x128xf32>
    %slice3A_226 = vector.extract_strided_slice %mul3A_57 {offsets = [0, 7168], sizes = [64, 1024], strides = [1, 1]} : vector<64x8192xf32> to vector<64x1024xf32>
    %get3A_227 = arith.constant 0 : index
    %get3A_228 = arith.constant 0 : index
    %get3A_229 = vector.load %arg4[%get3A_227, %get3A_228] : memref<64x128xf32, #tpu.memory_space<vmem>>, vector<64x128xf32>
    %dot_general3A_230 = arith.constant dense<0.000000e+00> : vector<1024x128xf32>
    %dot_general3A_231 = tpu.matmul %slice3A_226, %get3A_229, %dot_general3A_230 {dimension_numbers = #tpu.dot_dimension_numbers<[0], [0], [1], [1], [0, 1, 1, 1], [], []>, transpose_lhs_hint = false} : vector<64x1024xf32>, vector<64x128xf32>, vector<1024x128xf32> -> vector<1024x128xf32>
    %mul3A_232 = arith.constant 0.0441941731 : f32
    %mul3A_233 = vector.broadcast %mul3A_232 : f32 to vector<1024x128xf32>
    %mul3A_234 = arith.mulf %dot_general3A_231, %mul3A_233 : vector<1024x128xf32>
    %mul3A_235 = arith.mulf %mul3A_234, %dot_general3A_225 : vector<1024x128xf32>
    %dot_general3A_236 = arith.constant dense<0.000000e+00> : vector<1024x16xf32>
    %dot_general3A_237 = tpu.matmul %mul3A_235, %convert_element_type3A_118, %dot_general3A_236 {dimension_numbers = #tpu.dot_dimension_numbers<[1], [0], [0], [1], [0, 0, 1, 1], [], []>, transpose_lhs_hint = false} : vector<1024x128xf32>, vector<128x16xf32>, vector<1024x16xf32> -> vector<1024x16xf32>
    %concatenate3A = tpu.concatenate %dot_general3A_132, %dot_general3A_147, %dot_general3A_162, %dot_general3A_177, %dot_general3A_192, %dot_general3A_207, %dot_general3A_222, %dot_general3A_237 in 1 : vector<1024x16xf32>, vector<1024x16xf32>, vector<1024x16xf32>, vector<1024x16xf32>, vector<1024x16xf32>, vector<1024x16xf32>, vector<1024x16xf32>, vector<1024x16xf32> -> vector<1024x128xf32>
    %swap3A = arith.constant 0 : index
    %swap3A_238 = arith.constant 0 : index
    %swap3A_239 = vector.load %arg5[%swap3A, %swap3A_238] : memref<1024x128xf32, #tpu.memory_space<vmem>>, vector<1024x128xf32>
    tpu.vector_store %arg5[%swap3A, %swap3A_238], %concatenate3A {strides = array<i32>} : memref<1024x128xf32, #tpu.memory_space<vmem>>, vector<1024x128xf32>,
    return
  }
  func.func @transform_0(%arg0: i32) -> (i32, i32) {
    %c0_i32 = arith.constant 0 : i32
    %c0_i32_0 = arith.constant 0 : i32
    return %c0_i32, %arg0 : i32, i32
  }
  func.func @transform_1(%arg0: i32) -> (i32, i32) {
    %c0_i32 = arith.constant 0 : i32
    %c0_i32_0 = arith.constant 0 : i32
    return %arg0, %c0_i32 : i32, i32
  }
  func.func @transform_2(%arg0: i32) -> (i32, i32) {
    %c0_i32 = arith.constant 0 : i32
    %c0_i32_0 = arith.constant 0 : i32
    %c0_i32_1 = arith.constant 0 : i32
    return %c0_i32, %c0_i32_0 : i32, i32
  }
  func.func @transform_3(%arg0: i32) -> (i32, i32) {
    %c0_i32 = arith.constant 0 : i32
    %c0_i32_0 = arith.constant 0 : i32
    %c0_i32_1 = arith.constant 0 : i32
    return %c0_i32, %c0_i32_0 : i32, i32
  }
  func.func @transform_4(%arg0: i32) -> (i32, i32) {
    %c0_i32 = arith.constant 0 : i32
    %c0_i32_0 = arith.constant 0 : i32
    return %arg0, %c0_i32 : i32, i32
  }
}

module attributes {stable_mosaic.version = 14 : i64} {
  func.func @_tc_update_body(%arg0: i32, %arg1: memref<2000x16xf32, #tpu.memory_space<vmem>>, %arg2: memref<2000x16xf32, #tpu.memory_space<vmem>>, %arg3: memref<2000x16xf32, #tpu.memory_space<vmem>>, %arg4: memref<16x16xf32, #tpu.memory_space<vmem>>, %arg5: memref<16x16xf32, #tpu.memory_space<vmem>>, %arg6: memref<16x16xf32, #tpu.memory_space<vmem>>, %arg7: memref<2000x1xf32, #tpu.memory_space<vmem>>, %arg8: memref<2000x16xf32, #tpu.memory_space<vmem>>, %arg9: memref<2000x16xf32, #tpu.memory_space<vmem>>) attributes {dimension_semantics = [#tpu.dimension_semantics<arbitrary>], iteration_bounds = array<i64: 5>, scalar_prefetch = 0 : i64, scratch_operands = 0 : i64, tpu.core_type = #tpu.core_type<tc>, window_params = [{transform_indices = @transform_0, window_bounds = array<i64: 2000, 16>}, {transform_indices = @transform_1, window_bounds = array<i64: 2000, 16>}, {transform_indices = @transform_2, window_bounds = array<i64: 2000, 16>}, {pipeline_mode = #tpu.pipeline_mode<synchronous>, transform_indices = @transform_3, window_bounds = array<i64: 16, 16>}, {pipeline_mode = #tpu.pipeline_mode<synchronous>, transform_indices = @transform_4, window_bounds = array<i64: 16, 16>}, {pipeline_mode = #tpu.pipeline_mode<synchronous>, transform_indices = @transform_5, window_bounds = array<i64: 16, 16>}, {transform_indices = @transform_6, window_bounds = array<i64: 2000, 1>}, {transform_indices = @transform_7, window_bounds = array<i64: 2000, 16>}, {transform_indices = @transform_8, window_bounds = array<i64: 2000, 16>}]} {
    %get3A = arith.constant 0 : index
    %get3A_0 = arith.constant 0 : index
    %get3A_1 = vector.load %arg2[%get3A, %get3A_0] : memref<2000x16xf32, #tpu.memory_space<vmem>>, vector<2000x16xf32>
    %get3A_2 = arith.constant 0 : index
    %get3A_3 = arith.constant 0 : index
    %get3A_4 = vector.load %arg3[%get3A_2, %get3A_3] : memref<2000x16xf32, #tpu.memory_space<vmem>>, vector<2000x16xf32>
    %add3A = arith.addf %get3A_1, %get3A_4 : vector<2000x16xf32>
    %mul3A = arith.constant 2.500000e-01 : f32
    %mul3A_5 = vector.broadcast %mul3A : f32 to vector<2000x16xf32>
    %mul3A_6 = arith.mulf %add3A, %mul3A_5 : vector<2000x16xf32>
    %get3A_7 = arith.constant 0 : index
    %get3A_8 = arith.constant 0 : index
    %get3A_9 = vector.load %arg1[%get3A_7, %get3A_8] : memref<2000x16xf32, #tpu.memory_space<vmem>>, vector<2000x16xf32>
    %get3A_10 = arith.constant 0 : index
    %get3A_11 = arith.constant 0 : index
    %get3A_12 = vector.load %arg4[%get3A_10, %get3A_11] : memref<16x16xf32, #tpu.memory_space<vmem>>, vector<16x16xf32>
    %dot_general3A = arith.constant dense<0.000000e+00> : vector<2000x16xf32>
    %dot_general3A_13 = tpu.matmul %mul3A_6, %get3A_12, %dot_general3A {dimension_numbers = #tpu.dot_dimension_numbers<[1], [0], [0], [1], [0, 0, 1, 1], [], []>, transpose_lhs_hint = false} : vector<2000x16xf32>, vector<16x16xf32>, vector<2000x16xf32> -> vector<2000x16xf32>
    %mul3A_14 = arith.constant 2.500000e-01 : f32
    %mul3A_15 = vector.broadcast %mul3A_14 : f32 to vector<2000x16xf32>
    %mul3A_16 = arith.mulf %dot_general3A_13, %mul3A_15 : vector<2000x16xf32>
    %add3A_17 = arith.addf %get3A_9, %mul3A_16 : vector<2000x16xf32>
    %mul3A_18 = arith.mulf %add3A_17, %add3A_17 : vector<2000x16xf32>
    %reduce_sum3A = arith.constant dense<0.000000e+00> : vector<2000xf32>
    %reduce_sum3A_19 = vector.multi_reduction <add>, %mul3A_18, %reduce_sum3A [1] : vector<2000x16xf32> to vector<2000xf32>
    %broadcast_in_dim3A = vector.shape_cast %reduce_sum3A_19 : vector<2000xf32> to vector<2000x1xf32>
    %div3A = arith.constant 1.600000e+01 : f32
    %div3A_20 = vector.broadcast %div3A : f32 to vector<2000x1xf32>
    %div3A_21 = arith.divf %broadcast_in_dim3A, %div3A_20 : vector<2000x1xf32>
    %add3A_22 = arith.constant 9.99999997E-7 : f32
    %add3A_23 = vector.broadcast %add3A_22 : f32 to vector<2000x1xf32>
    %add3A_24 = arith.addf %div3A_21, %add3A_23 : vector<2000x1xf32>
    %rsqrt3A = math.rsqrt %add3A_24 : vector<2000x1xf32>
    %mul3A_25 = vector.broadcast %rsqrt3A : vector<2000x1xf32> to vector<2000x16xf32>
    %mul3A_26 = arith.mulf %add3A_17, %mul3A_25 : vector<2000x16xf32>
    %logistic3A = arith.negf %mul3A_26 : vector<2000x16xf32>
    %logistic3A_27 = math.exp %logistic3A : vector<2000x16xf32>
    %logistic3A_28 = arith.constant 1.000000e+00 : f32
    %logistic3A_29 = vector.broadcast %logistic3A_28 : f32 to vector<2000x16xf32>
    %logistic3A_30 = arith.addf %logistic3A_29, %logistic3A_27 : vector<2000x16xf32>
    %logistic3A_31 = arith.divf %logistic3A_29, %logistic3A_30 : vector<2000x16xf32>
    %mul3A_32 = arith.mulf %mul3A_26, %logistic3A_31 : vector<2000x16xf32>
    %get3A_33 = arith.constant 0 : index
    %get3A_34 = arith.constant 0 : index
    %get3A_35 = vector.load %arg5[%get3A_33, %get3A_34] : memref<16x16xf32, #tpu.memory_space<vmem>>, vector<16x16xf32>
    %dot_general3A_36 = arith.constant dense<0.000000e+00> : vector<2000x16xf32>
    %dot_general3A_37 = tpu.matmul %mul3A_32, %get3A_35, %dot_general3A_36 {dimension_numbers = #tpu.dot_dimension_numbers<[1], [0], [0], [1], [0, 0, 1, 1], [], []>, transpose_lhs_hint = false} : vector<2000x16xf32>, vector<16x16xf32>, vector<2000x16xf32> -> vector<2000x16xf32>
    %mul3A_38 = arith.constant 2.500000e-01 : f32
    %mul3A_39 = vector.broadcast %mul3A_38 : f32 to vector<2000x16xf32>
    %mul3A_40 = arith.mulf %dot_general3A_37, %mul3A_39 : vector<2000x16xf32>
    %get3A_41 = arith.constant 0 : index
    %get3A_42 = arith.constant 0 : index
    %get3A_43 = vector.load %arg7[%get3A_41, %get3A_42] : memref<2000x1xf32, #tpu.memory_space<vmem>>, vector<2000x1xf32>
    %mul3A_44 = vector.broadcast %get3A_43 : vector<2000x1xf32> to vector<2000x16xf32>
    %mul3A_45 = arith.mulf %mul3A_40, %mul3A_44 : vector<2000x16xf32>
    %swap3A = arith.constant 0 : index
    %swap3A_46 = arith.constant 0 : index
    %swap3A_47 = vector.load %arg8[%swap3A, %swap3A_46] : memref<2000x16xf32, #tpu.memory_space<vmem>>, vector<2000x16xf32>
    tpu.vector_store %arg8[%swap3A, %swap3A_46], %mul3A_45 {strides = array<i32>} : memref<2000x16xf32, #tpu.memory_space<vmem>>, vector<2000x16xf32>,
    %get3A_48 = arith.constant 0 : index
    %get3A_49 = arith.constant 0 : index
    %get3A_50 = vector.load %arg6[%get3A_48, %get3A_49] : memref<16x16xf32, #tpu.memory_space<vmem>>, vector<16x16xf32>
    %dot_general3A_51 = arith.constant dense<0.000000e+00> : vector<2000x16xf32>
    %dot_general3A_52 = tpu.matmul %mul3A_32, %get3A_50, %dot_general3A_51 {dimension_numbers = #tpu.dot_dimension_numbers<[1], [0], [0], [1], [0, 0, 1, 1], [], []>, transpose_lhs_hint = false} : vector<2000x16xf32>, vector<16x16xf32>, vector<2000x16xf32> -> vector<2000x16xf32>
    %mul3A_53 = arith.constant 2.500000e-01 : f32
    %mul3A_54 = vector.broadcast %mul3A_53 : f32 to vector<2000x16xf32>
    %mul3A_55 = arith.mulf %dot_general3A_52, %mul3A_54 : vector<2000x16xf32>
    %swap3A_56 = arith.constant 0 : index
    %swap3A_57 = arith.constant 0 : index
    %swap3A_58 = vector.load %arg9[%swap3A_56, %swap3A_57] : memref<2000x16xf32, #tpu.memory_space<vmem>>, vector<2000x16xf32>
    tpu.vector_store %arg9[%swap3A_56, %swap3A_57], %mul3A_55 {strides = array<i32>} : memref<2000x16xf32, #tpu.memory_space<vmem>>, vector<2000x16xf32>,
    return
  }
  func.func @transform_0(%arg0: i32) -> (i32, i32) {
    %c0_i32 = arith.constant 0 : i32
    %c0_i32_0 = arith.constant 0 : i32
    return %arg0, %c0_i32 : i32, i32
  }
  func.func @transform_1(%arg0: i32) -> (i32, i32) {
    %c0_i32 = arith.constant 0 : i32
    %c0_i32_0 = arith.constant 0 : i32
    return %arg0, %c0_i32 : i32, i32
  }
  func.func @transform_2(%arg0: i32) -> (i32, i32) {
    %c0_i32 = arith.constant 0 : i32
    %c0_i32_0 = arith.constant 0 : i32
    return %arg0, %c0_i32 : i32, i32
  }
  func.func @transform_3(%arg0: i32) -> (i32, i32) {
    %c0_i32 = arith.constant 0 : i32
    %c0_i32_0 = arith.constant 0 : i32
    %c0_i32_1 = arith.constant 0 : i32
    return %c0_i32, %c0_i32_0 : i32, i32
  }
  func.func @transform_4(%arg0: i32) -> (i32, i32) {
    %c0_i32 = arith.constant 0 : i32
    %c0_i32_0 = arith.constant 0 : i32
    %c0_i32_1 = arith.constant 0 : i32
    return %c0_i32, %c0_i32_0 : i32, i32
  }
  func.func @transform_5(%arg0: i32) -> (i32, i32) {
    %c0_i32 = arith.constant 0 : i32
    %c0_i32_0 = arith.constant 0 : i32
    %c0_i32_1 = arith.constant 0 : i32
    return %c0_i32, %c0_i32_0 : i32, i32
  }
  func.func @transform_6(%arg0: i32) -> (i32, i32) {
    %c0_i32 = arith.constant 0 : i32
    %c0_i32_0 = arith.constant 0 : i32
    return %arg0, %c0_i32 : i32, i32
  }
  func.func @transform_7(%arg0: i32) -> (i32, i32) {
    %c0_i32 = arith.constant 0 : i32
    %c0_i32_0 = arith.constant 0 : i32
    return %arg0, %c0_i32 : i32, i32
  }
  func.func @transform_8(%arg0: i32) -> (i32, i32) {
    %c0_i32 = arith.constant 0 : i32
    %c0_i32_0 = arith.constant 0 : i32
    return %arg0, %c0_i32 : i32, i32
  }
}

module attributes {stable_mosaic.version = 14 : i64} {
  func.func @_lambda_(%arg0: i32, %arg1: memref<1x8192xf32, #tpu.memory_space<vmem>>, %arg2: memref<1024x128xf32, #tpu.memory_space<vmem>>, %arg3: memref<8x64xf32, #tpu.memory_space<vmem>>, %arg4: memref<64x256xf32, #tpu.memory_space<vmem>>, %arg5: memref<1024x128xf32, #tpu.memory_space<vmem>>) attributes {dimension_semantics = [#tpu.dimension_semantics<arbitrary>], iteration_bounds = array<i64: 20>, scalar_prefetch = 0 : i64, scratch_operands = 0 : i64, tpu.core_type = #tpu.core_type<tc>, window_params = [{transform_indices = @transform_0, window_bounds = array<i64: 1, 8192>}, {transform_indices = @transform_1, window_bounds = array<i64: 1024, 128>}, {pipeline_mode = #tpu.pipeline_mode<synchronous>, transform_indices = @transform_2, window_bounds = array<i64: 8, 64>}, {pipeline_mode = #tpu.pipeline_mode<synchronous>, transform_indices = @transform_3, window_bounds = array<i64: 64, 256>}, {transform_indices = @transform_4, window_bounds = array<i64: 1024, 128>}]} {
    %get3A = arith.constant 0 : index
    %get3A_0 = arith.constant 0 : index
    %get3A_1 = vector.load %arg1[%get3A, %get3A_0] : memref<1x8192xf32, #tpu.memory_space<vmem>>, vector<1x8192xf32>
    %add3A = arith.constant 9.99999996E-13 : f32
    %add3A_2 = vector.broadcast %add3A : f32 to vector<1x8192xf32>
    %add3A_3 = arith.addf %get3A_1, %add3A_2 : vector<1x8192xf32>
    %sqrt3A = math.sqrt %add3A_3 : vector<1x8192xf32>
    %iota3A = tpu.iota {dimensions = array<i32: 0>} : vector<8x1xi32>
    %convert_element_type3A = arith.sitofp %iota3A : vector<8x1xi32> to vector<8x1xf32>
    %add3A_4 = arith.constant 1.000000e+00 : f32
    %add3A_5 = vector.broadcast %add3A_4 : f32 to vector<8x1xf32>
    %add3A_6 = arith.addf %convert_element_type3A, %add3A_5 : vector<8x1xf32>
    %mul3A = arith.constant 1.57079637 : f32
    %mul3A_7 = vector.broadcast %mul3A : f32 to vector<8x1xf32>
    %mul3A_8 = arith.mulf %add3A_6, %mul3A_7 : vector<8x1xf32>
    %mul3A_9 = vector.broadcast %mul3A_8 : vector<8x1xf32> to vector<8x8192xf32>
    %mul3A_10 = vector.broadcast %sqrt3A : vector<1x8192xf32> to vector<8x8192xf32>
    %mul3A_11 = arith.mulf %mul3A_9, %mul3A_10 : vector<8x8192xf32>
    %sin3A = math.sin %mul3A_11 : vector<8x8192xf32>
    %mul3A_12 = arith.constant 2.82842708 : f32
    %mul3A_13 = vector.broadcast %mul3A_12 : f32 to vector<8x8192xf32>
    %mul3A_14 = arith.mulf %sin3A, %mul3A_13 : vector<8x8192xf32>
    %add3A_15 = arith.constant 9.99999971E-10 : f32
    %add3A_16 = vector.broadcast %add3A_15 : f32 to vector<1x8192xf32>
    %add3A_17 = arith.addf %sqrt3A, %add3A_16 : vector<1x8192xf32>
    %div3A = vector.broadcast %add3A_17 : vector<1x8192xf32> to vector<8x8192xf32>
    %div3A_18 = arith.divf %mul3A_14, %div3A : vector<8x8192xf32>
    %div3A_19 = arith.constant 2.000000e+00 : f32
    %div3A_20 = vector.broadcast %div3A_19 : f32 to vector<1x8192xf32>
    %div3A_21 = arith.divf %sqrt3A, %div3A_20 : vector<1x8192xf32>
    %sub3A = arith.constant 1.000000e+00 : f32
    %sub3A_22 = vector.broadcast %sub3A : f32 to vector<1x8192xf32>
    %sub3A_23 = arith.subf %div3A_21, %sub3A_22 : vector<1x8192xf32>
    %mul3A_24 = arith.constant 2.000000e+00 : f32
    %mul3A_25 = vector.broadcast %mul3A_24 : f32 to vector<1x8192xf32>
    %mul3A_26 = arith.mulf %mul3A_25, %sub3A_23 : vector<1x8192xf32>
    %mul3A_27 = arith.constant 3.14159274 : f32
    %mul3A_28 = vector.broadcast %mul3A_27 : f32 to vector<1x8192xf32>
    %mul3A_29 = arith.mulf %mul3A_28, %mul3A_26 : vector<1x8192xf32>
    %cos3A = math.cos %mul3A_29 : vector<1x8192xf32>
    %sub3A_30 = arith.constant 1.000000e+00 : f32
    %sub3A_31 = vector.broadcast %sub3A_30 : f32 to vector<1x8192xf32>
    %sub3A_32 = arith.subf %sub3A_31, %cos3A : vector<1x8192xf32>
    %mul3A_33 = arith.constant 5.000000e-01 : f32
    %mul3A_34 = vector.broadcast %mul3A_33 : f32 to vector<1x8192xf32>
    %mul3A_35 = arith.mulf %sub3A_32, %mul3A_34 : vector<1x8192xf32>
    %gt3A = arith.constant 0.000000e+00 : f32
    %gt3A_36 = vector.broadcast %gt3A : f32 to vector<1x8192xf32>
    %gt3A_37 = arith.cmpf ogt, %mul3A_26, %gt3A_36 : vector<1x8192xf32>
    %jit3A = arith.constant 0.000000e+00 : f32
    %broadcast_in_dim3A = vector.broadcast %jit3A : f32 to vector<1x8192xf32>
    %select_n3A = arith.select %gt3A_37, %broadcast_in_dim3A, %mul3A_35 : vector<1x8192xi1>, vector<1x8192xf32>
    %lt3A = arith.constant -1.000000e+00 : f32
    %lt3A_38 = vector.broadcast %lt3A : f32 to vector<1x8192xf32>
    %lt3A_39 = arith.cmpf olt, %mul3A_26, %lt3A_38 : vector<1x8192xf32>
    %jit3A_40 = arith.constant 1.000000e+00 : f32
    %broadcast_in_dim3A_41 = vector.broadcast %jit3A_40 : f32 to vector<1x8192xf32>
    %select_n3A_42 = arith.select %lt3A_39, %broadcast_in_dim3A_41, %select_n3A : vector<1x8192xi1>, vector<1x8192xf32>
    %get3A_43 = arith.constant 0 : index
    %get3A_44 = arith.constant 0 : index
    %get3A_45 = vector.load %arg3[%get3A_43, %get3A_44] : memref<8x64xf32, #tpu.memory_space<vmem>>, vector<8x64xf32>
    %dot_general3A = arith.constant dense<0.000000e+00> : vector<64x8192xf32>
    %dot_general3A_46 = tpu.matmul %get3A_45, %div3A_18, %dot_general3A {dimension_numbers = #tpu.dot_dimension_numbers<[0], [0], [1], [1], [0, 1, 1, 1], [], []>, transpose_lhs_hint = false} : vector<8x64xf32>, vector<8x8192xf32>, vector<64x8192xf32> -> vector<64x8192xf32>
    %mul3A_47 = arith.constant 0.353553385 : f32
    %mul3A_48 = vector.broadcast %mul3A_47 : f32 to vector<64x8192xf32>
    %mul3A_49 = arith.mulf %dot_general3A_46, %mul3A_48 : vector<64x8192xf32>
    %logistic3A = arith.negf %mul3A_49 : vector<64x8192xf32>
    %logistic3A_50 = math.exp %logistic3A : vector<64x8192xf32>
    %logistic3A_51 = arith.constant 1.000000e+00 : f32
    %logistic3A_52 = vector.broadcast %logistic3A_51 : f32 to vector<64x8192xf32>
    %logistic3A_53 = arith.addf %logistic3A_52, %logistic3A_50 : vector<64x8192xf32>
    %logistic3A_54 = arith.divf %logistic3A_52, %logistic3A_53 : vector<64x8192xf32>
    %mul3A_55 = arith.mulf %mul3A_49, %logistic3A_54 : vector<64x8192xf32>
    %mul3A_56 = vector.broadcast %select_n3A_42 : vector<1x8192xf32> to vector<64x8192xf32>
    %mul3A_57 = arith.mulf %mul3A_55, %mul3A_56 : vector<64x8192xf32>
    %get3A_58 = arith.constant 0 : index
    %get3A_59 = arith.constant 0 : index
    %get3A_60 = vector.load %arg2[%get3A_58, %get3A_59] : memref<1024x128xf32, #tpu.memory_space<vmem>>, vector<1024x128xf32>
    %iota3A_61 = tpu.iota {dimensions = array<i32: 1>} : vector<16x256xi32>
    %iota3A_62 = tpu.iota {dimensions = array<i32: 0>} : vector<16x256xi32>
    %jit3A_63 = arith.constant 16 : i32
    %div3A_64 = vector.broadcast %jit3A_63 : i32 to vector<16x256xi32>
    %div3A_65 = arith.divsi %iota3A_61, %div3A_64 : vector<16x256xi32>
    %sign3A = arith.constant 0 : i32
    %sign3A_66 = vector.broadcast %sign3A : i32 to vector<16x256xi32>
    %sign3A_67 = arith.cmpi sgt, %iota3A_61, %sign3A_66 : vector<16x256xi32>
    %sign3A_68 = arith.extui %sign3A_67 : vector<16x256xi1> to vector<16x256xi32>
    %sign3A_69 = arith.constant 0 : i32
    %sign3A_70 = vector.broadcast %sign3A_69 : i32 to vector<16x256xi32>
    %sign3A_71 = arith.cmpi slt, %iota3A_61, %sign3A_70 : vector<16x256xi32>
    %sign3A_72 = arith.extui %sign3A_71 : vector<16x256xi1> to vector<16x256xi32>
    %sign3A_73 = arith.subi %sign3A_68, %sign3A_72 : vector<16x256xi32>
    %sign3A_74 = arith.constant 0 : i32
    %sign3A_75 = arith.cmpi sgt, %jit3A_63, %sign3A_74 : i32
    %sign3A_76 = arith.extui %sign3A_75 : i1 to i32
    %sign3A_77 = arith.constant 0 : i32
    %sign3A_78 = arith.cmpi slt, %jit3A_63, %sign3A_77 : i32
    %sign3A_79 = arith.extui %sign3A_78 : i1 to i32
    %sign3A_80 = arith.subi %sign3A_76, %sign3A_79 : i32
    %ne3A = vector.broadcast %sign3A_80 : i32 to vector<16x256xi32>
    %ne3A_81 = arith.cmpi ne, %sign3A_73, %ne3A : vector<16x256xi32>
    %rem3A = vector.broadcast %jit3A_63 : i32 to vector<16x256xi32>
    %rem3A_82 = arith.remsi %iota3A_61, %rem3A : vector<16x256xi32>
    %ne3A_83 = arith.constant 0 : i32
    %ne3A_84 = vector.broadcast %ne3A_83 : i32 to vector<16x256xi32>
    %ne3A_85 = arith.cmpi ne, %rem3A_82, %ne3A_84 : vector<16x256xi32>
    %and3A = arith.andi %ne3A_81, %ne3A_85 : vector<16x256xi1>
    %sub3A_86 = arith.constant 1 : i32
    %sub3A_87 = vector.broadcast %sub3A_86 : i32 to vector<16x256xi32>
    %sub3A_88 = arith.subi %div3A_65, %sub3A_87 : vector<16x256xi32>
    %select_n3A_89 = arith.select %and3A, %sub3A_88, %div3A_65 : vector<16x256xi1>, vector<16x256xi32>
    %eq3A = arith.cmpi eq, %select_n3A_89, %iota3A_62 : vector<16x256xi32>
    %convert_element_type3A_90 = arith.extui %eq3A : vector<16x256xi1> to vector<16x256xi32>
    %convert_element_type3A_91 = arith.sitofp %convert_element_type3A_90 : vector<16x256xi32> to vector<16x256xf32>
    %iota3A_92 = tpu.iota {dimensions = array<i32: 0>} : vector<256x16xi32>
    %iota3A_93 = tpu.iota {dimensions = array<i32: 1>} : vector<256x16xi32>
    %jit3A_94 = arith.constant 16 : i32
    %eq3A_95 = arith.constant 0 : i32
    %eq3A_96 = arith.cmpi eq, %jit3A_94, %eq3A_95 : i32
    %jit3A_97 = arith.constant 1 : i32
    %select_n3A_98 = arith.select %eq3A_96, %jit3A_97, %jit3A_94 : i32
    %rem3A_99 = vector.broadcast %select_n3A_98 : i32 to vector<256x16xi32>
    %rem3A_100 = arith.remsi %iota3A_92, %rem3A_99 : vector<256x16xi32>
    %ne3A_101 = arith.constant 0 : i32
    %ne3A_102 = vector.broadcast %ne3A_101 : i32 to vector<256x16xi32>
    %ne3A_103 = arith.cmpi ne, %rem3A_100, %ne3A_102 : vector<256x16xi32>
    %lt3A_104 = arith.constant 0 : i32
    %lt3A_105 = vector.broadcast %lt3A_104 : i32 to vector<256x16xi32>
    %lt3A_106 = arith.cmpi slt, %rem3A_100, %lt3A_105 : vector<256x16xi32>
    %lt3A_107 = arith.constant 0 : i32
    %lt3A_108 = arith.cmpi slt, %select_n3A_98, %lt3A_107 : i32
    %ne3A_109 = vector.broadcast %lt3A_108 : i1 to vector<256x16xi1>
    %ne3A_110 = vector.broadcast %ne3A_109 : vector<256x16xi1> to vector<256x16xi1>
    %ne3A_111 = arith.xori %lt3A_106, %ne3A_110 : vector<256x16xi1>
    %and3A_112 = arith.andi %ne3A_111, %ne3A_103 : vector<256x16xi1>
    %add3A_113 = vector.broadcast %select_n3A_98 : i32 to vector<256x16xi32>
    %add3A_114 = arith.addi %rem3A_100, %add3A_113 : vector<256x16xi32>
    %select_n3A_115 = arith.select %and3A_112, %add3A_114, %rem3A_100 : vector<256x16xi1>, vector<256x16xi32>
    %eq3A_116 = arith.cmpi eq, %select_n3A_115, %iota3A_93 : vector<256x16xi32>
    %convert_element_type3A_117 = arith.extui %eq3A_116 : vector<256x16xi1> to vector<256x16xi32>
    %convert_element_type3A_118 = arith.sitofp %convert_element_type3A_117 : vector<256x16xi32> to vector<256x16xf32>
    %slice3A = vector.extract_strided_slice %get3A_60 {offsets = [0, 0], sizes = [1024, 16], strides = [1, 1]} : vector<1024x128xf32> to vector<1024x16xf32>
    %dot_general3A_119 = arith.constant dense<0.000000e+00> : vector<1024x256xf32>
    %dot_general3A_120 = tpu.matmul %slice3A, %convert_element_type3A_91, %dot_general3A_119 {dimension_numbers = #tpu.dot_dimension_numbers<[1], [0], [0], [1], [0, 0, 1, 1], [], []>, transpose_lhs_hint = false} : vector<1024x16xf32>, vector<16x256xf32>, vector<1024x256xf32> -> vector<1024x256xf32>
    %slice3A_121 = vector.extract_strided_slice %mul3A_57 {offsets = [0, 0], sizes = [64, 1024], strides = [1, 1]} : vector<64x8192xf32> to vector<64x1024xf32>
    %get3A_122 = arith.constant 0 : index
    %get3A_123 = arith.constant 0 : index
    %get3A_124 = vector.load %arg4[%get3A_122, %get3A_123] : memref<64x256xf32, #tpu.memory_space<vmem>>, vector<64x256xf32>
    %dot_general3A_125 = arith.constant dense<0.000000e+00> : vector<1024x256xf32>
    %dot_general3A_126 = tpu.matmul %slice3A_121, %get3A_124, %dot_general3A_125 {dimension_numbers = #tpu.dot_dimension_numbers<[0], [0], [1], [1], [0, 1, 1, 1], [], []>, transpose_lhs_hint = false} : vector<64x1024xf32>, vector<64x256xf32>, vector<1024x256xf32> -> vector<1024x256xf32>
    %mul3A_127 = arith.constant 3.125000e-02 : f32
    %mul3A_128 = vector.broadcast %mul3A_127 : f32 to vector<1024x256xf32>
    %mul3A_129 = arith.mulf %dot_general3A_126, %mul3A_128 : vector<1024x256xf32>
    %mul3A_130 = arith.mulf %mul3A_129, %dot_general3A_120 : vector<1024x256xf32>
    %dot_general3A_131 = arith.constant dense<0.000000e+00> : vector<1024x16xf32>
    %dot_general3A_132 = tpu.matmul %mul3A_130, %convert_element_type3A_118, %dot_general3A_131 {dimension_numbers = #tpu.dot_dimension_numbers<[1], [0], [0], [1], [0, 0, 1, 1], [], []>, transpose_lhs_hint = false} : vector<1024x256xf32>, vector<256x16xf32>, vector<1024x16xf32> -> vector<1024x16xf32>
    %slice3A_133 = vector.extract_strided_slice %get3A_60 {offsets = [0, 16], sizes = [1024, 16], strides = [1, 1]} : vector<1024x128xf32> to vector<1024x16xf32>
    %dot_general3A_134 = arith.constant dense<0.000000e+00> : vector<1024x256xf32>
    %dot_general3A_135 = tpu.matmul %slice3A_133, %convert_element_type3A_91, %dot_general3A_134 {dimension_numbers = #tpu.dot_dimension_numbers<[1], [0], [0], [1], [0, 0, 1, 1], [], []>, transpose_lhs_hint = false} : vector<1024x16xf32>, vector<16x256xf32>, vector<1024x256xf32> -> vector<1024x256xf32>
    %slice3A_136 = vector.extract_strided_slice %mul3A_57 {offsets = [0, 1024], sizes = [64, 1024], strides = [1, 1]} : vector<64x8192xf32> to vector<64x1024xf32>
    %get3A_137 = arith.constant 0 : index
    %get3A_138 = arith.constant 0 : index
    %get3A_139 = vector.load %arg4[%get3A_137, %get3A_138] : memref<64x256xf32, #tpu.memory_space<vmem>>, vector<64x256xf32>
    %dot_general3A_140 = arith.constant dense<0.000000e+00> : vector<1024x256xf32>
    %dot_general3A_141 = tpu.matmul %slice3A_136, %get3A_139, %dot_general3A_140 {dimension_numbers = #tpu.dot_dimension_numbers<[0], [0], [1], [1], [0, 1, 1, 1], [], []>, transpose_lhs_hint = false} : vector<64x1024xf32>, vector<64x256xf32>, vector<1024x256xf32> -> vector<1024x256xf32>
    %mul3A_142 = arith.constant 3.125000e-02 : f32
    %mul3A_143 = vector.broadcast %mul3A_142 : f32 to vector<1024x256xf32>
    %mul3A_144 = arith.mulf %dot_general3A_141, %mul3A_143 : vector<1024x256xf32>
    %mul3A_145 = arith.mulf %mul3A_144, %dot_general3A_135 : vector<1024x256xf32>
    %dot_general3A_146 = arith.constant dense<0.000000e+00> : vector<1024x16xf32>
    %dot_general3A_147 = tpu.matmul %mul3A_145, %convert_element_type3A_118, %dot_general3A_146 {dimension_numbers = #tpu.dot_dimension_numbers<[1], [0], [0], [1], [0, 0, 1, 1], [], []>, transpose_lhs_hint = false} : vector<1024x256xf32>, vector<256x16xf32>, vector<1024x16xf32> -> vector<1024x16xf32>
    %slice3A_148 = vector.extract_strided_slice %get3A_60 {offsets = [0, 32], sizes = [1024, 16], strides = [1, 1]} : vector<1024x128xf32> to vector<1024x16xf32>
    %dot_general3A_149 = arith.constant dense<0.000000e+00> : vector<1024x256xf32>
    %dot_general3A_150 = tpu.matmul %slice3A_148, %convert_element_type3A_91, %dot_general3A_149 {dimension_numbers = #tpu.dot_dimension_numbers<[1], [0], [0], [1], [0, 0, 1, 1], [], []>, transpose_lhs_hint = false} : vector<1024x16xf32>, vector<16x256xf32>, vector<1024x256xf32> -> vector<1024x256xf32>
    %slice3A_151 = vector.extract_strided_slice %mul3A_57 {offsets = [0, 2048], sizes = [64, 1024], strides = [1, 1]} : vector<64x8192xf32> to vector<64x1024xf32>
    %get3A_152 = arith.constant 0 : index
    %get3A_153 = arith.constant 0 : index
    %get3A_154 = vector.load %arg4[%get3A_152, %get3A_153] : memref<64x256xf32, #tpu.memory_space<vmem>>, vector<64x256xf32>
    %dot_general3A_155 = arith.constant dense<0.000000e+00> : vector<1024x256xf32>
    %dot_general3A_156 = tpu.matmul %slice3A_151, %get3A_154, %dot_general3A_155 {dimension_numbers = #tpu.dot_dimension_numbers<[0], [0], [1], [1], [0, 1, 1, 1], [], []>, transpose_lhs_hint = false} : vector<64x1024xf32>, vector<64x256xf32>, vector<1024x256xf32> -> vector<1024x256xf32>
    %mul3A_157 = arith.constant 3.125000e-02 : f32
    %mul3A_158 = vector.broadcast %mul3A_157 : f32 to vector<1024x256xf32>
    %mul3A_159 = arith.mulf %dot_general3A_156, %mul3A_158 : vector<1024x256xf32>
    %mul3A_160 = arith.mulf %mul3A_159, %dot_general3A_150 : vector<1024x256xf32>
    %dot_general3A_161 = arith.constant dense<0.000000e+00> : vector<1024x16xf32>
    %dot_general3A_162 = tpu.matmul %mul3A_160, %convert_element_type3A_118, %dot_general3A_161 {dimension_numbers = #tpu.dot_dimension_numbers<[1], [0], [0], [1], [0, 0, 1, 1], [], []>, transpose_lhs_hint = false} : vector<1024x256xf32>, vector<256x16xf32>, vector<1024x16xf32> -> vector<1024x16xf32>
    %slice3A_163 = vector.extract_strided_slice %get3A_60 {offsets = [0, 48], sizes = [1024, 16], strides = [1, 1]} : vector<1024x128xf32> to vector<1024x16xf32>
    %dot_general3A_164 = arith.constant dense<0.000000e+00> : vector<1024x256xf32>
    %dot_general3A_165 = tpu.matmul %slice3A_163, %convert_element_type3A_91, %dot_general3A_164 {dimension_numbers = #tpu.dot_dimension_numbers<[1], [0], [0], [1], [0, 0, 1, 1], [], []>, transpose_lhs_hint = false} : vector<1024x16xf32>, vector<16x256xf32>, vector<1024x256xf32> -> vector<1024x256xf32>
    %slice3A_166 = vector.extract_strided_slice %mul3A_57 {offsets = [0, 3072], sizes = [64, 1024], strides = [1, 1]} : vector<64x8192xf32> to vector<64x1024xf32>
    %get3A_167 = arith.constant 0 : index
    %get3A_168 = arith.constant 0 : index
    %get3A_169 = vector.load %arg4[%get3A_167, %get3A_168] : memref<64x256xf32, #tpu.memory_space<vmem>>, vector<64x256xf32>
    %dot_general3A_170 = arith.constant dense<0.000000e+00> : vector<1024x256xf32>
    %dot_general3A_171 = tpu.matmul %slice3A_166, %get3A_169, %dot_general3A_170 {dimension_numbers = #tpu.dot_dimension_numbers<[0], [0], [1], [1], [0, 1, 1, 1], [], []>, transpose_lhs_hint = false} : vector<64x1024xf32>, vector<64x256xf32>, vector<1024x256xf32> -> vector<1024x256xf32>
    %mul3A_172 = arith.constant 3.125000e-02 : f32
    %mul3A_173 = vector.broadcast %mul3A_172 : f32 to vector<1024x256xf32>
    %mul3A_174 = arith.mulf %dot_general3A_171, %mul3A_173 : vector<1024x256xf32>
    %mul3A_175 = arith.mulf %mul3A_174, %dot_general3A_165 : vector<1024x256xf32>
    %dot_general3A_176 = arith.constant dense<0.000000e+00> : vector<1024x16xf32>
    %dot_general3A_177 = tpu.matmul %mul3A_175, %convert_element_type3A_118, %dot_general3A_176 {dimension_numbers = #tpu.dot_dimension_numbers<[1], [0], [0], [1], [0, 0, 1, 1], [], []>, transpose_lhs_hint = false} : vector<1024x256xf32>, vector<256x16xf32>, vector<1024x16xf32> -> vector<1024x16xf32>
    %slice3A_178 = vector.extract_strided_slice %get3A_60 {offsets = [0, 64], sizes = [1024, 16], strides = [1, 1]} : vector<1024x128xf32> to vector<1024x16xf32>
    %dot_general3A_179 = arith.constant dense<0.000000e+00> : vector<1024x256xf32>
    %dot_general3A_180 = tpu.matmul %slice3A_178, %convert_element_type3A_91, %dot_general3A_179 {dimension_numbers = #tpu.dot_dimension_numbers<[1], [0], [0], [1], [0, 0, 1, 1], [], []>, transpose_lhs_hint = false} : vector<1024x16xf32>, vector<16x256xf32>, vector<1024x256xf32> -> vector<1024x256xf32>
    %slice3A_181 = vector.extract_strided_slice %mul3A_57 {offsets = [0, 4096], sizes = [64, 1024], strides = [1, 1]} : vector<64x8192xf32> to vector<64x1024xf32>
    %get3A_182 = arith.constant 0 : index
    %get3A_183 = arith.constant 0 : index
    %get3A_184 = vector.load %arg4[%get3A_182, %get3A_183] : memref<64x256xf32, #tpu.memory_space<vmem>>, vector<64x256xf32>
    %dot_general3A_185 = arith.constant dense<0.000000e+00> : vector<1024x256xf32>
    %dot_general3A_186 = tpu.matmul %slice3A_181, %get3A_184, %dot_general3A_185 {dimension_numbers = #tpu.dot_dimension_numbers<[0], [0], [1], [1], [0, 1, 1, 1], [], []>, transpose_lhs_hint = false} : vector<64x1024xf32>, vector<64x256xf32>, vector<1024x256xf32> -> vector<1024x256xf32>
    %mul3A_187 = arith.constant 3.125000e-02 : f32
    %mul3A_188 = vector.broadcast %mul3A_187 : f32 to vector<1024x256xf32>
    %mul3A_189 = arith.mulf %dot_general3A_186, %mul3A_188 : vector<1024x256xf32>
    %mul3A_190 = arith.mulf %mul3A_189, %dot_general3A_180 : vector<1024x256xf32>
    %dot_general3A_191 = arith.constant dense<0.000000e+00> : vector<1024x16xf32>
    %dot_general3A_192 = tpu.matmul %mul3A_190, %convert_element_type3A_118, %dot_general3A_191 {dimension_numbers = #tpu.dot_dimension_numbers<[1], [0], [0], [1], [0, 0, 1, 1], [], []>, transpose_lhs_hint = false} : vector<1024x256xf32>, vector<256x16xf32>, vector<1024x16xf32> -> vector<1024x16xf32>
    %slice3A_193 = vector.extract_strided_slice %get3A_60 {offsets = [0, 80], sizes = [1024, 16], strides = [1, 1]} : vector<1024x128xf32> to vector<1024x16xf32>
    %dot_general3A_194 = arith.constant dense<0.000000e+00> : vector<1024x256xf32>
    %dot_general3A_195 = tpu.matmul %slice3A_193, %convert_element_type3A_91, %dot_general3A_194 {dimension_numbers = #tpu.dot_dimension_numbers<[1], [0], [0], [1], [0, 0, 1, 1], [], []>, transpose_lhs_hint = false} : vector<1024x16xf32>, vector<16x256xf32>, vector<1024x256xf32> -> vector<1024x256xf32>
    %slice3A_196 = vector.extract_strided_slice %mul3A_57 {offsets = [0, 5120], sizes = [64, 1024], strides = [1, 1]} : vector<64x8192xf32> to vector<64x1024xf32>
    %get3A_197 = arith.constant 0 : index
    %get3A_198 = arith.constant 0 : index
    %get3A_199 = vector.load %arg4[%get3A_197, %get3A_198] : memref<64x256xf32, #tpu.memory_space<vmem>>, vector<64x256xf32>
    %dot_general3A_200 = arith.constant dense<0.000000e+00> : vector<1024x256xf32>
    %dot_general3A_201 = tpu.matmul %slice3A_196, %get3A_199, %dot_general3A_200 {dimension_numbers = #tpu.dot_dimension_numbers<[0], [0], [1], [1], [0, 1, 1, 1], [], []>, transpose_lhs_hint = false} : vector<64x1024xf32>, vector<64x256xf32>, vector<1024x256xf32> -> vector<1024x256xf32>
    %mul3A_202 = arith.constant 3.125000e-02 : f32
    %mul3A_203 = vector.broadcast %mul3A_202 : f32 to vector<1024x256xf32>
    %mul3A_204 = arith.mulf %dot_general3A_201, %mul3A_203 : vector<1024x256xf32>
    %mul3A_205 = arith.mulf %mul3A_204, %dot_general3A_195 : vector<1024x256xf32>
    %dot_general3A_206 = arith.constant dense<0.000000e+00> : vector<1024x16xf32>
    %dot_general3A_207 = tpu.matmul %mul3A_205, %convert_element_type3A_118, %dot_general3A_206 {dimension_numbers = #tpu.dot_dimension_numbers<[1], [0], [0], [1], [0, 0, 1, 1], [], []>, transpose_lhs_hint = false} : vector<1024x256xf32>, vector<256x16xf32>, vector<1024x16xf32> -> vector<1024x16xf32>
    %slice3A_208 = vector.extract_strided_slice %get3A_60 {offsets = [0, 96], sizes = [1024, 16], strides = [1, 1]} : vector<1024x128xf32> to vector<1024x16xf32>
    %dot_general3A_209 = arith.constant dense<0.000000e+00> : vector<1024x256xf32>
    %dot_general3A_210 = tpu.matmul %slice3A_208, %convert_element_type3A_91, %dot_general3A_209 {dimension_numbers = #tpu.dot_dimension_numbers<[1], [0], [0], [1], [0, 0, 1, 1], [], []>, transpose_lhs_hint = false} : vector<1024x16xf32>, vector<16x256xf32>, vector<1024x256xf32> -> vector<1024x256xf32>
    %slice3A_211 = vector.extract_strided_slice %mul3A_57 {offsets = [0, 6144], sizes = [64, 1024], strides = [1, 1]} : vector<64x8192xf32> to vector<64x1024xf32>
    %get3A_212 = arith.constant 0 : index
    %get3A_213 = arith.constant 0 : index
    %get3A_214 = vector.load %arg4[%get3A_212, %get3A_213] : memref<64x256xf32, #tpu.memory_space<vmem>>, vector<64x256xf32>
    %dot_general3A_215 = arith.constant dense<0.000000e+00> : vector<1024x256xf32>
    %dot_general3A_216 = tpu.matmul %slice3A_211, %get3A_214, %dot_general3A_215 {dimension_numbers = #tpu.dot_dimension_numbers<[0], [0], [1], [1], [0, 1, 1, 1], [], []>, transpose_lhs_hint = false} : vector<64x1024xf32>, vector<64x256xf32>, vector<1024x256xf32> -> vector<1024x256xf32>
    %mul3A_217 = arith.constant 3.125000e-02 : f32
    %mul3A_218 = vector.broadcast %mul3A_217 : f32 to vector<1024x256xf32>
    %mul3A_219 = arith.mulf %dot_general3A_216, %mul3A_218 : vector<1024x256xf32>
    %mul3A_220 = arith.mulf %mul3A_219, %dot_general3A_210 : vector<1024x256xf32>
    %dot_general3A_221 = arith.constant dense<0.000000e+00> : vector<1024x16xf32>
    %dot_general3A_222 = tpu.matmul %mul3A_220, %convert_element_type3A_118, %dot_general3A_221 {dimension_numbers = #tpu.dot_dimension_numbers<[1], [0], [0], [1], [0, 0, 1, 1], [], []>, transpose_lhs_hint = false} : vector<1024x256xf32>, vector<256x16xf32>, vector<1024x16xf32> -> vector<1024x16xf32>
    %slice3A_223 = vector.extract_strided_slice %get3A_60 {offsets = [0, 112], sizes = [1024, 16], strides = [1, 1]} : vector<1024x128xf32> to vector<1024x16xf32>
    %dot_general3A_224 = arith.constant dense<0.000000e+00> : vector<1024x256xf32>
    %dot_general3A_225 = tpu.matmul %slice3A_223, %convert_element_type3A_91, %dot_general3A_224 {dimension_numbers = #tpu.dot_dimension_numbers<[1], [0], [0], [1], [0, 0, 1, 1], [], []>, transpose_lhs_hint = false} : vector<1024x16xf32>, vector<16x256xf32>, vector<1024x256xf32> -> vector<1024x256xf32>
    %slice3A_226 = vector.extract_strided_slice %mul3A_57 {offsets = [0, 7168], sizes = [64, 1024], strides = [1, 1]} : vector<64x8192xf32> to vector<64x1024xf32>
    %get3A_227 = arith.constant 0 : index
    %get3A_228 = arith.constant 0 : index
    %get3A_229 = vector.load %arg4[%get3A_227, %get3A_228] : memref<64x256xf32, #tpu.memory_space<vmem>>, vector<64x256xf32>
    %dot_general3A_230 = arith.constant dense<0.000000e+00> : vector<1024x256xf32>
    %dot_general3A_231 = tpu.matmul %slice3A_226, %get3A_229, %dot_general3A_230 {dimension_numbers = #tpu.dot_dimension_numbers<[0], [0], [1], [1], [0, 1, 1, 1], [], []>, transpose_lhs_hint = false} : vector<64x1024xf32>, vector<64x256xf32>, vector<1024x256xf32> -> vector<1024x256xf32>
    %mul3A_232 = arith.constant 3.125000e-02 : f32
    %mul3A_233 = vector.broadcast %mul3A_232 : f32 to vector<1024x256xf32>
    %mul3A_234 = arith.mulf %dot_general3A_231, %mul3A_233 : vector<1024x256xf32>
    %mul3A_235 = arith.mulf %mul3A_234, %dot_general3A_225 : vector<1024x256xf32>
    %dot_general3A_236 = arith.constant dense<0.000000e+00> : vector<1024x16xf32>
    %dot_general3A_237 = tpu.matmul %mul3A_235, %convert_element_type3A_118, %dot_general3A_236 {dimension_numbers = #tpu.dot_dimension_numbers<[1], [0], [0], [1], [0, 0, 1, 1], [], []>, transpose_lhs_hint = false} : vector<1024x256xf32>, vector<256x16xf32>, vector<1024x16xf32> -> vector<1024x16xf32>
    %concatenate3A = tpu.concatenate %dot_general3A_132, %dot_general3A_147, %dot_general3A_162, %dot_general3A_177, %dot_general3A_192, %dot_general3A_207, %dot_general3A_222, %dot_general3A_237 in 1 : vector<1024x16xf32>, vector<1024x16xf32>, vector<1024x16xf32>, vector<1024x16xf32>, vector<1024x16xf32>, vector<1024x16xf32>, vector<1024x16xf32>, vector<1024x16xf32> -> vector<1024x128xf32>
    %swap3A = arith.constant 0 : index
    %swap3A_238 = arith.constant 0 : index
    %swap3A_239 = vector.load %arg5[%swap3A, %swap3A_238] : memref<1024x128xf32, #tpu.memory_space<vmem>>, vector<1024x128xf32>
    tpu.vector_store %arg5[%swap3A, %swap3A_238], %concatenate3A {strides = array<i32>} : memref<1024x128xf32, #tpu.memory_space<vmem>>, vector<1024x128xf32>,
    return
  }
  func.func @transform_0(%arg0: i32) -> (i32, i32) {
    %c0_i32 = arith.constant 0 : i32
    %c0_i32_0 = arith.constant 0 : i32
    return %c0_i32, %arg0 : i32, i32
  }
  func.func @transform_1(%arg0: i32) -> (i32, i32) {
    %c0_i32 = arith.constant 0 : i32
    %c0_i32_0 = arith.constant 0 : i32
    return %arg0, %c0_i32 : i32, i32
  }
  func.func @transform_2(%arg0: i32) -> (i32, i32) {
    %c0_i32 = arith.constant 0 : i32
    %c0_i32_0 = arith.constant 0 : i32
    %c0_i32_1 = arith.constant 0 : i32
    return %c0_i32, %c0_i32_0 : i32, i32
  }
  func.func @transform_3(%arg0: i32) -> (i32, i32) {
    %c0_i32 = arith.constant 0 : i32
    %c0_i32_0 = arith.constant 0 : i32
    %c0_i32_1 = arith.constant 0 : i32
    return %c0_i32, %c0_i32_0 : i32, i32
  }
  func.func @transform_4(%arg0: i32) -> (i32, i32) {
    %c0_i32 = arith.constant 0 : i32
    %c0_i32_0 = arith.constant 0 : i32
    return %arg0, %c0_i32 : i32, i32
  }
}

module attributes {stable_mosaic.version = 14 : i64} {
  func.func @_tc_final_body(%arg0: i32, %arg1: memref<2000x16xf32, #tpu.memory_space<vmem>>, %arg2: memref<2000x16xf32, #tpu.memory_space<vmem>>, %arg3: memref<2000x16xf32, #tpu.memory_space<vmem>>, %arg4: memref<16x16xf32, #tpu.memory_space<vmem>>, %arg5: memref<256x16xf32, #tpu.memory_space<vmem>>, %arg6: memref<256x1xf32, #tpu.memory_space<vmem>>, %arg7: memref<1x1xf32, #tpu.memory_space<vmem>>) attributes {dimension_semantics = [#tpu.dimension_semantics<arbitrary>], iteration_bounds = array<i64: 5>, scalar_prefetch = 0 : i64, scratch_operands = 0 : i64, tpu.core_type = #tpu.core_type<tc>, window_params = [{transform_indices = @transform_0, window_bounds = array<i64: 2000, 16>}, {transform_indices = @transform_1, window_bounds = array<i64: 2000, 16>}, {transform_indices = @transform_2, window_bounds = array<i64: 2000, 16>}, {pipeline_mode = #tpu.pipeline_mode<synchronous>, transform_indices = @transform_3, window_bounds = array<i64: 16, 16>}, {pipeline_mode = #tpu.pipeline_mode<synchronous>, transform_indices = @transform_4, window_bounds = array<i64: 256, 16>}, {pipeline_mode = #tpu.pipeline_mode<synchronous>, transform_indices = @transform_5, window_bounds = array<i64: 256, 1>}, {pipeline_mode = #tpu.pipeline_mode<synchronous>, transform_indices = @transform_6, window_bounds = array<i64: 1, 1>}]} {
    %get3A = arith.constant 0 : index
    %get3A_0 = arith.constant 0 : index
    %get3A_1 = vector.load %arg2[%get3A, %get3A_0] : memref<2000x16xf32, #tpu.memory_space<vmem>>, vector<2000x16xf32>
    %get3A_2 = arith.constant 0 : index
    %get3A_3 = arith.constant 0 : index
    %get3A_4 = vector.load %arg3[%get3A_2, %get3A_3] : memref<2000x16xf32, #tpu.memory_space<vmem>>, vector<2000x16xf32>
    %add3A = arith.addf %get3A_1, %get3A_4 : vector<2000x16xf32>
    %mul3A = arith.constant 2.500000e-01 : f32
    %mul3A_5 = vector.broadcast %mul3A : f32 to vector<2000x16xf32>
    %mul3A_6 = arith.mulf %add3A, %mul3A_5 : vector<2000x16xf32>
    %get3A_7 = arith.constant 0 : index
    %get3A_8 = arith.constant 0 : index
    %get3A_9 = vector.load %arg1[%get3A_7, %get3A_8] : memref<2000x16xf32, #tpu.memory_space<vmem>>, vector<2000x16xf32>
    %get3A_10 = arith.constant 0 : index
    %get3A_11 = arith.constant 0 : index
    %get3A_12 = vector.load %arg4[%get3A_10, %get3A_11] : memref<16x16xf32, #tpu.memory_space<vmem>>, vector<16x16xf32>
    %dot_general3A = arith.constant dense<0.000000e+00> : vector<2000x16xf32>
    %dot_general3A_13 = tpu.matmul %mul3A_6, %get3A_12, %dot_general3A {dimension_numbers = #tpu.dot_dimension_numbers<[1], [0], [0], [1], [0, 0, 1, 1], [], []>, transpose_lhs_hint = false} : vector<2000x16xf32>, vector<16x16xf32>, vector<2000x16xf32> -> vector<2000x16xf32>
    %mul3A_14 = arith.constant 2.500000e-01 : f32
    %mul3A_15 = vector.broadcast %mul3A_14 : f32 to vector<2000x16xf32>
    %mul3A_16 = arith.mulf %dot_general3A_13, %mul3A_15 : vector<2000x16xf32>
    %add3A_17 = arith.addf %get3A_9, %mul3A_16 : vector<2000x16xf32>
    %mul3A_18 = arith.mulf %add3A_17, %add3A_17 : vector<2000x16xf32>
    %reduce_sum3A = arith.constant dense<0.000000e+00> : vector<2000xf32>
    %reduce_sum3A_19 = vector.multi_reduction <add>, %mul3A_18, %reduce_sum3A [1] : vector<2000x16xf32> to vector<2000xf32>
    %broadcast_in_dim3A = vector.shape_cast %reduce_sum3A_19 : vector<2000xf32> to vector<2000x1xf32>
    %div3A = arith.constant 1.600000e+01 : f32
    %div3A_20 = vector.broadcast %div3A : f32 to vector<2000x1xf32>
    %div3A_21 = arith.divf %broadcast_in_dim3A, %div3A_20 : vector<2000x1xf32>
    %add3A_22 = arith.constant 9.99999997E-7 : f32
    %add3A_23 = vector.broadcast %add3A_22 : f32 to vector<2000x1xf32>
    %add3A_24 = arith.addf %div3A_21, %add3A_23 : vector<2000x1xf32>
    %rsqrt3A = math.rsqrt %add3A_24 : vector<2000x1xf32>
    %mul3A_25 = vector.broadcast %rsqrt3A : vector<2000x1xf32> to vector<2000x16xf32>
    %mul3A_26 = arith.mulf %add3A_17, %mul3A_25 : vector<2000x16xf32>
    %logistic3A = arith.negf %mul3A_26 : vector<2000x16xf32>
    %logistic3A_27 = math.exp %logistic3A : vector<2000x16xf32>
    %logistic3A_28 = arith.constant 1.000000e+00 : f32
    %logistic3A_29 = vector.broadcast %logistic3A_28 : f32 to vector<2000x16xf32>
    %logistic3A_30 = arith.addf %logistic3A_29, %logistic3A_27 : vector<2000x16xf32>
    %logistic3A_31 = arith.divf %logistic3A_29, %logistic3A_30 : vector<2000x16xf32>
    %mul3A_32 = arith.mulf %mul3A_26, %logistic3A_31 : vector<2000x16xf32>
    %iota3A = tpu.iota {dimensions = array<i32: 1>} : vector<16x256xi32>
    %iota3A_33 = tpu.iota {dimensions = array<i32: 0>} : vector<16x256xi32>
    %jit3A = arith.constant 16 : i32
    %div3A_34 = vector.broadcast %jit3A : i32 to vector<16x256xi32>
    %div3A_35 = arith.divsi %iota3A, %div3A_34 : vector<16x256xi32>
    %sign3A = arith.constant 0 : i32
    %sign3A_36 = vector.broadcast %sign3A : i32 to vector<16x256xi32>
    %sign3A_37 = arith.cmpi sgt, %iota3A, %sign3A_36 : vector<16x256xi32>
    %sign3A_38 = arith.extui %sign3A_37 : vector<16x256xi1> to vector<16x256xi32>
    %sign3A_39 = arith.constant 0 : i32
    %sign3A_40 = vector.broadcast %sign3A_39 : i32 to vector<16x256xi32>
    %sign3A_41 = arith.cmpi slt, %iota3A, %sign3A_40 : vector<16x256xi32>
    %sign3A_42 = arith.extui %sign3A_41 : vector<16x256xi1> to vector<16x256xi32>
    %sign3A_43 = arith.subi %sign3A_38, %sign3A_42 : vector<16x256xi32>
    %sign3A_44 = arith.constant 0 : i32
    %sign3A_45 = arith.cmpi sgt, %jit3A, %sign3A_44 : i32
    %sign3A_46 = arith.extui %sign3A_45 : i1 to i32
    %sign3A_47 = arith.constant 0 : i32
    %sign3A_48 = arith.cmpi slt, %jit3A, %sign3A_47 : i32
    %sign3A_49 = arith.extui %sign3A_48 : i1 to i32
    %sign3A_50 = arith.subi %sign3A_46, %sign3A_49 : i32
    %ne3A = vector.broadcast %sign3A_50 : i32 to vector<16x256xi32>
    %ne3A_51 = arith.cmpi ne, %sign3A_43, %ne3A : vector<16x256xi32>
    %rem3A = vector.broadcast %jit3A : i32 to vector<16x256xi32>
    %rem3A_52 = arith.remsi %iota3A, %rem3A : vector<16x256xi32>
    %ne3A_53 = arith.constant 0 : i32
    %ne3A_54 = vector.broadcast %ne3A_53 : i32 to vector<16x256xi32>
    %ne3A_55 = arith.cmpi ne, %rem3A_52, %ne3A_54 : vector<16x256xi32>
    %and3A = arith.andi %ne3A_51, %ne3A_55 : vector<16x256xi1>
    %sub3A = arith.constant 1 : i32
    %sub3A_56 = vector.broadcast %sub3A : i32 to vector<16x256xi32>
    %sub3A_57 = arith.subi %div3A_35, %sub3A_56 : vector<16x256xi32>
    %select_n3A = arith.select %and3A, %sub3A_57, %div3A_35 : vector<16x256xi1>, vector<16x256xi32>
    %eq3A = arith.cmpi eq, %select_n3A, %iota3A_33 : vector<16x256xi32>
    %convert_element_type3A = arith.extui %eq3A : vector<16x256xi1> to vector<16x256xi32>
    %convert_element_type3A_58 = arith.sitofp %convert_element_type3A : vector<16x256xi32> to vector<16x256xf32>
    %dot_general3A_59 = arith.constant dense<0.000000e+00> : vector<2000x256xf32>
    %dot_general3A_60 = tpu.matmul %mul3A_32, %convert_element_type3A_58, %dot_general3A_59 {dimension_numbers = #tpu.dot_dimension_numbers<[1], [0], [0], [1], [0, 0, 1, 1], [], []>, transpose_lhs_hint = false} : vector<2000x16xf32>, vector<16x256xf32>, vector<2000x256xf32> -> vector<2000x256xf32>
    %iota3A_61 = tpu.iota {dimensions = array<i32: 1>} : vector<16x256xi32>
    %iota3A_62 = tpu.iota {dimensions = array<i32: 0>} : vector<16x256xi32>
    %jit3A_63 = arith.constant 16 : i32
    %eq3A_64 = arith.constant 0 : i32
    %eq3A_65 = arith.cmpi eq, %jit3A_63, %eq3A_64 : i32
    %jit3A_66 = arith.constant 1 : i32
    %select_n3A_67 = arith.select %eq3A_65, %jit3A_66, %jit3A_63 : i32
    %rem3A_68 = vector.broadcast %select_n3A_67 : i32 to vector<16x256xi32>
    %rem3A_69 = arith.remsi %iota3A_61, %rem3A_68 : vector<16x256xi32>
    %ne3A_70 = arith.constant 0 : i32
    %ne3A_71 = vector.broadcast %ne3A_70 : i32 to vector<16x256xi32>
    %ne3A_72 = arith.cmpi ne, %rem3A_69, %ne3A_71 : vector<16x256xi32>
    %lt3A = arith.constant 0 : i32
    %lt3A_73 = vector.broadcast %lt3A : i32 to vector<16x256xi32>
    %lt3A_74 = arith.cmpi slt, %rem3A_69, %lt3A_73 : vector<16x256xi32>
    %lt3A_75 = arith.constant 0 : i32
    %lt3A_76 = arith.cmpi slt, %select_n3A_67, %lt3A_75 : i32
    %ne3A_77 = vector.broadcast %lt3A_76 : i1 to vector<16x256xi1>
    %ne3A_78 = vector.broadcast %ne3A_77 : vector<16x256xi1> to vector<16x256xi1>
    %ne3A_79 = arith.xori %lt3A_74, %ne3A_78 : vector<16x256xi1>
    %and3A_80 = arith.andi %ne3A_79, %ne3A_72 : vector<16x256xi1>
    %add3A_81 = vector.broadcast %select_n3A_67 : i32 to vector<16x256xi32>
    %add3A_82 = arith.addi %rem3A_69, %add3A_81 : vector<16x256xi32>
    %select_n3A_83 = arith.select %and3A_80, %add3A_82, %rem3A_69 : vector<16x256xi1>, vector<16x256xi32>
    %eq3A_84 = arith.cmpi eq, %select_n3A_83, %iota3A_62 : vector<16x256xi32>
    %convert_element_type3A_85 = arith.extui %eq3A_84 : vector<16x256xi1> to vector<16x256xi32>
    %convert_element_type3A_86 = arith.sitofp %convert_element_type3A_85 : vector<16x256xi32> to vector<16x256xf32>
    %dot_general3A_87 = arith.constant dense<0.000000e+00> : vector<2000x256xf32>
    %dot_general3A_88 = tpu.matmul %mul3A_32, %convert_element_type3A_86, %dot_general3A_87 {dimension_numbers = #tpu.dot_dimension_numbers<[1], [0], [0], [1], [0, 0, 1, 1], [], []>, transpose_lhs_hint = false} : vector<2000x16xf32>, vector<16x256xf32>, vector<2000x256xf32> -> vector<2000x256xf32>
    %mul3A_89 = arith.mulf %dot_general3A_60, %dot_general3A_88 : vector<2000x256xf32>
    %get3A_90 = arith.constant 0 : index
    %get3A_91 = arith.constant 0 : index
    %get3A_92 = vector.load %arg5[%get3A_90, %get3A_91] : memref<256x16xf32, #tpu.memory_space<vmem>>, vector<256x16xf32>
    %dot_general3A_93 = arith.constant dense<0.000000e+00> : vector<2000x16xf32>
    %dot_general3A_94 = tpu.matmul %mul3A_89, %get3A_92, %dot_general3A_93 {dimension_numbers = #tpu.dot_dimension_numbers<[1], [0], [0], [1], [0, 0, 1, 1], [], []>, transpose_lhs_hint = false} : vector<2000x256xf32>, vector<256x16xf32>, vector<2000x16xf32> -> vector<2000x16xf32>
    %mul3A_95 = arith.constant 6.250000e-02 : f32
    %mul3A_96 = vector.broadcast %mul3A_95 : f32 to vector<2000x16xf32>
    %mul3A_97 = arith.mulf %dot_general3A_94, %mul3A_96 : vector<2000x16xf32>
    %logistic3A_98 = arith.negf %mul3A_97 : vector<2000x16xf32>
    %logistic3A_99 = math.exp %logistic3A_98 : vector<2000x16xf32>
    %logistic3A_100 = arith.constant 1.000000e+00 : f32
    %logistic3A_101 = vector.broadcast %logistic3A_100 : f32 to vector<2000x16xf32>
    %logistic3A_102 = arith.addf %logistic3A_101, %logistic3A_99 : vector<2000x16xf32>
    %logistic3A_103 = arith.divf %logistic3A_101, %logistic3A_102 : vector<2000x16xf32>
    %mul3A_104 = arith.mulf %mul3A_97, %logistic3A_103 : vector<2000x16xf32>
    %iota3A_105 = tpu.iota {dimensions = array<i32: 1>} : vector<16x256xi32>
    %iota3A_106 = tpu.iota {dimensions = array<i32: 0>} : vector<16x256xi32>
    %jit3A_107 = arith.constant 16 : i32
    %div3A_108 = vector.broadcast %jit3A_107 : i32 to vector<16x256xi32>
    %div3A_109 = arith.divsi %iota3A_105, %div3A_108 : vector<16x256xi32>
    %sign3A_110 = arith.constant 0 : i32
    %sign3A_111 = vector.broadcast %sign3A_110 : i32 to vector<16x256xi32>
    %sign3A_112 = arith.cmpi sgt, %iota3A_105, %sign3A_111 : vector<16x256xi32>
    %sign3A_113 = arith.extui %sign3A_112 : vector<16x256xi1> to vector<16x256xi32>
    %sign3A_114 = arith.constant 0 : i32
    %sign3A_115 = vector.broadcast %sign3A_114 : i32 to vector<16x256xi32>
    %sign3A_116 = arith.cmpi slt, %iota3A_105, %sign3A_115 : vector<16x256xi32>
    %sign3A_117 = arith.extui %sign3A_116 : vector<16x256xi1> to vector<16x256xi32>
    %sign3A_118 = arith.subi %sign3A_113, %sign3A_117 : vector<16x256xi32>
    %sign3A_119 = arith.constant 0 : i32
    %sign3A_120 = arith.cmpi sgt, %jit3A_107, %sign3A_119 : i32
    %sign3A_121 = arith.extui %sign3A_120 : i1 to i32
    %sign3A_122 = arith.constant 0 : i32
    %sign3A_123 = arith.cmpi slt, %jit3A_107, %sign3A_122 : i32
    %sign3A_124 = arith.extui %sign3A_123 : i1 to i32
    %sign3A_125 = arith.subi %sign3A_121, %sign3A_124 : i32
    %ne3A_126 = vector.broadcast %sign3A_125 : i32 to vector<16x256xi32>
    %ne3A_127 = arith.cmpi ne, %sign3A_118, %ne3A_126 : vector<16x256xi32>
    %rem3A_128 = vector.broadcast %jit3A_107 : i32 to vector<16x256xi32>
    %rem3A_129 = arith.remsi %iota3A_105, %rem3A_128 : vector<16x256xi32>
    %ne3A_130 = arith.constant 0 : i32
    %ne3A_131 = vector.broadcast %ne3A_130 : i32 to vector<16x256xi32>
    %ne3A_132 = arith.cmpi ne, %rem3A_129, %ne3A_131 : vector<16x256xi32>
    %and3A_133 = arith.andi %ne3A_127, %ne3A_132 : vector<16x256xi1>
    %sub3A_134 = arith.constant 1 : i32
    %sub3A_135 = vector.broadcast %sub3A_134 : i32 to vector<16x256xi32>
    %sub3A_136 = arith.subi %div3A_109, %sub3A_135 : vector<16x256xi32>
    %select_n3A_137 = arith.select %and3A_133, %sub3A_136, %div3A_109 : vector<16x256xi1>, vector<16x256xi32>
    %eq3A_138 = arith.cmpi eq, %select_n3A_137, %iota3A_106 : vector<16x256xi32>
    %convert_element_type3A_139 = arith.extui %eq3A_138 : vector<16x256xi1> to vector<16x256xi32>
    %convert_element_type3A_140 = arith.sitofp %convert_element_type3A_139 : vector<16x256xi32> to vector<16x256xf32>
    %dot_general3A_141 = arith.constant dense<0.000000e+00> : vector<2000x256xf32>
    %dot_general3A_142 = tpu.matmul %mul3A_104, %convert_element_type3A_140, %dot_general3A_141 {dimension_numbers = #tpu.dot_dimension_numbers<[1], [0], [0], [1], [0, 0, 1, 1], [], []>, transpose_lhs_hint = false} : vector<2000x16xf32>, vector<16x256xf32>, vector<2000x256xf32> -> vector<2000x256xf32>
    %iota3A_143 = tpu.iota {dimensions = array<i32: 1>} : vector<16x256xi32>
    %iota3A_144 = tpu.iota {dimensions = array<i32: 0>} : vector<16x256xi32>
    %jit3A_145 = arith.constant 16 : i32
    %eq3A_146 = arith.constant 0 : i32
    %eq3A_147 = arith.cmpi eq, %jit3A_145, %eq3A_146 : i32
    %jit3A_148 = arith.constant 1 : i32
    %select_n3A_149 = arith.select %eq3A_147, %jit3A_148, %jit3A_145 : i32
    %rem3A_150 = vector.broadcast %select_n3A_149 : i32 to vector<16x256xi32>
    %rem3A_151 = arith.remsi %iota3A_143, %rem3A_150 : vector<16x256xi32>
    %ne3A_152 = arith.constant 0 : i32
    %ne3A_153 = vector.broadcast %ne3A_152 : i32 to vector<16x256xi32>
    %ne3A_154 = arith.cmpi ne, %rem3A_151, %ne3A_153 : vector<16x256xi32>
    %lt3A_155 = arith.constant 0 : i32
    %lt3A_156 = vector.broadcast %lt3A_155 : i32 to vector<16x256xi32>
    %lt3A_157 = arith.cmpi slt, %rem3A_151, %lt3A_156 : vector<16x256xi32>
    %lt3A_158 = arith.constant 0 : i32
    %lt3A_159 = arith.cmpi slt, %select_n3A_149, %lt3A_158 : i32
    %ne3A_160 = vector.broadcast %lt3A_159 : i1 to vector<16x256xi1>
    %ne3A_161 = vector.broadcast %ne3A_160 : vector<16x256xi1> to vector<16x256xi1>
    %ne3A_162 = arith.xori %lt3A_157, %ne3A_161 : vector<16x256xi1>
    %and3A_163 = arith.andi %ne3A_162, %ne3A_154 : vector<16x256xi1>
    %add3A_164 = vector.broadcast %select_n3A_149 : i32 to vector<16x256xi32>
    %add3A_165 = arith.addi %rem3A_151, %add3A_164 : vector<16x256xi32>
    %select_n3A_166 = arith.select %and3A_163, %add3A_165, %rem3A_151 : vector<16x256xi1>, vector<16x256xi32>
    %eq3A_167 = arith.cmpi eq, %select_n3A_166, %iota3A_144 : vector<16x256xi32>
    %convert_element_type3A_168 = arith.extui %eq3A_167 : vector<16x256xi1> to vector<16x256xi32>
    %convert_element_type3A_169 = arith.sitofp %convert_element_type3A_168 : vector<16x256xi32> to vector<16x256xf32>
    %dot_general3A_170 = arith.constant dense<0.000000e+00> : vector<2000x256xf32>
    %dot_general3A_171 = tpu.matmul %mul3A_104, %convert_element_type3A_169, %dot_general3A_170 {dimension_numbers = #tpu.dot_dimension_numbers<[1], [0], [0], [1], [0, 0, 1, 1], [], []>, transpose_lhs_hint = false} : vector<2000x16xf32>, vector<16x256xf32>, vector<2000x256xf32> -> vector<2000x256xf32>
    %mul3A_172 = arith.mulf %dot_general3A_142, %dot_general3A_171 : vector<2000x256xf32>
    %get3A_173 = arith.constant 0 : index
    %get3A_174 = arith.constant 0 : index
    %get3A_175 = vector.load %arg6[%get3A_173, %get3A_174] : memref<256x1xf32, #tpu.memory_space<vmem>>, vector<256x1xf32>
    %dot_general3A_176 = arith.constant dense<0.000000e+00> : vector<2000x1xf32>
    %dot_general3A_177 = tpu.matmul %mul3A_172, %get3A_175, %dot_general3A_176 {dimension_numbers = #tpu.dot_dimension_numbers<[1], [0], [0], [1], [0, 0, 1, 1], [], []>, transpose_lhs_hint = false} : vector<2000x256xf32>, vector<256x1xf32>, vector<2000x1xf32> -> vector<2000x1xf32>
    %mul3A_178 = arith.constant 6.250000e-02 : f32
    %mul3A_179 = vector.broadcast %mul3A_178 : f32 to vector<2000x1xf32>
    %mul3A_180 = arith.mulf %dot_general3A_177, %mul3A_179 : vector<2000x1xf32>
    %reduce_sum3A_181 = vector.shape_cast %mul3A_180 : vector<2000x1xf32> to vector<1x2000x1xf32>
    %reduce_sum3A_182 = arith.constant dense<0.000000e+00> : vector<1xf32>
    %reduce_sum3A_183 = vector.multi_reduction <add>, %reduce_sum3A_181, %reduce_sum3A_182 [1, 2] : vector<1x2000x1xf32> to vector<1xf32>
    %reduce_sum3A_184 = vector.shape_cast %reduce_sum3A_183 : vector<1xf32> to vector<1x1x1xf32>
    %reduce_sum3A_185 = vector.extract %reduce_sum3A_184[0, 0, 0] : f32 from vector<1x1x1xf32>
    %mul3A_186 = arith.constant 0.00999999977 : f32
    %mul3A_187 = arith.mulf %reduce_sum3A_185, %mul3A_186 : f32
    %eq3A_188 = arith.constant 0 : i32
    %eq3A_189 = arith.cmpi eq, %arg0, %eq3A_188 : i32
    %convert_element_type3A_190 = arith.extui %eq3A_189 : i1 to i32
    %cond3A = arith.constant 0 : i32
    %cond3A_191 = arith.cmpi ne, %convert_element_type3A_190, %cond3A : i32
    scf.if %cond3A_191 {
      %broadcast_in_dim3A_199 = arith.constant 0.000000e+00 : f32
      %broadcast_in_dim3A_200 = vector.broadcast %broadcast_in_dim3A_199 : f32 to vector<1x1xf32>
      %swap3A_201 = arith.constant 0 : index
      %swap3A_202 = arith.constant 0 : index
      %swap3A_203 = vector.load %arg7[%swap3A_201, %swap3A_202] : memref<1x1xf32, #tpu.memory_space<vmem>>, vector<1x1xf32>
      tpu.vector_store %arg7[%swap3A_201, %swap3A_202], %broadcast_in_dim3A_200 {strides = array<i32>} : memref<1x1xf32, #tpu.memory_space<vmem>>, vector<1x1xf32>,
    } else {
    }
    %get3A_192 = arith.constant 0 : index
    %get3A_193 = arith.constant 0 : index
    %get3A_194 = vector.load %arg7[%get3A_192, %get3A_193] : memref<1x1xf32, #tpu.memory_space<vmem>>, vector<1x1xf32>
    %add3A_195 = vector.broadcast %mul3A_187 : f32 to vector<1x1xf32>
    %add3A_196 = arith.addf %get3A_194, %add3A_195 : vector<1x1xf32>
    %swap3A = arith.constant 0 : index
    %swap3A_197 = arith.constant 0 : index
    %swap3A_198 = vector.load %arg7[%swap3A, %swap3A_197] : memref<1x1xf32, #tpu.memory_space<vmem>>, vector<1x1xf32>
    tpu.vector_store %arg7[%swap3A, %swap3A_197], %add3A_196 {strides = array<i32>} : memref<1x1xf32, #tpu.memory_space<vmem>>, vector<1x1xf32>,
    return
  }
  func.func @transform_0(%arg0: i32) -> (i32, i32) {
    %c0_i32 = arith.constant 0 : i32
    %c0_i32_0 = arith.constant 0 : i32
    return %arg0, %c0_i32 : i32, i32
  }
  func.func @transform_1(%arg0: i32) -> (i32, i32) {
    %c0_i32 = arith.constant 0 : i32
    %c0_i32_0 = arith.constant 0 : i32
    return %arg0, %c0_i32 : i32, i32
  }
  func.func @transform_2(%arg0: i32) -> (i32, i32) {
    %c0_i32 = arith.constant 0 : i32
    %c0_i32_0 = arith.constant 0 : i32
    return %arg0, %c0_i32 : i32, i32
  }
  func.func @transform_3(%arg0: i32) -> (i32, i32) {
    %c0_i32 = arith.constant 0 : i32
    %c0_i32_0 = arith.constant 0 : i32
    %c0_i32_1 = arith.constant 0 : i32
    return %c0_i32, %c0_i32_0 : i32, i32
  }
  func.func @transform_4(%arg0: i32) -> (i32, i32) {
    %c0_i32 = arith.constant 0 : i32
    %c0_i32_0 = arith.constant 0 : i32
    %c0_i32_1 = arith.constant 0 : i32
    return %c0_i32, %c0_i32_0 : i32, i32
  }
  func.func @transform_5(%arg0: i32) -> (i32, i32) {
    %c0_i32 = arith.constant 0 : i32
    %c0_i32_0 = arith.constant 0 : i32
    %c0_i32_1 = arith.constant 0 : i32
    return %c0_i32, %c0_i32_0 : i32, i32
  }
  func.func @transform_6(%arg0: i32) -> (i32, i32) {
    %c0_i32 = arith.constant 0 : i32
    %c0_i32_0 = arith.constant 0 : i32
    %c0_i32_1 = arith.constant 0 : i32
    return %c0_i32, %c0_i32_0 : i32, i32
  }
}

</mosaic_0001>

<sc_bundles>
// kernel: kernel.11.cloned.1.call-start
scs
__scs_entry_jumppad:
0x0: {  	(pc) =	sbr.rel $0x88, $3  }
0x1: {  	(tag) =	ssettag $0x0;
	lr =	simm.s32 $0x1  }
0x2: {  	[smem:$0x3F8F] =	sst lr;
	_ =	strace $0xD0000000  }
0x3: {  	_ = 	snop  }
0x4: {  	_ = 	snop  }
0x5: {  	_ = 	snop  }
0x6: {  	_ = 	snop  }
0x7: {  	_ = 	snop  }
__scs_overlays_trampoline_lowered:
0x8: {  	[smem:$0x3F9E] =	sst s0  }
0x9: {  	[smem:$0x3F9F] =	sst s1  }
0xa: {  	[smem:$0x3FA0] =	sst s2  }
0xb: {  	[smem:$0x3FA1] =	sst s3  }
0xc: {  	[smem:$0x3FA2] =	sst s4  }
0xd: {  	[smem:$0x3FA3] =	sst s5  }
0xe: {  	[smem:$0x3FA4] =	sst s6  }
0xf: {  	[smem:$0x3FA5] =	sst s7  }
0x10: {  	[smem:$0x3FA6] =	sst s8  }
0x11: {  	[smem:$0x3FA7] =	sst s9;
	s0 =	simm.s32 @!p0 $0x0  }
0x12: {  	s1 =	sld [smem:$0x3F8D];
	s0 =	simm.s32 @p0 $0x1  }
0x13: {  	[smem:$0x3FA8] =	sst s0;
	s0 =	simm.s32 @!p1 $0x0  }
0x14: {  	s2 =	sld [smem:$0x3F8C];
	s0 =	simm.s32 @p1 $0x1  }
0x15: {  	[smem:$0x3FA9] =	sst s0;
	s0 =	simm.s32 @!p2 $0x0  }
0x16: {  	s3 =	sld [smem:$0x3FDB];
	s0 =	simm.s32 @p2 $0x1  }
0x17: {  	s4 =	simm.s32 $0x1BF5;
	[smem:$0x3FAB] =	sst s0  }
0x18: {  	s0 =	sld [smem:$0x3F8E];
	_ =	swait.ge [sflag:s4], $0x0  }
0x19: {  	s7 =	sld [smem:$0x3F8F]  }
0x1a: {  	s8 =	sadd.s32 $0xFFFFE003, lr  }
0x1b: {  	s9 =	sadd.s32 $0xFFFFFEF7, lr;
	s5 =	simm.s32 $0xFFFFFFFF;
	p2 =	slt.u32 s8, $0xFFFFF086  }
0x1c: {  	p1 =	slt.u32 s9, $0xF7A;
	s5 =	simm.s32 @!p2 $0x0  }
0x1d: {  	s5 =	simm.s32 @p1 $0x1;
	p0 =	seq.s32 s7, s2  }
0x1e: {  	s7 =	smul.u32 @!p0 $0xF7A, s2;
	p2 =	seq.s32 @!p0 s5, $0x0  }
0x1f: {  	s9 =	smul.u32 $0xF7A, s1;
	s8 =	simm.s32 @!p0 $0x1BF5;
	p2 =	por !p2, p0  }
0x20: {  	[sflag:s8] =	ssyncset.s32 @!p0 $0xFFFFF086;
	s6 =	sadd.s32 @!p0 s3, s7;
	s7 =	simm.s32 @!p0 $0x108  }
0x21: {  	s3 =	sadd.s32 s3, s9;
	s6 =	sadd.s32 @!p0 $0x88, s6;
	s7 =	simm.s32 @p2 $0x1082  }
0x22: {  	[simem:s7], [sflag:s8] =	dma.local @!p0 [hbm:s6], $0xF7A  }
0x23: {  	s9 =	sor.u32 $0xD0000000, s2;
	s6 =	simm.s32 $0x108;
	_ =	swait.ge @!p0 [sflag:s8], $0x0  }
0x24: {  	s3 =	sadd.s32 $0x88, s3;
	s6 =	simm.s32 @!p1 $0x1082;
	[sflag:s4] =	ssyncset.s32 $0xFFFFF086  }
0x25: {  	[simem:s6], [sflag:s4] =	dma.local [hbm:s3], $0xF7A  }
0x26: {  	[smem:$0x3F8F] =	sst s1;
	(tag) =	ssettag s2;
	_ =	strace s9  }
0x27: {  	s1 =	sld [smem:$0x3F9F]  }
0x28: {  	s2 =	sld [smem:$0x3FA0]  }
0x29: {  	s4 =	sld [smem:$0x3FA2]  }
0x2a: {  	p0 =	seq.s32 s5, $0x0;
	s5 =	sld [smem:$0x3FA3]  }
0x2b: {  	s6 =	sld [smem:$0x3FA4]  }
0x2c: {  	s7 =	sld [smem:$0x3FA5]  }
0x2d: {  	s3 =	simm.s32 $0x108;
	s8 =	sld [smem:$0x3FA6]  }
0x2e: {  	s3 =	simm.s32 @!p0 $0x1082;
	s9 =	sld [smem:$0x3FA7]  }
0x2f: {  	lr =	sadd.s32 s0, s3;
	s0 =	sld [smem:$0x3F9E]  }
0x30: {  	s3 =	sld [smem:$0x3FA1]  }
0x31: {  	[smem:$0x3FAA] =	sst s10  }
0x32: {  	s10 =	sld [smem:$0x3FA8];
	_ =	sdelay $0x3  }
0x33: {  	p0 =	seq.s32 s10, $0x1;
	s10 =	sld [smem:$0x3FAA];
	_ =	sdelay $0x3  }
0x34: {  	[smem:$0x3FAA] =	sst s10  }
0x35: {  	s10 =	sld [smem:$0x3FA9];
	_ =	sdelay $0x3  }
0x36: {  	p1 =	seq.s32 s10, $0x1;
	s10 =	sld [smem:$0x3FAA];
	_ =	sdelay $0x3  }
0x37: {  	[smem:$0x3FAA] =	sst s10  }
0x38: {  	s10 =	sld [smem:$0x3FAB]  }
0x39: {  	_ = 	snop;
	(pc) =	sbr.ind lr, $3  }
0x3a: {  	_ = 	snop  }
0x3b: {  	_ = 	snop  }
0x3c: {  	p2 =	seq.s32 s10, $0x1;
	s10 =	sld [smem:$0x3FAA]  }
0x3d: {  	_ =	shalt  }
0x3e: {  	_ =	shalt  }
0x3f: {  	_ =	shalt  }
0x40: {  	_ =	shalt  }
0x41: {  	_ =	shalt  }
0x42: {  	_ =	shalt  }
0x43: {  	_ =	shalt  }
0x44: {  	_ =	shalt  }
0x45: {  	_ =	shalt  }
0x46: {  	_ =	shalt  }
0x47: {  	_ =	shalt  }
0x48: {  	_ =	shalt  }
0x49: {  	_ =	shalt  }
0x4a: {  	_ =	shalt  }
0x4b: {  	_ =	shalt  }
0x4c: {  	_ =	shalt  }
0x4d: {  	_ =	shalt  }
0x4e: {  	_ =	shalt  }
0x4f: {  	_ =	shalt  }
0x50: {  	_ =	shalt  }
0x51: {  	_ =	shalt  }
0x52: {  	_ =	shalt  }
0x53: {  	_ =	shalt  }
0x54: {  	_ =	shalt  }
0x55: {  	_ =	shalt  }
0x56: {  	_ =	shalt  }
0x57: {  	_ =	shalt  }
0x58: {  	_ =	shalt  }
0x59: {  	_ =	shalt  }
0x5a: {  	_ =	shalt  }
0x5b: {  	_ =	shalt  }
0x5c: {  	_ =	shalt  }
0x5d: {  	_ =	shalt  }
0x5e: {  	_ =	shalt  }
0x5f: {  	_ =	shalt  }
0x60: {  	_ =	shalt  }
0x61: {  	_ =	shalt  }
0x62: {  	_ =	shalt  }
0x63: {  	_ =	shalt  }
0x64: {  	_ =	shalt  }
0x65: {  	_ =	shalt  }
0x66: {  	_ =	shalt  }
0x67: {  	_ =	shalt  }
0x68: {  	_ =	shalt  }
0x69: {  	_ =	shalt  }
0x6a: {  	_ =	shalt  }
0x6b: {  	_ =	shalt  }
0x6c: {  	_ =	shalt  }
0x6d: {  	_ =	shalt  }
0x6e: {  	_ =	shalt  }
0x6f: {  	_ =	shalt  }
0x70: {  	_ =	shalt  }
0x71: {  	_ =	shalt  }
0x72: {  	_ =	shalt  }
0x73: {  	_ =	shalt  }
0x74: {  	_ =	shalt  }
0x75: {  	_ =	shalt  }
0x76: {  	_ =	shalt  }
0x77: {  	_ =	shalt  }
0x78: {  	_ =	shalt  }
0x79: {  	_ =	shalt  }
0x7a: {  	_ =	shalt  }
0x7b: {  	_ =	shalt  }
0x7c: {  	_ =	shalt  }
0x7d: {  	_ =	shalt  }
0x7e: {  	_ =	shalt  }
0x7f: {  	_ =	shalt  }
0x80: {  	_ =	shalt  }
0x81: {  	_ =	shalt  }
0x82: {  	_ =	shalt  }
0x83: {  	_ =	shalt  }
0x84: {  	_ =	shalt  }
0x85: {  	_ =	shalt  }
0x86: {  	_ =	shalt  }
0x87: {  	_ =	shalt  }
.Lfunc_end0:
.L_simem_size_0:
called_computation_lowered:
.L_overlay_start_0:
0x88: {  	s2 =	sld [smem:$0x3FD9]  }
0x89: {  	s3 =	sld [smem:$0x3FFE];
	_ =	sdelay $0x1  }
0x8a: {  	s1 =	srdreg.scid  }
0x8b: {  	s0 =	sand.u32 $0x1, s1  }
0x8c: {  	s16 =	sshll.u32 s0, $0xA;
	s2 =	sadd.s32 s3, s2  }
0x8d: {  	s2 =	sadd.s32 s2, s16  }
0x8e: {  	[smem:$0x3FB6] =	sst s2  }
0x8f: {  	_ = 	snop  }
0x90: {  	(tm) =	ssettm $0x1  }
0x91: {  	s17 =	sld [smem:$0x3FFB];
	_ =	sdelay $0x3  }
0x92: {  	_ =	strace s17  }
0x93: {  	s2 =	sld [smem:$0x3FFC];
	_ =	sdelay $0x3  }
0x94: {  	_ =	strace s2  }
0x95: {  	s2 =	sld [smem:$0x3FFD];
	_ =	sdelay $0x3  }
0x96: {  	_ =	strace s2  }
0x97: {  	_ =	strace $0x8FFFFFFF  }
0x98: {  	s18 =	sld [smem:$0x3FDB];
	_ =	sdelay $0x1  }
0x99: {  	s19 =	simm.s32 $_scs_section_size  }
0x9a: {  	s4 =	simm.s32 $_size__tile_overlayer_lowered;
	s5 =	simm.s32 $_tile_overlayer_lowered  }
0x9b: {  	s22 =	simm.s32 $0x1BFF;
	s21 =	sshll.u32 s5, $0x1;
	s2 =	sadd.s32 s19, s18  }
0x9c: {  	s6 =	simm.s32 $0x0;
	s20 =	sshll.u32 s4, $0x1;
	s4 =	sadd.s32 s21, s2  }
0x9d: {  	[timem:s6], [sflag:s22] =	dma.local [hbm:s4], s20  }
0x9e: {  	_ =	swait.ge [sflag:s22], s20  }
0x9f: {  	s3 =	ssub.s32 $0x0, s20;
	[sflag:s22] =	ssyncset.done $0x0  }
0xa0: {  	[sflag:s22] =	ssyncadd.s32 s3;
	_ =	sdelay $0x1  }
0xa1: {  	s23 =	simm.s32 $0x1B8B  }
0xa2: {  	_ =	swait.ge [sflag:s23], $0x1  }
0xa3: {  	[sflag:s23] =	ssyncset.done $0x0  }
0xa4: {  	s25 =	simm.s32 $0x1B8E;
	s24 =	sld [smem:$0x3FFE];
	[sflag:s23] =	ssyncadd.s32 $0xFFFFFFFF  }
0xa5: {  	s26 =	simm.s32 $execute0_lowered;
	[smem:$0x3FD2] =	sst s25  }
0xa6: {  	s4 =	sshll.u32 s26, $0x1;
	_ =	strace $0x80000046;
	[dreg:$0x1] =	wrdreg $0xFFFFFFFF  }
0xa7: {  	s28 =	simm.s32 $_size_execute0_lowered;
	s2 =	sadd.s32 s2, s4;
	[dreg:$0x0] =	wrdreg $0x0  }
0xa8: {  	s4 =	sshll.u32 s28, $0x1;
	[dreg:$0x2] =	wrdreg s2  }
0xa9: {  	[dreg:$0x3] =	wrdreg s4  }
0xaa: {  	[dreg:$0x4] =	wrdreg $0xC0  }
0xab: {  	_ =	task [dreg:s6], $0x5FFFF  }
0xac: {  	[dreg:$0x1] =	wrdreg $0xFFFFFFFF  }
0xad: {  	[dreg:$0x0] =	wrdreg $0x60  }
0xae: {  	[dreg:$0x2] =	wrdreg s24  }
0xaf: {  	[dreg:$0x3] =	wrdreg $0x9  }
0xb0: {  	_ =	task.clear_ibuf [dreg:s6], $0x4FFFF;
	_ =	strace $0x90000046  }
0xb1: {  	s29 =	simm.s32 $0x9;
	_ =	strace $0x80000048  }
0xb2: {  	_ =	swait.ge [sflag:s29], $0x1  }
0xb3: {  	[sflag:s29] =	ssyncadd.s32 $0xFFFFFFFF  }
0xb4: {  	_ =	strace $0x90000048  }
0xb5: {  	_ =	sfence  }
0xb6: {  	s30 =	sld [smem:$0x0];
	_ =	sdelay $0x2  }
0xb7: {  	s31 =	sshll.u32 s1, $0xD;
	s1 =	sshrl.u32 s1, $0x2  }
0xb8: {  	s3 =	sand.u32 $0x4000, s31;
	s1 =	sadd.s32 s1, s30  }
0xb9: {  	s0 =	sor.u32 s3, s0;
	s1 =	sshll.u32 s1, $0x11  }
0xba: {  	s0 =	sor.u32 s1, s0  }
0xbb: {  	s0 =	sadd.s32 $0x8F2B, s0  }
0xbc: {  	[sflag:s0] =	ssyncadd.remote.s32 $0x1  }
0xbd: {  	_ =	sfence.sel $0xFFFF  }
0xbe: {  	[dreg:$0x0] =	wrdreg $0xFFFFFFFF;
	(pc) =	sbr.abs _section_cstart, $3  }
0xbf: {  	[dreg:$0x1] =	wrdreg $0xFFFFFFFF  }
0xc0: {  	_ =	task.clear_ibuf [dreg:s6], $0x2FFFF;
	_ =	strace $0x9FFFFFFF  }
0xc1: {  	(tm) =	ssettm $0x7FFFFFFF  }
tec
execute0_lowered:
.L_overlay_start_1:
0x0: {  	(tag) =	ssettag $0x1  }
0x1: {  	s7 =	rddreg [dreg:$0x0]  }
0x2: {  	s0 =	rddreg [dreg:$0x1];
	s3 =	srdreg.scid  }
0x3: {  	s1 =	stileid.u32;
	s2 =	simm.s32 $0x0;
	s13 =	simm.s32 $0x1400  }
0x4: {  	s14 =	simm.s32 $0x16800;
	s15 =	simm.s32 $0x18F10;
	s16 =	simm.s32 $0x1B620  }
0x5: {  	s17 =	simm.s32 $0x80;
	s18 =	simm.s32 $0x1DD30;
	s19 =	simm.s32 $0x1  }
0x6: {  	s20 =	simm.s32 $0x2800;
	s5 =	sand.u32 $0x1, s3;
	s31 =	sshll.u32 s1, $0x1  }
0x7: {  	s21 =	simm.s32 $0x0;
	[smem:$0x7FF] =	sst s2;
	s6 =	sor.u32 s5, s31  }
0x8: {  	s3 =	sadd.s32 $0x29C00, s7;
	s4 =	sadd.s32 $0x2F800, s7;
	s8 =	smul.u32 $0x2800, s6  }
0x9: {  	_ =	strace $0x80000047;
	s10 =	ssub.s32 $0x2, s5;
	s9 =	smul.u32 $0x280, s6  }
0xa: {  	s5 =	sadd.s32 $0x2F200, s7;
	s6 =	sadd.s32 $0x2EC00, s7;
	s11 =	sshrl.u32 s10, $0x1  }
0xb: {  	s11 =	ssub.s32 s10, s11;
	s12 =	sadd.s32 s8, s7;
	s9 =	sadd.s32 s9, s7  }
0xc: {  	s11 =	smax.u32 s11, $0x1;
	s7 =	sadd.s32 $0x2FE00, s9;
	s8 =	sadd.s32 $0x34E00, s9  }
0xd: {  	s9 =	sadd.s32 $0x39E00, s9;
	s10 =	sadd.s32 $0x3EE00, s12;
	s12 =	simm.s32 $0x2  }
.LBB2_1:
0xe: {  	[tilespmem:s2], [sflag:$0x2] =	stream.linear.gather [hbm4b:s7+s2], $0x1400, $0x38;
	[tilespmem:$0x1F130] =	vst v63  }
0xf: {  	_ =	swait.ge [sflag:s12], $0x1400  }
0x10: {  	[sflag:s12] =	ssyncset.done $0x0  }
0x11: {  	[sflag:s12] =	ssyncadd.s32 $0xFFFFEC00  }
0x12: {  	[tilespmem:s13], [sflag:$0x2] =	stream.linear.gather [hbm4b:s8+s2], $0x1400, $0x38;
	[tilespmem:$0x1F130] =	vst v63  }
0x13: {  	_ =	swait.ge [sflag:s12], $0x1400  }
0x14: {  	[sflag:s12] =	ssyncset.done $0x0  }
0x15: {  	[sflag:s12] =	ssyncadd.s32 $0xFFFFEC00  }
0x16: {  	[tilespmem:s14], [sflag:$0x2] =	stream.linear.gather [hbm4b:s4+s2], $0x2710, $0x38;
	[tilespmem:$0x1F130] =	vst v63  }
0x17: {  	_ =	swait.ge [sflag:s12], $0x2710  }
0x18: {  	[sflag:s12] =	ssyncset.done $0x0  }
0x19: {  	[sflag:s12] =	ssyncadd.s32 $0xFFFFD8F0  }
0x1a: {  	[tilespmem:s15], [sflag:$0x2] =	stream.linear.gather [hbm4b:s5+s2], $0x2710, $0x38;
	[tilespmem:$0x1F130] =	vst v63  }
0x1b: {  	_ =	swait.ge [sflag:s12], $0x2710  }
0x1c: {  	[sflag:s12] =	ssyncset.done $0x0  }
0x1d: {  	[sflag:s12] =	ssyncadd.s32 $0xFFFFD8F0  }
0x1e: {  	[tilespmem:s16], [sflag:$0x2] =	stream.linear.gather [hbm4b:s6+s2], $0x2710, $0x38;
	[tilespmem:$0x1F130] =	vst v63  }
0x1f: {  	_ =	swait.ge [sflag:s12], $0x2710  }
0x20: {  	[sflag:s12] =	ssyncset.done $0x0  }
0x21: {  	s22 =	simm.s32 $0x2800;
	s23 =	simm.s32 $0x0;
	[sflag:s12] =	ssyncadd.s32 $0xFFFFD8F0  }
.LBB2_2:
0x22: {  	p0 =	sne.s32 s23, $0x4E00  }
.Ltmp0:
0x23: {  	_ = 	snop;
	(pc) =	sbr.rel @p0 .LBB2_2-.Ltmp0, $4  }
0x24: {  	_ = 	snop  }
0x25: {  	s24 =	sshra.s32 s23, $0x2  }
0x26: {  	[tilespmem:s22], [sflag:$0x1] =	stream.indirect.gather [hbm4b:s3+s17], $0x10, s24, s17, $0xb8;
	[tilespmem:$0x1F130] =	vst v63  }
0x27: {  	s23 =	sadd.s32 $0x200, s23;
	s22 =	sadd.s32 $0x800, s22  }
0x28: {  	s22 =	simm.s32 $0xFFFFFFFC  }
0x29: {  	s23 =	simm.s32 $0x20;
	s24 =	simm.s32 $0x1420;
	s25 =	simm.s32 $0x1DD50  }
.LBB2_4:
0x2a: {  	v0 =	vld [tilespmem:s23+$0xFFFFFFE0]  }
0x2b: {  	v1 =	vld [tilespmem:s24+$0xFFFFFFE0];
	_ =	sdelay $0x6  }
0x2c: {  	v2 =	vld.idx.msk [tilespmem:v0+s14+$0x0], $0xffff  }
0x2d: {  	v3 =	vld.idx.msk [tilespmem:v1+s14+$0x0], $0xffff  }
0x2e: {  	v4 =	vld.idx.msk [tilespmem:v0+s15+$0x0], $0xffff  }
0x2f: {  	v5 =	vld.idx.msk [tilespmem:v1+s15+$0x0], $0xffff  }
0x30: {  	v0 =	vld.idx.msk [tilespmem:v0+s16+$0x0], $0xffff  }
0x31: {  	v1 =	vld.idx.msk [tilespmem:v1+s16+$0x0], $0xffff;
	_ =	sdelay $0x2  }
0x32: {  	v2 =	vsub.f32 v2, v3;
	v37 =	vsub.f32 v4, v5;
	_ =	sdelay $0x1  }
0x33: {  	v0 =	vsub.f32 v0, v1;
	v38 =	vmul.f32 v2, v2;
	v39 =	vmul.f32 v37, v37;
	_ =	sdelay $0x1  }
0x34: {  	v0 =	vmul.f32 v0, v0;
	v1 =	vadd.f32 v39, v38;
	_ =	sdelay $0x1  }
0x35: {  	v0 =	vadd.f32 v0, v1;
	_ =	sdelay $0x1  }
0x36: {  	[tilespmem:s25+$0xFFFFFFE0] =	vst v0  }
0x37: {  	v0 =	vld [tilespmem:s23+$0xFFFFFFF0]  }
0x38: {  	v40 =	vld [tilespmem:s24+$0xFFFFFFF0];
	_ =	sdelay $0x6  }
0x39: {  	v41 =	vld.idx.msk [tilespmem:v0+s14+$0x0], $0xffff  }
0x3a: {  	v42 =	vld.idx.msk [tilespmem:v40+s14+$0x0], $0xffff  }
0x3b: {  	v43 =	vld.idx.msk [tilespmem:v0+s15+$0x0], $0xffff  }
0x3c: {  	v44 =	vld.idx.msk [tilespmem:v40+s15+$0x0], $0xffff  }
0x3d: {  	v0 =	vld.idx.msk [tilespmem:v0+s16+$0x0], $0xffff  }
0x3e: {  	v1 =	vld.idx.msk [tilespmem:v40+s16+$0x0], $0xffff;
	_ =	sdelay $0x2  }
0x3f: {  	v2 =	vsub.f32 v41, v42;
	v45 =	vsub.f32 v43, v44;
	_ =	sdelay $0x1  }
0x40: {  	v0 =	vsub.f32 v0, v1;
	v46 =	vmul.f32 v2, v2;
	v47 =	vmul.f32 v45, v45;
	_ =	sdelay $0x1  }
0x41: {  	v0 =	vmul.f32 v0, v0;
	v1 =	vadd.f32 v47, v46;
	_ =	sdelay $0x1  }
0x42: {  	v0 =	vadd.f32 v0, v1;
	_ =	sdelay $0x1  }
0x43: {  	[tilespmem:s25+$0xFFFFFFF0] =	vst v0  }
0x44: {  	v0 =	vld [tilespmem:s23+$0x0]  }
0x45: {  	v48 =	vld [tilespmem:s24+$0x0];
	_ =	sdelay $0x6  }
0x46: {  	v49 =	vld.idx.msk [tilespmem:v0+s14+$0x0], $0xffff  }
0x47: {  	v50 =	vld.idx.msk [tilespmem:v48+s14+$0x0], $0xffff  }
0x48: {  	v51 =	vld.idx.msk [tilespmem:v0+s15+$0x0], $0xffff  }
0x49: {  	v52 =	vld.idx.msk [tilespmem:v48+s15+$0x0], $0xffff  }
0x4a: {  	v0 =	vld.idx.msk [tilespmem:v0+s16+$0x0], $0xffff  }
0x4b: {  	v1 =	vld.idx.msk [tilespmem:v48+s16+$0x0], $0xffff;
	_ =	sdelay $0x2  }
0x4c: {  	v2 =	vsub.f32 v49, v50;
	v53 =	vsub.f32 v51, v52;
	_ =	sdelay $0x1  }
0x4d: {  	v0 =	vsub.f32 v0, v1;
	v54 =	vmul.f32 v2, v2;
	v55 =	vmul.f32 v53, v53;
	_ =	sdelay $0x1  }
0x4e: {  	v0 =	vmul.f32 v0, v0;
	v1 =	vadd.f32 v55, v54;
	_ =	sdelay $0x1  }
0x4f: {  	v0 =	vadd.f32 v0, v1;
	_ =	sdelay $0x1  }
0x50: {  	[tilespmem:s25+$0x0] =	vst v0  }
0x51: {  	v0 =	vld [tilespmem:s23+$0x10]  }
0x52: {  	v56 =	vld [tilespmem:s24+$0x10];
	_ =	sdelay $0x6  }
0x53: {  	v57 =	vld.idx.msk [tilespmem:v0+s14+$0x0], $0xffff  }
0x54: {  	v58 =	vld.idx.msk [tilespmem:v56+s14+$0x0], $0xffff  }
0x55: {  	v59 =	vld.idx.msk [tilespmem:v0+s15+$0x0], $0xffff  }
0x56: {  	v60 =	vld.idx.msk [tilespmem:v56+s15+$0x0], $0xffff  }
0x57: {  	v0 =	vld.idx.msk [tilespmem:v0+s16+$0x0], $0xffff  }
0x58: {  	v1 =	vld.idx.msk [tilespmem:v56+s16+$0x0], $0xffff;
	_ =	sdelay $0x2  }
0x59: {  	v2 =	vsub.f32 v57, v58;
	v61 =	vsub.f32 v59, v60;
	_ =	sdelay $0x1  }
0x5a: {  	s22 =	sadd.s32 $0x4, s22;
	v0 =	vsub.f32 v0, v1;
	v62 =	vmul.f32 v2, v2;
	v63 =	vmul.f32 v61, v61  }
0x5b: {  	p0 =	slt.u32 s22, $0x13C  }
.Ltmp1:
0x5c: {  	v0 =	vmul.f32 v0, v0;
	v1 =	vadd.f32 v63, v62;
	(pc) =	sbr.rel @p0 .LBB2_4-.Ltmp1, $3  }
0x5d: {  	_ = 	snop  }
0x5e: {  	v0 =	vadd.f32 v0, v1;
	_ =	sdelay $0x1  }
0x5f: {  	s23 =	sadd.s32 $0x40, s23;
	s24 =	sadd.s32 $0x40, s24;
	[tilespmem:s25+$0x10] =	vst v0;
	s25 =	sadd.s32 $0x40, s25  }
0x60: {  	[hbm4b:s9+s2] =	stream.linear.scatter [tilespmem:s18], [sflag:$0x2], $0x1400, $0x38;
	[tilespmem:$0x1F130] =	vst v63  }
0x61: {  	_ =	swait.ge [sflag:s12], $0x1400  }
0x62: {  	[sflag:s12] =	ssyncset.done $0x0  }
0x63: {  	[sflag:s12] =	ssyncadd.s32 $0xFFFFEC00  }
0x64: {  	_ =	swait.ge [sflag:s19], $0x800  }
0x65: {  	s22 =	simm.s32 $0x27;
	[sflag:s19] =	ssyncset.done $0x0  }
.LBB2_6:
0x66: {  	p0 =	sne.s32 s22, $0x1;
	s22 =	sadd.s32 $0xFFFFFFFF, s22;
	[sflag:s19] =	ssyncadd.s32 $0xFFFFF800  }
.Ltmp2:
0x67: {  	(pc) =	sbr.rel @p0 .LBB2_6-.Ltmp2, $3  }
0x68: {  	_ =	sdelay $0x1  }
0x69: {  	_ =	swait.ge [sflag:s19], $0x800  }
0x6a: {  	[sflag:s19] =	ssyncset.done $0x0  }
0x6b: {  	s21 =	sadd.s32 $0x1, s21  }
0x6c: {  	p0 =	sne.s32 s21, s11  }
.Ltmp3:
0x6d: {  	[sflag:s19] =	ssyncadd.s32 $0xFFFFF800;
	(pc) =	sbr.rel @p0 .LBB2_1-.Ltmp3, $4  }
0x6e: {  	[hbm4b:s10+s2] =	stream.linear.scatter [tilespmem:s20], [sflag:$0x2], $0x14000, $0x38;
	[tilespmem:$0x1F130] =	vst v63  }
0x6f: {  	_ =	swait.ge [sflag:s12], $0x14000  }
0x70: {  	[sflag:s12] =	ssyncset.done $0x0  }
0x71: {  	[sflag:s12] =	ssyncadd.s32 $0xFFFEC000  }
0x72: {  	_ =	sfence.sel $0x180000  }
0x73: {  	[bflag:$0x0] =	sbarrier.arrive $0xFFFF  }
0x74: {  	p0 =	sne.s32 s1, $0x0;
	_ =	strace $0x90000047  }
0x75: {  	s0 =	sadd.s32 @!p0 $0x100000, s0;
	[bflag:$0x2] =	sbarrier.arrive $0xFFFF  }
0x76: {  	[sflag:s0] =	ssyncadd.tile.s32 @!p0 $0x1;
	_ =	shalt  }
.Lfunc_end2:
_tile_overlayer_lowered:
.L_overlay_start_2:
0x77: {  	(tag) =	ssettag $0x2  }
0x78: {  	s0 =	rddreg [dreg:$0x0];
	s2 =	stileid.u32  }
0x79: {  	s1 =	rddreg [dreg:$0x1];
	p0 =	sne.s32 s2, $0x0  }
0x7a: {  	s3 =	rddreg [dreg:$0x2];
	[bflag:$0x3] =	sbarrier.arrive $0xFFFF;
	s2 =	simm.s32 @!p0 $0x1C02  }
0x7b: {  	[timem:s3], [sflag:s2] =	dma.local @!p0 [hbm:s0], s1  }
0x7c: {  	s0 =	simm.s32 @!p0 $0x2  }
0x7d: {  	_ =	swait.ge @!p0 [sflag:s0], s1  }
0x7e: {  	s1 =	ssub.s32 @!p0 $0x0, s1;
	[sflag:s0] =	ssyncset.done @!p0 $0x0  }
0x7f: {  	[sflag:s0] =	ssyncadd.s32 @!p0 s1  }
0x80: {  	[bflag:$0x3] =	sbarrier.arrive $0xFFFF  }
0x81: {  	_ =	shalt  }

// kernel: kernel.14.cloned.1.call-start
scs
__scs_entry_jumppad:
0x0: {  	(pc) =	sbr.rel $0x88, $3  }
0x1: {  	(tag) =	ssettag $0x0;
	lr =	simm.s32 $0x1  }
0x2: {  	[smem:$0x3F8F] =	sst lr;
	_ =	strace $0xD0000000  }
0x3: {  	_ = 	snop  }
0x4: {  	_ = 	snop  }
0x5: {  	_ = 	snop  }
0x6: {  	_ = 	snop  }
0x7: {  	_ = 	snop  }
__scs_overlays_trampoline_lowered:
0x8: {  	[smem:$0x3F9E] =	sst s0  }
0x9: {  	[smem:$0x3F9F] =	sst s1  }
0xa: {  	[smem:$0x3FA0] =	sst s2  }
0xb: {  	[smem:$0x3FA1] =	sst s3  }
0xc: {  	[smem:$0x3FA2] =	sst s4  }
0xd: {  	[smem:$0x3FA3] =	sst s5  }
0xe: {  	[smem:$0x3FA4] =	sst s6  }
0xf: {  	[smem:$0x3FA5] =	sst s7  }
0x10: {  	[smem:$0x3FA6] =	sst s8  }
0x11: {  	[smem:$0x3FA7] =	sst s9;
	s0 =	simm.s32 @!p0 $0x0  }
0x12: {  	s1 =	sld [smem:$0x3F8D];
	s0 =	simm.s32 @p0 $0x1  }
0x13: {  	[smem:$0x3FA8] =	sst s0;
	s0 =	simm.s32 @!p1 $0x0  }
0x14: {  	s2 =	sld [smem:$0x3F8C];
	s0 =	simm.s32 @p1 $0x1  }
0x15: {  	[smem:$0x3FA9] =	sst s0;
	s0 =	simm.s32 @!p2 $0x0  }
0x16: {  	s3 =	sld [smem:$0x3FDB];
	s0 =	simm.s32 @p2 $0x1  }
0x17: {  	s4 =	simm.s32 $0x1BF5;
	[smem:$0x3FAB] =	sst s0  }
0x18: {  	s0 =	sld [smem:$0x3F8E];
	_ =	swait.ge [sflag:s4], $0x0  }
0x19: {  	s7 =	sld [smem:$0x3F8F]  }
0x1a: {  	s8 =	sadd.s32 $0xFFFFE003, lr  }
0x1b: {  	s9 =	sadd.s32 $0xFFFFFEF7, lr;
	s5 =	simm.s32 $0xFFFFFFFF;
	p2 =	slt.u32 s8, $0xFFFFF086  }
0x1c: {  	p1 =	slt.u32 s9, $0xF7A;
	s5 =	simm.s32 @!p2 $0x0  }
0x1d: {  	s5 =	simm.s32 @p1 $0x1;
	p0 =	seq.s32 s7, s2  }
0x1e: {  	s7 =	smul.u32 @!p0 $0xF7A, s2;
	p2 =	seq.s32 @!p0 s5, $0x0  }
0x1f: {  	s9 =	smul.u32 $0xF7A, s1;
	s8 =	simm.s32 @!p0 $0x1BF5;
	p2 =	por !p2, p0  }
0x20: {  	[sflag:s8] =	ssyncset.s32 @!p0 $0xFFFFF086;
	s6 =	sadd.s32 @!p0 s3, s7;
	s7 =	simm.s32 @!p0 $0x108  }
0x21: {  	s3 =	sadd.s32 s3, s9;
	s6 =	sadd.s32 @!p0 $0x88, s6;
	s7 =	simm.s32 @p2 $0x1082  }
0x22: {  	[simem:s7], [sflag:s8] =	dma.local @!p0 [hbm:s6], $0xF7A  }
0x23: {  	s9 =	sor.u32 $0xD0000000, s2;
	s6 =	simm.s32 $0x108;
	_ =	swait.ge @!p0 [sflag:s8], $0x0  }
0x24: {  	s3 =	sadd.s32 $0x88, s3;
	s6 =	simm.s32 @!p1 $0x1082;
	[sflag:s4] =	ssyncset.s32 $0xFFFFF086  }
0x25: {  	[simem:s6], [sflag:s4] =	dma.local [hbm:s3], $0xF7A  }
0x26: {  	[smem:$0x3F8F] =	sst s1;
	(tag) =	ssettag s2;
	_ =	strace s9  }
0x27: {  	s1 =	sld [smem:$0x3F9F]  }
0x28: {  	s2 =	sld [smem:$0x3FA0]  }
0x29: {  	s4 =	sld [smem:$0x3FA2]  }
0x2a: {  	p0 =	seq.s32 s5, $0x0;
	s5 =	sld [smem:$0x3FA3]  }
0x2b: {  	s6 =	sld [smem:$0x3FA4]  }
0x2c: {  	s7 =	sld [smem:$0x3FA5]  }
0x2d: {  	s3 =	simm.s32 $0x108;
	s8 =	sld [smem:$0x3FA6]  }
0x2e: {  	s3 =	simm.s32 @!p0 $0x1082;
	s9 =	sld [smem:$0x3FA7]  }
0x2f: {  	lr =	sadd.s32 s0, s3;
	s0 =	sld [smem:$0x3F9E]  }
0x30: {  	s3 =	sld [smem:$0x3FA1]  }
0x31: {  	[smem:$0x3FAA] =	sst s10  }
0x32: {  	s10 =	sld [smem:$0x3FA8];
	_ =	sdelay $0x3  }
0x33: {  	p0 =	seq.s32 s10, $0x1;
	s10 =	sld [smem:$0x3FAA];
	_ =	sdelay $0x3  }
0x34: {  	[smem:$0x3FAA] =	sst s10  }
0x35: {  	s10 =	sld [smem:$0x3FA9];
	_ =	sdelay $0x3  }
0x36: {  	p1 =	seq.s32 s10, $0x1;
	s10 =	sld [smem:$0x3FAA];
	_ =	sdelay $0x3  }
0x37: {  	[smem:$0x3FAA] =	sst s10  }
0x38: {  	s10 =	sld [smem:$0x3FAB]  }
0x39: {  	_ = 	snop;
	(pc) =	sbr.ind lr, $3  }
0x3a: {  	_ = 	snop  }
0x3b: {  	_ = 	snop  }
0x3c: {  	p2 =	seq.s32 s10, $0x1;
	s10 =	sld [smem:$0x3FAA]  }
0x3d: {  	_ =	shalt  }
0x3e: {  	_ =	shalt  }
0x3f: {  	_ =	shalt  }
0x40: {  	_ =	shalt  }
0x41: {  	_ =	shalt  }
0x42: {  	_ =	shalt  }
0x43: {  	_ =	shalt  }
0x44: {  	_ =	shalt  }
0x45: {  	_ =	shalt  }
0x46: {  	_ =	shalt  }
0x47: {  	_ =	shalt  }
0x48: {  	_ =	shalt  }
0x49: {  	_ =	shalt  }
0x4a: {  	_ =	shalt  }
0x4b: {  	_ =	shalt  }
0x4c: {  	_ =	shalt  }
0x4d: {  	_ =	shalt  }
0x4e: {  	_ =	shalt  }
0x4f: {  	_ =	shalt  }
0x50: {  	_ =	shalt  }
0x51: {  	_ =	shalt  }
0x52: {  	_ =	shalt  }
0x53: {  	_ =	shalt  }
0x54: {  	_ =	shalt  }
0x55: {  	_ =	shalt  }
0x56: {  	_ =	shalt  }
0x57: {  	_ =	shalt  }
0x58: {  	_ =	shalt  }
0x59: {  	_ =	shalt  }
0x5a: {  	_ =	shalt  }
0x5b: {  	_ =	shalt  }
0x5c: {  	_ =	shalt  }
0x5d: {  	_ =	shalt  }
0x5e: {  	_ =	shalt  }
0x5f: {  	_ =	shalt  }
0x60: {  	_ =	shalt  }
0x61: {  	_ =	shalt  }
0x62: {  	_ =	shalt  }
0x63: {  	_ =	shalt  }
0x64: {  	_ =	shalt  }
0x65: {  	_ =	shalt  }
0x66: {  	_ =	shalt  }
0x67: {  	_ =	shalt  }
0x68: {  	_ =	shalt  }
0x69: {  	_ =	shalt  }
0x6a: {  	_ =	shalt  }
0x6b: {  	_ =	shalt  }
0x6c: {  	_ =	shalt  }
0x6d: {  	_ =	shalt  }
0x6e: {  	_ =	shalt  }
0x6f: {  	_ =	shalt  }
0x70: {  	_ =	shalt  }
0x71: {  	_ =	shalt  }
0x72: {  	_ =	shalt  }
0x73: {  	_ =	shalt  }
0x74: {  	_ =	shalt  }
0x75: {  	_ =	shalt  }
0x76: {  	_ =	shalt  }
0x77: {  	_ =	shalt  }
0x78: {  	_ =	shalt  }
0x79: {  	_ =	shalt  }
0x7a: {  	_ =	shalt  }
0x7b: {  	_ =	shalt  }
0x7c: {  	_ =	shalt  }
0x7d: {  	_ =	shalt  }
0x7e: {  	_ =	shalt  }
0x7f: {  	_ =	shalt  }
0x80: {  	_ =	shalt  }
0x81: {  	_ =	shalt  }
0x82: {  	_ =	shalt  }
0x83: {  	_ =	shalt  }
0x84: {  	_ =	shalt  }
0x85: {  	_ =	shalt  }
0x86: {  	_ =	shalt  }
0x87: {  	_ =	shalt  }
.Lfunc_end0:
.L_simem_size_0:
called_computation.1_lowered:
.L_overlay_start_0:
0x88: {  	s2 =	sld [smem:$0x3FD9]  }
0x89: {  	s3 =	sld [smem:$0x3FFE];
	_ =	sdelay $0x1  }
0x8a: {  	s1 =	srdreg.scid  }
0x8b: {  	s0 =	sand.u32 $0x1, s1  }
0x8c: {  	s16 =	sshll.u32 s0, $0xA;
	s2 =	sadd.s32 s3, s2  }
0x8d: {  	s2 =	sadd.s32 s2, s16  }
0x8e: {  	[smem:$0x3FB6] =	sst s2  }
0x8f: {  	_ = 	snop  }
0x90: {  	(tm) =	ssettm $0x1  }
0x91: {  	s17 =	sld [smem:$0x3FFB];
	_ =	sdelay $0x3  }
0x92: {  	_ =	strace s17  }
0x93: {  	s2 =	sld [smem:$0x3FFC];
	_ =	sdelay $0x3  }
0x94: {  	_ =	strace s2  }
0x95: {  	s2 =	sld [smem:$0x3FFD];
	_ =	sdelay $0x3  }
0x96: {  	_ =	strace s2  }
0x97: {  	_ =	strace $0x8FFFFFFF  }
0x98: {  	s18 =	sld [smem:$0x3FDB];
	_ =	sdelay $0x1  }
0x99: {  	s19 =	simm.s32 $_scs_section_size  }
0x9a: {  	s4 =	simm.s32 $_size__tile_overlayer_lowered;
	s5 =	simm.s32 $_tile_overlayer_lowered  }
0x9b: {  	s22 =	simm.s32 $0x1BFF;
	s21 =	sshll.u32 s5, $0x1;
	s2 =	sadd.s32 s19, s18  }
0x9c: {  	s6 =	simm.s32 $0x0;
	s20 =	sshll.u32 s4, $0x1;
	s4 =	sadd.s32 s21, s2  }
0x9d: {  	[timem:s6], [sflag:s22] =	dma.local [hbm:s4], s20  }
0x9e: {  	_ =	swait.ge [sflag:s22], s20  }
0x9f: {  	s3 =	ssub.s32 $0x0, s20;
	[sflag:s22] =	ssyncset.done $0x0  }
0xa0: {  	[sflag:s22] =	ssyncadd.s32 s3;
	_ =	sdelay $0x1  }
0xa1: {  	s23 =	simm.s32 $0x1B8B  }
0xa2: {  	_ =	swait.ge [sflag:s23], $0x1  }
0xa3: {  	[sflag:s23] =	ssyncset.done $0x0  }
0xa4: {  	s25 =	simm.s32 $0x1B8E;
	s24 =	sld [smem:$0x3FFE];
	[sflag:s23] =	ssyncadd.s32 $0xFFFFFFFF  }
0xa5: {  	s26 =	simm.s32 $execute0_lowered;
	[smem:$0x3FD2] =	sst s25  }
0xa6: {  	s4 =	sshll.u32 s26, $0x1;
	_ =	strace $0x80000049;
	[dreg:$0x1] =	wrdreg $0xFFFFFFFF  }
0xa7: {  	s28 =	simm.s32 $_size_execute0_lowered;
	s2 =	sadd.s32 s2, s4;
	[dreg:$0x0] =	wrdreg $0x0  }
0xa8: {  	s4 =	sshll.u32 s28, $0x1;
	[dreg:$0x2] =	wrdreg s2  }
0xa9: {  	[dreg:$0x3] =	wrdreg s4  }
0xaa: {  	[dreg:$0x4] =	wrdreg $0xC0  }
0xab: {  	_ =	task [dreg:s6], $0x5FFFF  }
0xac: {  	[dreg:$0x1] =	wrdreg $0xFFFFFFFF  }
0xad: {  	[dreg:$0x0] =	wrdreg $0x60  }
0xae: {  	[dreg:$0x2] =	wrdreg s24  }
0xaf: {  	[dreg:$0x3] =	wrdreg $0x154000  }
0xb0: {  	[dreg:$0x4] =	wrdreg $0x9  }
0xb1: {  	_ =	task.clear_ibuf [dreg:s6], $0x5FFFF;
	_ =	strace $0x90000049  }
0xb2: {  	s29 =	simm.s32 $0x9;
	_ =	strace $0x8000004B  }
0xb3: {  	_ =	swait.ge [sflag:s29], $0x1  }
0xb4: {  	[sflag:s29] =	ssyncadd.s32 $0xFFFFFFFF  }
0xb5: {  	_ =	strace $0x9000004B  }
0xb6: {  	_ =	sfence  }
0xb7: {  	s30 =	sld [smem:$0x0];
	_ =	sdelay $0x2  }
0xb8: {  	s31 =	sshll.u32 s1, $0xD;
	s1 =	sshrl.u32 s1, $0x2  }
0xb9: {  	s3 =	sand.u32 $0x4000, s31;
	s1 =	sadd.s32 s1, s30  }
0xba: {  	s0 =	sor.u32 s3, s0;
	s1 =	sshll.u32 s1, $0x11  }
0xbb: {  	s0 =	sor.u32 s1, s0  }
0xbc: {  	s0 =	sadd.s32 $0x8F2B, s0  }
0xbd: {  	[sflag:s0] =	ssyncadd.remote.s32 $0x1  }
0xbe: {  	_ =	sfence.sel $0xFFFF  }
0xbf: {  	[dreg:$0x0] =	wrdreg $0xFFFFFFFF;
	(pc) =	sbr.abs _section_cstart, $3  }
0xc0: {  	[dreg:$0x1] =	wrdreg $0xFFFFFFFF  }
0xc1: {  	_ =	task.clear_ibuf [dreg:s6], $0x2FFFF;
	_ =	strace $0x9FFFFFFF  }
0xc2: {  	(tm) =	ssettm $0x7FFFFFFF  }
0xc3: {  	_ =	shalt  }
tec
execute0_lowered:
.L_overlay_start_1:
0x0: {  	(tag) =	ssettag $0x1  }
0x1: {  	s1 =	srdreg.scid;
	s4 =	rddreg [dreg:$0x0]  }
0x2: {  	s0 =	stileid.u32;
	s2 =	rddreg [dreg:$0x1];
	s3 =	simm.s32 $0x0  }
0x3: {  	s5 =	sand.u32 $0x1, s1;
	s1 =	rddreg [dreg:$0x2];
	s8 =	smul.u32 $0x2800, s0  }
0x4: {  	s29 =	sshll.u32 s0, $0x1;
	[smem:$0x7FF] =	sst s3;
	s30 =	smul.u32 $0x2710, s0  }
0x5: {  	s31 =	sshll.u32 s0, $0x6;
	s6 =	sor.u32 s5, s29;
	s9 =	smul.u32 $0x4E20, s5  }
0x6: {  	_ =	strace $0x8000004A;
	s5 =	ssub.s32 $0x2, s5;
	s7 =	smul.u32 $0x2800, s6  }
0x7: {  	s6 =	smul.u32 $0x280, s6;
	s10 =	sshrl.u32 s8, $0x3;
	s11 =	sshrl.u32 s5, $0x1  }
0x8: {  	s12 =	sadd.s32 s8, s2;
	s14 =	sshrl.u32 s30, $0x3;
	s15 =	sadd.s32 s30, s2  }
0x9: {  	s8 =	simm.s32 $0x2;
	s10 =	sadd.s32 s10, s4;
	s9 =	sadd.s32 s9, s4  }
0xa: {  	s11 =	ssub.s32 s5, s11;
	s7 =	sadd.s32 s7, s4;
	s6 =	sadd.s32 s6, s4  }
0xb: {  	s13 =	sadd.s32 $0x89E00, s9;
	s9 =	sor.u32 $0x1C02, s31;
	s4 =	sadd.s32 $0x34E00, s6  }
0xc: {  	s5 =	sadd.s32 $0x39E00, s7;
	s6 =	sadd.s32 $0x29C00, s10;
	s7 =	smax.u32 s11, $0x1  }
0xd: {  	s10 =	sshrl.u32 s12, $0x3;
	s11 =	simm.s32 $0x80;
	s12 =	simm.s32 $0x1  }
0xe: {  	s13 =	sadd.s32 s14, s13;
	s14 =	sshrl.u32 s15, $0x3;
	s15 =	simm.s32 $0x0  }
.LBB2_1:
0xf: {  	[tilespmem:s3], [sflag:$0x2] =	stream.linear.gather [hbm4b:s4+s3], $0x1400, $0x38;
	[tilespmem:$0x17C00] =	vst v63  }
0x10: {  	_ =	swait.ge [sflag:s8], $0x1400  }
0x11: {  	[sflag:s8] =	ssyncset.done $0x0  }
0x12: {  	s16 =	simm.s32 $0x1400;
	[sflag:s8] =	ssyncadd.s32 $0xFFFFEC00  }
0x13: {  	[tilespmem:s16], [sflag:$0x2] =	stream.linear.gather [hbm4b:s5+s3], $0x14000, $0x38;
	[tilespmem:$0x17C00] =	vst v63  }
0x14: {  	_ =	swait.ge [sflag:s8], $0x14000  }
0x15: {  	[sflag:s8] =	ssyncset.done $0x0  }
0x16: {  	[sflag:s8] =	ssyncadd.s32 $0xFFFEC000  }
0x17: {  	[spmem:s10], [sflag:s9] =	dma.local [hbm:s6], $0x500  }
0x18: {  	_ =	swait.ge [sflag:s8], $0x500  }
0x19: {  	[sflag:s8] =	ssyncset.done $0x0  }
0x1a: {  	[sflag:s8] =	ssyncadd.s32 $0xFFFFFB00  }
0x1b: {  	s17 =	simm.s32 $0x0;
	[bflag:$0x0] =	sbarrier.arrive $0xFFFF  }
.LBB2_2:
0x1c: {  	p0 =	sne.s32 s17, $0x4E00  }
.Ltmp0:
0x1d: {  	_ = 	snop;
	(pc) =	sbr.rel @p0 .LBB2_2-.Ltmp0, $4  }
0x1e: {  	_ = 	snop  }
0x1f: {  	s18 =	sshra.s32 s17, $0x2  }
0x20: {  	[spmem:s2] =	stream.indirect.scatter.add.f32 [tilespmem:s16], [sflag:$0x1], $0x10, s18, s11, $0xb8;
	[tilespmem:$0x17C00] =	vst v63  }
0x21: {  	s17 =	sadd.s32 $0x200, s17;
	s16 =	sadd.s32 $0x800, s16  }
0x22: {  	_ =	swait.ge [sflag:s12], $0x800  }
0x23: {  	s16 =	simm.s32 $0x27;
	[sflag:s12] =	ssyncset.done $0x0  }
.LBB2_4:
0x24: {  	p0 =	sne.s32 s16, $0x1;
	s16 =	sadd.s32 $0xFFFFFFFF, s16;
	[sflag:s12] =	ssyncadd.s32 $0xFFFFF800  }
.Ltmp1:
0x25: {  	(pc) =	sbr.rel @p0 .LBB2_4-.Ltmp1, $3  }
0x26: {  	_ =	sdelay $0x1  }
0x27: {  	_ =	swait.ge [sflag:s12], $0x800  }
0x28: {  	[sflag:s12] =	ssyncset.done $0x0  }
0x29: {  	s15 =	sadd.s32 $0x1, s15  }
0x2a: {  	[sflag:s12] =	ssyncadd.s32 $0xFFFFF800;
	p0 =	sne.s32 s15, s7  }
.Ltmp2:
0x2b: {  	[bflag:$0x0] =	sbarrier.arrive $0xFFFF;
	(pc) =	sbr.rel @p0 .LBB2_1-.Ltmp2, $4  }
0x2c: {  	[hbm:s13], [sflag:s9] =	dma.local [spmem:s14], $0x4E2  }
0x2d: {  	_ =	swait.ge [sflag:s8], $0x4E2  }
0x2e: {  	[sflag:s8] =	ssyncset.done $0x0  }
0x2f: {  	[sflag:s8] =	ssyncadd.s32 $0xFFFFFB1E  }
0x30: {  	_ =	sfence.sel $0x180000  }
0x31: {  	[bflag:$0x0] =	sbarrier.arrive $0xFFFF  }
0x32: {  	p0 =	sne.s32 s0, $0x0;
	_ =	strace $0x9000004A  }
0x33: {  	s0 =	sadd.s32 @!p0 $0x100000, s1;
	[bflag:$0x2] =	sbarrier.arrive $0xFFFF  }
0x34: {  	[sflag:s0] =	ssyncadd.tile.s32 @!p0 $0x1;
	_ =	shalt  }
.Lfunc_end2:
_tile_overlayer_lowered:
.L_overlay_start_2:
0x35: {  	(tag) =	ssettag $0x2  }
0x36: {  	s0 =	rddreg [dreg:$0x0];
	s2 =	stileid.u32  }
0x37: {  	s1 =	rddreg [dreg:$0x1];
	p0 =	sne.s32 s2, $0x0  }
0x38: {  	s3 =	rddreg [dreg:$0x2];
	[bflag:$0x3] =	sbarrier.arrive $0xFFFF;
	s2 =	simm.s32 @!p0 $0x1C02  }
0x39: {  	[timem:s3], [sflag:s2] =	dma.local @!p0 [hbm:s0], s1  }
0x3a: {  	s0 =	simm.s32 @!p0 $0x2  }
0x3b: {  	_ =	swait.ge @!p0 [sflag:s0], s1  }
0x3c: {  	s1 =	ssub.s32 @!p0 $0x0, s1;
	[sflag:s0] =	ssyncset.done @!p0 $0x0  }
0x3d: {  	[sflag:s0] =	ssyncadd.s32 @!p0 s1  }
0x3e: {  	[bflag:$0x3] =	sbarrier.arrive $0xFFFF  }
0x3f: {  	_ =	shalt  }

// kernel: kernel.17.cloned.1.call-start
scs
__scs_entry_jumppad:
0x0: {  	(pc) =	sbr.rel $0x88, $3  }
0x1: {  	(tag) =	ssettag $0x0;
	lr =	simm.s32 $0x1  }
0x2: {  	[smem:$0x3F8F] =	sst lr;
	_ =	strace $0xD0000000  }
0x3: {  	_ = 	snop  }
0x4: {  	_ = 	snop  }
0x5: {  	_ = 	snop  }
0x6: {  	_ = 	snop  }
0x7: {  	_ = 	snop  }
__scs_overlays_trampoline_lowered:
0x8: {  	[smem:$0x3F9E] =	sst s0  }
0x9: {  	[smem:$0x3F9F] =	sst s1  }
0xa: {  	[smem:$0x3FA0] =	sst s2  }
0xb: {  	[smem:$0x3FA1] =	sst s3  }
0xc: {  	[smem:$0x3FA2] =	sst s4  }
0xd: {  	[smem:$0x3FA3] =	sst s5  }
0xe: {  	[smem:$0x3FA4] =	sst s6  }
0xf: {  	[smem:$0x3FA5] =	sst s7  }
0x10: {  	[smem:$0x3FA6] =	sst s8  }
0x11: {  	[smem:$0x3FA7] =	sst s9;
	s0 =	simm.s32 @!p0 $0x0  }
0x12: {  	s1 =	sld [smem:$0x3F8D];
	s0 =	simm.s32 @p0 $0x1  }
0x13: {  	[smem:$0x3FA8] =	sst s0;
	s0 =	simm.s32 @!p1 $0x0  }
0x14: {  	s2 =	sld [smem:$0x3F8C];
	s0 =	simm.s32 @p1 $0x1  }
0x15: {  	[smem:$0x3FA9] =	sst s0;
	s0 =	simm.s32 @!p2 $0x0  }
0x16: {  	s3 =	sld [smem:$0x3FDB];
	s0 =	simm.s32 @p2 $0x1  }
0x17: {  	s4 =	simm.s32 $0x1BF5;
	[smem:$0x3FAB] =	sst s0  }
0x18: {  	s0 =	sld [smem:$0x3F8E];
	_ =	swait.ge [sflag:s4], $0x0  }
0x19: {  	s7 =	sld [smem:$0x3F8F]  }
0x1a: {  	s8 =	sadd.s32 $0xFFFFE003, lr  }
0x1b: {  	s9 =	sadd.s32 $0xFFFFFEF7, lr;
	s5 =	simm.s32 $0xFFFFFFFF;
	p2 =	slt.u32 s8, $0xFFFFF086  }
0x1c: {  	p1 =	slt.u32 s9, $0xF7A;
	s5 =	simm.s32 @!p2 $0x0  }
0x1d: {  	s5 =	simm.s32 @p1 $0x1;
	p0 =	seq.s32 s7, s2  }
0x1e: {  	s7 =	smul.u32 @!p0 $0xF7A, s2;
	p2 =	seq.s32 @!p0 s5, $0x0  }
0x1f: {  	s9 =	smul.u32 $0xF7A, s1;
	s8 =	simm.s32 @!p0 $0x1BF5;
	p2 =	por !p2, p0  }
0x20: {  	[sflag:s8] =	ssyncset.s32 @!p0 $0xFFFFF086;
	s6 =	sadd.s32 @!p0 s3, s7;
	s7 =	simm.s32 @!p0 $0x108  }
0x21: {  	s3 =	sadd.s32 s3, s9;
	s6 =	sadd.s32 @!p0 $0x88, s6;
	s7 =	simm.s32 @p2 $0x1082  }
0x22: {  	[simem:s7], [sflag:s8] =	dma.local @!p0 [hbm:s6], $0xF7A  }
0x23: {  	s9 =	sor.u32 $0xD0000000, s2;
	s6 =	simm.s32 $0x108;
	_ =	swait.ge @!p0 [sflag:s8], $0x0  }
0x24: {  	s3 =	sadd.s32 $0x88, s3;
	s6 =	simm.s32 @!p1 $0x1082;
	[sflag:s4] =	ssyncset.s32 $0xFFFFF086  }
0x25: {  	[simem:s6], [sflag:s4] =	dma.local [hbm:s3], $0xF7A  }
0x26: {  	[smem:$0x3F8F] =	sst s1;
	(tag) =	ssettag s2;
	_ =	strace s9  }
0x27: {  	s1 =	sld [smem:$0x3F9F]  }
0x28: {  	s2 =	sld [smem:$0x3FA0]  }
0x29: {  	s4 =	sld [smem:$0x3FA2]  }
0x2a: {  	p0 =	seq.s32 s5, $0x0;
	s5 =	sld [smem:$0x3FA3]  }
0x2b: {  	s6 =	sld [smem:$0x3FA4]  }
0x2c: {  	s7 =	sld [smem:$0x3FA5]  }
0x2d: {  	s3 =	simm.s32 $0x108;
	s8 =	sld [smem:$0x3FA6]  }
0x2e: {  	s3 =	simm.s32 @!p0 $0x1082;
	s9 =	sld [smem:$0x3FA7]  }
0x2f: {  	lr =	sadd.s32 s0, s3;
	s0 =	sld [smem:$0x3F9E]  }
0x30: {  	s3 =	sld [smem:$0x3FA1]  }
0x31: {  	[smem:$0x3FAA] =	sst s10  }
0x32: {  	s10 =	sld [smem:$0x3FA8];
	_ =	sdelay $0x3  }
0x33: {  	p0 =	seq.s32 s10, $0x1;
	s10 =	sld [smem:$0x3FAA];
	_ =	sdelay $0x3  }
0x34: {  	[smem:$0x3FAA] =	sst s10  }
0x35: {  	s10 =	sld [smem:$0x3FA9];
	_ =	sdelay $0x3  }
0x36: {  	p1 =	seq.s32 s10, $0x1;
	s10 =	sld [smem:$0x3FAA];
	_ =	sdelay $0x3  }
0x37: {  	[smem:$0x3FAA] =	sst s10  }
0x38: {  	s10 =	sld [smem:$0x3FAB]  }
0x39: {  	_ = 	snop;
	(pc) =	sbr.ind lr, $3  }
0x3a: {  	_ = 	snop  }
0x3b: {  	_ = 	snop  }
0x3c: {  	p2 =	seq.s32 s10, $0x1;
	s10 =	sld [smem:$0x3FAA]  }
0x3d: {  	_ =	shalt  }
0x3e: {  	_ =	shalt  }
0x3f: {  	_ =	shalt  }
0x40: {  	_ =	shalt  }
0x41: {  	_ =	shalt  }
0x42: {  	_ =	shalt  }
0x43: {  	_ =	shalt  }
0x44: {  	_ =	shalt  }
0x45: {  	_ =	shalt  }
0x46: {  	_ =	shalt  }
0x47: {  	_ =	shalt  }
0x48: {  	_ =	shalt  }
0x49: {  	_ =	shalt  }
0x4a: {  	_ =	shalt  }
0x4b: {  	_ =	shalt  }
0x4c: {  	_ =	shalt  }
0x4d: {  	_ =	shalt  }
0x4e: {  	_ =	shalt  }
0x4f: {  	_ =	shalt  }
0x50: {  	_ =	shalt  }
0x51: {  	_ =	shalt  }
0x52: {  	_ =	shalt  }
0x53: {  	_ =	shalt  }
0x54: {  	_ =	shalt  }
0x55: {  	_ =	shalt  }
0x56: {  	_ =	shalt  }
0x57: {  	_ =	shalt  }
0x58: {  	_ =	shalt  }
0x59: {  	_ =	shalt  }
0x5a: {  	_ =	shalt  }
0x5b: {  	_ =	shalt  }
0x5c: {  	_ =	shalt  }
0x5d: {  	_ =	shalt  }
0x5e: {  	_ =	shalt  }
0x5f: {  	_ =	shalt  }
0x60: {  	_ =	shalt  }
0x61: {  	_ =	shalt  }
0x62: {  	_ =	shalt  }
0x63: {  	_ =	shalt  }
0x64: {  	_ =	shalt  }
0x65: {  	_ =	shalt  }
0x66: {  	_ =	shalt  }
0x67: {  	_ =	shalt  }
0x68: {  	_ =	shalt  }
0x69: {  	_ =	shalt  }
0x6a: {  	_ =	shalt  }
0x6b: {  	_ =	shalt  }
0x6c: {  	_ =	shalt  }
0x6d: {  	_ =	shalt  }
0x6e: {  	_ =	shalt  }
0x6f: {  	_ =	shalt  }
0x70: {  	_ =	shalt  }
0x71: {  	_ =	shalt  }
0x72: {  	_ =	shalt  }
0x73: {  	_ =	shalt  }
0x74: {  	_ =	shalt  }
0x75: {  	_ =	shalt  }
0x76: {  	_ =	shalt  }
0x77: {  	_ =	shalt  }
0x78: {  	_ =	shalt  }
0x79: {  	_ =	shalt  }
0x7a: {  	_ =	shalt  }
0x7b: {  	_ =	shalt  }
0x7c: {  	_ =	shalt  }
0x7d: {  	_ =	shalt  }
0x7e: {  	_ =	shalt  }
0x7f: {  	_ =	shalt  }
0x80: {  	_ =	shalt  }
0x81: {  	_ =	shalt  }
0x82: {  	_ =	shalt  }
0x83: {  	_ =	shalt  }
0x84: {  	_ =	shalt  }
0x85: {  	_ =	shalt  }
0x86: {  	_ =	shalt  }
0x87: {  	_ =	shalt  }
.Lfunc_end0:
.L_simem_size_0:
called_computation.2_lowered:
.L_overlay_start_0:
0x88: {  	s2 =	sld [smem:$0x3FD9]  }
0x89: {  	s3 =	sld [smem:$0x3FFE];
	_ =	sdelay $0x1  }
0x8a: {  	s1 =	srdreg.scid  }
0x8b: {  	s0 =	sand.u32 $0x1, s1  }
0x8c: {  	s16 =	sshll.u32 s0, $0xA;
	s2 =	sadd.s32 s3, s2  }
0x8d: {  	s2 =	sadd.s32 s2, s16  }
0x8e: {  	[smem:$0x3FB6] =	sst s2  }
0x8f: {  	_ = 	snop  }
0x90: {  	(tm) =	ssettm $0x1  }
0x91: {  	s17 =	sld [smem:$0x3FFB];
	_ =	sdelay $0x3  }
0x92: {  	_ =	strace s17  }
0x93: {  	s2 =	sld [smem:$0x3FFC];
	_ =	sdelay $0x3  }
0x94: {  	_ =	strace s2  }
0x95: {  	s2 =	sld [smem:$0x3FFD];
	_ =	sdelay $0x3  }
0x96: {  	_ =	strace s2  }
0x97: {  	_ =	strace $0x8FFFFFFF  }
0x98: {  	s18 =	sld [smem:$0x3FDB];
	_ =	sdelay $0x1  }
0x99: {  	s19 =	simm.s32 $_scs_section_size  }
0x9a: {  	s4 =	simm.s32 $_size__tile_overlayer_lowered;
	s5 =	simm.s32 $_tile_overlayer_lowered  }
0x9b: {  	s22 =	simm.s32 $0x1BFF;
	s21 =	sshll.u32 s5, $0x1;
	s2 =	sadd.s32 s19, s18  }
0x9c: {  	s6 =	simm.s32 $0x0;
	s20 =	sshll.u32 s4, $0x1;
	s4 =	sadd.s32 s21, s2  }
0x9d: {  	[timem:s6], [sflag:s22] =	dma.local [hbm:s4], s20  }
0x9e: {  	_ =	swait.ge [sflag:s22], s20  }
0x9f: {  	s3 =	ssub.s32 $0x0, s20;
	[sflag:s22] =	ssyncset.done $0x0  }
0xa0: {  	[sflag:s22] =	ssyncadd.s32 s3;
	_ =	sdelay $0x1  }
0xa1: {  	s23 =	simm.s32 $0x1B8B  }
0xa2: {  	_ =	swait.ge [sflag:s23], $0x1  }
0xa3: {  	[sflag:s23] =	ssyncset.done $0x0  }
0xa4: {  	s25 =	simm.s32 $0x1B8E;
	s24 =	sld [smem:$0x3FFE];
	[sflag:s23] =	ssyncadd.s32 $0xFFFFFFFF  }
0xa5: {  	s26 =	simm.s32 $execute0_lowered;
	[smem:$0x3FD2] =	sst s25  }
0xa6: {  	s4 =	sshll.u32 s26, $0x1;
	_ =	strace $0x8000004C;
	[dreg:$0x1] =	wrdreg $0xFFFFFFFF  }
0xa7: {  	s28 =	simm.s32 $_size_execute0_lowered;
	s2 =	sadd.s32 s2, s4;
	[dreg:$0x0] =	wrdreg $0x0  }
0xa8: {  	s4 =	sshll.u32 s28, $0x1;
	[dreg:$0x2] =	wrdreg s2  }
0xa9: {  	[dreg:$0x3] =	wrdreg s4  }
0xaa: {  	[dreg:$0x4] =	wrdreg $0xC0  }
0xab: {  	_ =	task [dreg:s6], $0x5FFFF  }
0xac: {  	[dreg:$0x1] =	wrdreg $0xFFFFFFFF  }
0xad: {  	[dreg:$0x0] =	wrdreg $0x60  }
0xae: {  	[dreg:$0x2] =	wrdreg s24  }
0xaf: {  	[dreg:$0x3] =	wrdreg $0x9  }
0xb0: {  	_ =	task.clear_ibuf [dreg:s6], $0x4FFFF;
	_ =	strace $0x9000004C  }
0xb1: {  	s29 =	simm.s32 $0x9;
	_ =	strace $0x8000004E  }
0xb2: {  	_ =	swait.ge [sflag:s29], $0x1  }
0xb3: {  	[sflag:s29] =	ssyncadd.s32 $0xFFFFFFFF  }
0xb4: {  	_ =	strace $0x9000004E  }
0xb5: {  	_ =	sfence  }
0xb6: {  	s30 =	sld [smem:$0x0];
	_ =	sdelay $0x2  }
0xb7: {  	s31 =	sshll.u32 s1, $0xD;
	s1 =	sshrl.u32 s1, $0x2  }
0xb8: {  	s3 =	sand.u32 $0x4000, s31;
	s1 =	sadd.s32 s1, s30  }
0xb9: {  	s0 =	sor.u32 s3, s0;
	s1 =	sshll.u32 s1, $0x11  }
0xba: {  	s0 =	sor.u32 s1, s0  }
0xbb: {  	s0 =	sadd.s32 $0x8F2B, s0  }
0xbc: {  	[sflag:s0] =	ssyncadd.remote.s32 $0x1  }
0xbd: {  	_ =	sfence.sel $0xFFFF  }
0xbe: {  	[dreg:$0x0] =	wrdreg $0xFFFFFFFF;
	(pc) =	sbr.abs _section_cstart, $3  }
0xbf: {  	[dreg:$0x1] =	wrdreg $0xFFFFFFFF  }
0xc0: {  	_ =	task.clear_ibuf [dreg:s6], $0x2FFFF;
	_ =	strace $0x9FFFFFFF  }
0xc1: {  	(tm) =	ssettm $0x7FFFFFFF  }
tec
execute0_lowered:
.L_overlay_start_1:
0x0: {  	(tag) =	ssettag $0x1  }
0x1: {  	s1 =	srdreg.scid;
	s0 =	stileid.u32  }
0x2: {  	s5 =	rddreg [dreg:$0x0];
	s2 =	simm.s32 $0x0;
	s8 =	simm.s32 $0x80  }
0x3: {  	s9 =	simm.s32 $0x1;
	s4 =	sand.u32 $0x1, s1;
	s30 =	sshll.u32 s0, $0x1  }
0x4: {  	s10 =	simm.s32 $0x1400;
	s1 =	rddreg [dreg:$0x1];
	s3 =	sor.u32 s4, s30  }
0x5: {  	s11 =	simm.s32 $0x0;
	[smem:$0x7FF] =	sst s2;
	s6 =	smul.u32 $0x280, s3  }
0x6: {  	_ =	strace $0x8000004D;
	s4 =	ssub.s32 $0x2, s4;
	s7 =	smul.u32 $0x2800, s3  }
0x7: {  	s3 =	sadd.s32 $0x2A00, s5;
	s31 =	sshrl.u32 s4, $0x1;
	s6 =	sadd.s32 s6, s5  }
0x8: {  	s5 =	sadd.s32 s7, s5;
	s7 =	ssub.s32 s4, s31;
	s4 =	sadd.s32 $0x2FE00, s6  }
0x9: {  	s5 =	sadd.s32 $0x39E00, s5;
	s6 =	smax.u32 s7, $0x1;
	s7 =	simm.s32 $0x2  }
.LBB2_1:
0xa: {  	[tilespmem:s2], [sflag:$0x2] =	stream.linear.gather [hbm4b:s4+s2], $0x1400, $0x38;
	[tilespmem:$0x15400] =	vst v63  }
0xb: {  	_ =	swait.ge [sflag:s7], $0x1400  }
0xc: {  	[sflag:s7] =	ssyncset.done $0x0  }
0xd: {  	s12 =	simm.s32 $0x1400;
	s13 =	simm.s32 $0x0;
	[sflag:s7] =	ssyncadd.s32 $0xFFFFEC00  }
.LBB2_2:
0xe: {  	p0 =	sne.s32 s13, $0x4E00  }
.Ltmp0:
0xf: {  	_ = 	snop;
	(pc) =	sbr.rel @p0 .LBB2_2-.Ltmp0, $4  }
0x10: {  	_ = 	snop  }
0x11: {  	s14 =	sshra.s32 s13, $0x2  }
0x12: {  	[tilespmem:s12], [sflag:$0x1] =	stream.indirect.gather [hbm4b:s3+s8], $0x10, s14, s8, $0xb8;
	[tilespmem:$0x15400] =	vst v63  }
0x13: {  	s13 =	sadd.s32 $0x200, s13;
	s12 =	sadd.s32 $0x800, s12  }
0x14: {  	_ =	swait.ge [sflag:s9], $0x800  }
0x15: {  	s12 =	simm.s32 $0x27;
	[sflag:s9] =	ssyncset.done $0x0  }
.LBB2_4:
0x16: {  	p0 =	sne.s32 s12, $0x1;
	s12 =	sadd.s32 $0xFFFFFFFF, s12;
	[sflag:s9] =	ssyncadd.s32 $0xFFFFF800  }
.Ltmp1:
0x17: {  	(pc) =	sbr.rel @p0 .LBB2_4-.Ltmp1, $3  }
0x18: {  	_ =	sdelay $0x1  }
0x19: {  	_ =	swait.ge [sflag:s9], $0x800  }
0x1a: {  	[sflag:s9] =	ssyncset.done $0x0  }
0x1b: {  	s11 =	sadd.s32 $0x1, s11  }
0x1c: {  	p0 =	sne.s32 s11, s6  }
.Ltmp2:
0x1d: {  	[sflag:s9] =	ssyncadd.s32 $0xFFFFF800;
	(pc) =	sbr.rel @p0 .LBB2_1-.Ltmp2, $4  }
0x1e: {  	[hbm4b:s5+s2] =	stream.linear.scatter [tilespmem:s10], [sflag:$0x2], $0x14000, $0x38;
	[tilespmem:$0x15400] =	vst v63  }
0x1f: {  	_ =	swait.ge [sflag:s7], $0x14000  }
0x20: {  	[sflag:s7] =	ssyncset.done $0x0  }
0x21: {  	[sflag:s7] =	ssyncadd.s32 $0xFFFEC000  }
0x22: {  	_ =	sfence.sel $0x180000  }
0x23: {  	[bflag:$0x0] =	sbarrier.arrive $0xFFFF  }
0x24: {  	p0 =	sne.s32 s0, $0x0;
	_ =	strace $0x9000004D  }
0x25: {  	s0 =	sadd.s32 @!p0 $0x100000, s1;
	[bflag:$0x2] =	sbarrier.arrive $0xFFFF  }
0x26: {  	[sflag:s0] =	ssyncadd.tile.s32 @!p0 $0x1;
	_ =	shalt  }
.Lfunc_end2:
_tile_overlayer_lowered:
.L_overlay_start_2:
0x27: {  	(tag) =	ssettag $0x2  }
0x28: {  	s0 =	rddreg [dreg:$0x0];
	s2 =	stileid.u32  }
0x29: {  	s1 =	rddreg [dreg:$0x1];
	p0 =	sne.s32 s2, $0x0  }
0x2a: {  	s3 =	rddreg [dreg:$0x2];
	[bflag:$0x3] =	sbarrier.arrive $0xFFFF;
	s2 =	simm.s32 @!p0 $0x1C02  }
0x2b: {  	[timem:s3], [sflag:s2] =	dma.local @!p0 [hbm:s0], s1  }
0x2c: {  	s0 =	simm.s32 @!p0 $0x2  }
0x2d: {  	_ =	swait.ge @!p0 [sflag:s0], s1  }
0x2e: {  	s1 =	ssub.s32 @!p0 $0x0, s1;
	[sflag:s0] =	ssyncset.done @!p0 $0x0  }
0x2f: {  	[sflag:s0] =	ssyncadd.s32 @!p0 s1  }
0x30: {  	[bflag:$0x3] =	sbarrier.arrive $0xFFFF  }
0x31: {  	_ =	shalt  }

// kernel: kernel.20.cloned.1.call-start
scs
__scs_entry_jumppad:
0x0: {  	(pc) =	sbr.rel $0x88, $3  }
0x1: {  	(tag) =	ssettag $0x0;
	lr =	simm.s32 $0x1  }
0x2: {  	[smem:$0x3F8F] =	sst lr;
	_ =	strace $0xD0000000  }
0x3: {  	_ = 	snop  }
0x4: {  	_ = 	snop  }
0x5: {  	_ = 	snop  }
0x6: {  	_ = 	snop  }
0x7: {  	_ = 	snop  }
__scs_overlays_trampoline_lowered:
0x8: {  	[smem:$0x3F9E] =	sst s0  }
0x9: {  	[smem:$0x3F9F] =	sst s1  }
0xa: {  	[smem:$0x3FA0] =	sst s2  }
0xb: {  	[smem:$0x3FA1] =	sst s3  }
0xc: {  	[smem:$0x3FA2] =	sst s4  }
0xd: {  	[smem:$0x3FA3] =	sst s5  }
0xe: {  	[smem:$0x3FA4] =	sst s6  }
0xf: {  	[smem:$0x3FA5] =	sst s7  }
0x10: {  	[smem:$0x3FA6] =	sst s8  }
0x11: {  	[smem:$0x3FA7] =	sst s9;
	s0 =	simm.s32 @!p0 $0x0  }
0x12: {  	s1 =	sld [smem:$0x3F8D];
	s0 =	simm.s32 @p0 $0x1  }
0x13: {  	[smem:$0x3FA8] =	sst s0;
	s0 =	simm.s32 @!p1 $0x0  }
0x14: {  	s2 =	sld [smem:$0x3F8C];
	s0 =	simm.s32 @p1 $0x1  }
0x15: {  	[smem:$0x3FA9] =	sst s0;
	s0 =	simm.s32 @!p2 $0x0  }
0x16: {  	s3 =	sld [smem:$0x3FDB];
	s0 =	simm.s32 @p2 $0x1  }
0x17: {  	s4 =	simm.s32 $0x1BF5;
	[smem:$0x3FAB] =	sst s0  }
0x18: {  	s0 =	sld [smem:$0x3F8E];
	_ =	swait.ge [sflag:s4], $0x0  }
0x19: {  	s7 =	sld [smem:$0x3F8F]  }
0x1a: {  	s8 =	sadd.s32 $0xFFFFE003, lr  }
0x1b: {  	s9 =	sadd.s32 $0xFFFFFEF7, lr;
	s5 =	simm.s32 $0xFFFFFFFF;
	p2 =	slt.u32 s8, $0xFFFFF086  }
0x1c: {  	p1 =	slt.u32 s9, $0xF7A;
	s5 =	simm.s32 @!p2 $0x0  }
0x1d: {  	s5 =	simm.s32 @p1 $0x1;
	p0 =	seq.s32 s7, s2  }
0x1e: {  	s7 =	smul.u32 @!p0 $0xF7A, s2;
	p2 =	seq.s32 @!p0 s5, $0x0  }
0x1f: {  	s9 =	smul.u32 $0xF7A, s1;
	s8 =	simm.s32 @!p0 $0x1BF5;
	p2 =	por !p2, p0  }
0x20: {  	[sflag:s8] =	ssyncset.s32 @!p0 $0xFFFFF086;
	s6 =	sadd.s32 @!p0 s3, s7;
	s7 =	simm.s32 @!p0 $0x108  }
0x21: {  	s3 =	sadd.s32 s3, s9;
	s6 =	sadd.s32 @!p0 $0x88, s6;
	s7 =	simm.s32 @p2 $0x1082  }
0x22: {  	[simem:s7], [sflag:s8] =	dma.local @!p0 [hbm:s6], $0xF7A  }
0x23: {  	s9 =	sor.u32 $0xD0000000, s2;
	s6 =	simm.s32 $0x108;
	_ =	swait.ge @!p0 [sflag:s8], $0x0  }
0x24: {  	s3 =	sadd.s32 $0x88, s3;
	s6 =	simm.s32 @!p1 $0x1082;
	[sflag:s4] =	ssyncset.s32 $0xFFFFF086  }
0x25: {  	[simem:s6], [sflag:s4] =	dma.local [hbm:s3], $0xF7A  }
0x26: {  	[smem:$0x3F8F] =	sst s1;
	(tag) =	ssettag s2;
	_ =	strace s9  }
0x27: {  	s1 =	sld [smem:$0x3F9F]  }
0x28: {  	s2 =	sld [smem:$0x3FA0]  }
0x29: {  	s4 =	sld [smem:$0x3FA2]  }
0x2a: {  	p0 =	seq.s32 s5, $0x0;
	s5 =	sld [smem:$0x3FA3]  }
0x2b: {  	s6 =	sld [smem:$0x3FA4]  }
0x2c: {  	s7 =	sld [smem:$0x3FA5]  }
0x2d: {  	s3 =	simm.s32 $0x108;
	s8 =	sld [smem:$0x3FA6]  }
0x2e: {  	s3 =	simm.s32 @!p0 $0x1082;
	s9 =	sld [smem:$0x3FA7]  }
0x2f: {  	lr =	sadd.s32 s0, s3;
	s0 =	sld [smem:$0x3F9E]  }
0x30: {  	s3 =	sld [smem:$0x3FA1]  }
0x31: {  	[smem:$0x3FAA] =	sst s10  }
0x32: {  	s10 =	sld [smem:$0x3FA8];
	_ =	sdelay $0x3  }
0x33: {  	p0 =	seq.s32 s10, $0x1;
	s10 =	sld [smem:$0x3FAA];
	_ =	sdelay $0x3  }
0x34: {  	[smem:$0x3FAA] =	sst s10  }
0x35: {  	s10 =	sld [smem:$0x3FA9];
	_ =	sdelay $0x3  }
0x36: {  	p1 =	seq.s32 s10, $0x1;
	s10 =	sld [smem:$0x3FAA];
	_ =	sdelay $0x3  }
0x37: {  	[smem:$0x3FAA] =	sst s10  }
0x38: {  	s10 =	sld [smem:$0x3FAB]  }
0x39: {  	_ = 	snop;
	(pc) =	sbr.ind lr, $3  }
0x3a: {  	_ = 	snop  }
0x3b: {  	_ = 	snop  }
0x3c: {  	p2 =	seq.s32 s10, $0x1;
	s10 =	sld [smem:$0x3FAA]  }
0x3d: {  	_ =	shalt  }
0x3e: {  	_ =	shalt  }
0x3f: {  	_ =	shalt  }
0x40: {  	_ =	shalt  }
0x41: {  	_ =	shalt  }
0x42: {  	_ =	shalt  }
0x43: {  	_ =	shalt  }
0x44: {  	_ =	shalt  }
0x45: {  	_ =	shalt  }
0x46: {  	_ =	shalt  }
0x47: {  	_ =	shalt  }
0x48: {  	_ =	shalt  }
0x49: {  	_ =	shalt  }
0x4a: {  	_ =	shalt  }
0x4b: {  	_ =	shalt  }
0x4c: {  	_ =	shalt  }
0x4d: {  	_ =	shalt  }
0x4e: {  	_ =	shalt  }
0x4f: {  	_ =	shalt  }
0x50: {  	_ =	shalt  }
0x51: {  	_ =	shalt  }
0x52: {  	_ =	shalt  }
0x53: {  	_ =	shalt  }
0x54: {  	_ =	shalt  }
0x55: {  	_ =	shalt  }
0x56: {  	_ =	shalt  }
0x57: {  	_ =	shalt  }
0x58: {  	_ =	shalt  }
0x59: {  	_ =	shalt  }
0x5a: {  	_ =	shalt  }
0x5b: {  	_ =	shalt  }
0x5c: {  	_ =	shalt  }
0x5d: {  	_ =	shalt  }
0x5e: {  	_ =	shalt  }
0x5f: {  	_ =	shalt  }
0x60: {  	_ =	shalt  }
0x61: {  	_ =	shalt  }
0x62: {  	_ =	shalt  }
0x63: {  	_ =	shalt  }
0x64: {  	_ =	shalt  }
0x65: {  	_ =	shalt  }
0x66: {  	_ =	shalt  }
0x67: {  	_ =	shalt  }
0x68: {  	_ =	shalt  }
0x69: {  	_ =	shalt  }
0x6a: {  	_ =	shalt  }
0x6b: {  	_ =	shalt  }
0x6c: {  	_ =	shalt  }
0x6d: {  	_ =	shalt  }
0x6e: {  	_ =	shalt  }
0x6f: {  	_ =	shalt  }
0x70: {  	_ =	shalt  }
0x71: {  	_ =	shalt  }
0x72: {  	_ =	shalt  }
0x73: {  	_ =	shalt  }
0x74: {  	_ =	shalt  }
0x75: {  	_ =	shalt  }
0x76: {  	_ =	shalt  }
0x77: {  	_ =	shalt  }
0x78: {  	_ =	shalt  }
0x79: {  	_ =	shalt  }
0x7a: {  	_ =	shalt  }
0x7b: {  	_ =	shalt  }
0x7c: {  	_ =	shalt  }
0x7d: {  	_ =	shalt  }
0x7e: {  	_ =	shalt  }
0x7f: {  	_ =	shalt  }
0x80: {  	_ =	shalt  }
0x81: {  	_ =	shalt  }
0x82: {  	_ =	shalt  }
0x83: {  	_ =	shalt  }
0x84: {  	_ =	shalt  }
0x85: {  	_ =	shalt  }
0x86: {  	_ =	shalt  }
0x87: {  	_ =	shalt  }
.Lfunc_end0:
.L_simem_size_0:
called_computation.3_lowered:
.L_overlay_start_0:
0x88: {  	s2 =	sld [smem:$0x3FD9]  }
0x89: {  	s3 =	sld [smem:$0x3FFE];
	_ =	sdelay $0x1  }
0x8a: {  	s1 =	srdreg.scid  }
0x8b: {  	s0 =	sand.u32 $0x1, s1  }
0x8c: {  	s16 =	sshll.u32 s0, $0xA;
	s2 =	sadd.s32 s3, s2  }
0x8d: {  	s2 =	sadd.s32 s2, s16  }
0x8e: {  	[smem:$0x3FB6] =	sst s2  }
0x8f: {  	_ = 	snop  }
0x90: {  	(tm) =	ssettm $0x1  }
0x91: {  	s17 =	sld [smem:$0x3FFB];
	_ =	sdelay $0x3  }
0x92: {  	_ =	strace s17  }
0x93: {  	s2 =	sld [smem:$0x3FFC];
	_ =	sdelay $0x3  }
0x94: {  	_ =	strace s2  }
0x95: {  	s2 =	sld [smem:$0x3FFD];
	_ =	sdelay $0x3  }
0x96: {  	_ =	strace s2  }
0x97: {  	_ =	strace $0x8FFFFFFF  }
0x98: {  	s18 =	sld [smem:$0x3FDB];
	_ =	sdelay $0x1  }
0x99: {  	s19 =	simm.s32 $_scs_section_size  }
0x9a: {  	s4 =	simm.s32 $_size__tile_overlayer_lowered;
	s5 =	simm.s32 $_tile_overlayer_lowered  }
0x9b: {  	s22 =	simm.s32 $0x1BFF;
	s21 =	sshll.u32 s5, $0x1;
	s2 =	sadd.s32 s19, s18  }
0x9c: {  	s6 =	simm.s32 $0x0;
	s20 =	sshll.u32 s4, $0x1;
	s4 =	sadd.s32 s21, s2  }
0x9d: {  	[timem:s6], [sflag:s22] =	dma.local [hbm:s4], s20  }
0x9e: {  	_ =	swait.ge [sflag:s22], s20  }
0x9f: {  	s3 =	ssub.s32 $0x0, s20;
	[sflag:s22] =	ssyncset.done $0x0  }
0xa0: {  	[sflag:s22] =	ssyncadd.s32 s3;
	_ =	sdelay $0x1  }
0xa1: {  	s23 =	simm.s32 $0x1B8B  }
0xa2: {  	_ =	swait.ge [sflag:s23], $0x1  }
0xa3: {  	[sflag:s23] =	ssyncset.done $0x0  }
0xa4: {  	s25 =	simm.s32 $0x1B8E;
	s24 =	sld [smem:$0x3FFE];
	[sflag:s23] =	ssyncadd.s32 $0xFFFFFFFF  }
0xa5: {  	s26 =	simm.s32 $execute0_lowered;
	[smem:$0x3FD2] =	sst s25  }
0xa6: {  	s4 =	sshll.u32 s26, $0x1;
	_ =	strace $0x8000004F;
	[dreg:$0x1] =	wrdreg $0xFFFFFFFF  }
0xa7: {  	s28 =	simm.s32 $_size_execute0_lowered;
	s2 =	sadd.s32 s2, s4;
	[dreg:$0x0] =	wrdreg $0x0  }
0xa8: {  	s4 =	sshll.u32 s28, $0x1;
	[dreg:$0x2] =	wrdreg s2  }
0xa9: {  	[dreg:$0x3] =	wrdreg s4  }
0xaa: {  	[dreg:$0x4] =	wrdreg $0xC0  }
0xab: {  	_ =	task [dreg:s6], $0x5FFFF  }
0xac: {  	[dreg:$0x1] =	wrdreg $0xFFFFFFFF  }
0xad: {  	[dreg:$0x0] =	wrdreg $0x60  }
0xae: {  	[dreg:$0x2] =	wrdreg s24  }
0xaf: {  	[dreg:$0x3] =	wrdreg $0x154000  }
0xb0: {  	[dreg:$0x4] =	wrdreg $0x9  }
0xb1: {  	_ =	task.clear_ibuf [dreg:s6], $0x5FFFF;
	_ =	strace $0x9000004F  }
0xb2: {  	s29 =	simm.s32 $0x9;
	_ =	strace $0x80000051  }
0xb3: {  	_ =	swait.ge [sflag:s29], $0x1  }
0xb4: {  	[sflag:s29] =	ssyncadd.s32 $0xFFFFFFFF  }
0xb5: {  	_ =	strace $0x90000051  }
0xb6: {  	_ =	sfence  }
0xb7: {  	s30 =	sld [smem:$0x0];
	_ =	sdelay $0x2  }
0xb8: {  	s31 =	sshll.u32 s1, $0xD;
	s1 =	sshrl.u32 s1, $0x2  }
0xb9: {  	s3 =	sand.u32 $0x4000, s31;
	s1 =	sadd.s32 s1, s30  }
0xba: {  	s0 =	sor.u32 s3, s0;
	s1 =	sshll.u32 s1, $0x11  }
0xbb: {  	s0 =	sor.u32 s1, s0  }
0xbc: {  	s0 =	sadd.s32 $0x8F2B, s0  }
0xbd: {  	[sflag:s0] =	ssyncadd.remote.s32 $0x1  }
0xbe: {  	_ =	sfence.sel $0xFFFF  }
0xbf: {  	[dreg:$0x0] =	wrdreg $0xFFFFFFFF;
	(pc) =	sbr.abs _section_cstart, $3  }
0xc0: {  	[dreg:$0x1] =	wrdreg $0xFFFFFFFF  }
0xc1: {  	_ =	task.clear_ibuf [dreg:s6], $0x2FFFF;
	_ =	strace $0x9FFFFFFF  }
0xc2: {  	(tm) =	ssettm $0x7FFFFFFF  }
0xc3: {  	_ =	shalt  }
tec
execute0_lowered:
.L_overlay_start_1:
0x0: {  	(tag) =	ssettag $0x1  }
0x1: {  	s1 =	srdreg.scid;
	s4 =	rddreg [dreg:$0x0]  }
0x2: {  	s0 =	stileid.u32;
	s2 =	rddreg [dreg:$0x1];
	s3 =	simm.s32 $0x0  }
0x3: {  	s5 =	sand.u32 $0x1, s1;
	s1 =	rddreg [dreg:$0x2];
	s8 =	smul.u32 $0x2800, s0  }
0x4: {  	s29 =	sshll.u32 s0, $0x1;
	[smem:$0x7FF] =	sst s3;
	s30 =	smul.u32 $0x2710, s0  }
0x5: {  	s31 =	sshll.u32 s0, $0x6;
	s6 =	sor.u32 s5, s29;
	s9 =	smul.u32 $0x4E20, s5  }
0x6: {  	_ =	strace $0x80000050;
	s5 =	ssub.s32 $0x2, s5;
	s7 =	smul.u32 $0x2800, s6  }
0x7: {  	s6 =	smul.u32 $0x280, s6;
	s10 =	sshrl.u32 s8, $0x3;
	s11 =	sshrl.u32 s5, $0x1  }
0x8: {  	s12 =	sadd.s32 s8, s2;
	s14 =	sshrl.u32 s30, $0x3;
	s15 =	sadd.s32 s30, s2  }
0x9: {  	s8 =	simm.s32 $0x2;
	s10 =	sadd.s32 s10, s4;
	s9 =	sadd.s32 s9, s4  }
0xa: {  	s11 =	ssub.s32 s5, s11;
	s7 =	sadd.s32 s7, s4;
	s6 =	sadd.s32 s6, s4  }
0xb: {  	s13 =	sadd.s32 $0x2A00, s9;
	s9 =	sor.u32 $0x1C02, s31;
	s4 =	sadd.s32 $0x34E00, s6  }
0xc: {  	s5 =	sadd.s32 $0x39E00, s7;
	s6 =	sadd.s32 $0x29C00, s10;
	s7 =	smax.u32 s11, $0x1  }
0xd: {  	s10 =	sshrl.u32 s12, $0x3;
	s11 =	simm.s32 $0x80;
	s12 =	simm.s32 $0x1  }
0xe: {  	s13 =	sadd.s32 s14, s13;
	s14 =	sshrl.u32 s15, $0x3;
	s15 =	simm.s32 $0x0  }
.LBB2_1:
0xf: {  	[tilespmem:s3], [sflag:$0x2] =	stream.linear.gather [hbm4b:s4+s3], $0x1400, $0x38;
	[tilespmem:$0x17C00] =	vst v63  }
0x10: {  	_ =	swait.ge [sflag:s8], $0x1400  }
0x11: {  	[sflag:s8] =	ssyncset.done $0x0  }
0x12: {  	s16 =	simm.s32 $0x1400;
	[sflag:s8] =	ssyncadd.s32 $0xFFFFEC00  }
0x13: {  	[tilespmem:s16], [sflag:$0x2] =	stream.linear.gather [hbm4b:s5+s3], $0x14000, $0x38;
	[tilespmem:$0x17C00] =	vst v63  }
0x14: {  	_ =	swait.ge [sflag:s8], $0x14000  }
0x15: {  	[sflag:s8] =	ssyncset.done $0x0  }
0x16: {  	[sflag:s8] =	ssyncadd.s32 $0xFFFEC000  }
0x17: {  	[spmem:s10], [sflag:s9] =	dma.local [hbm:s6], $0x500  }
0x18: {  	_ =	swait.ge [sflag:s8], $0x500  }
0x19: {  	[sflag:s8] =	ssyncset.done $0x0  }
0x1a: {  	[sflag:s8] =	ssyncadd.s32 $0xFFFFFB00  }
0x1b: {  	s17 =	simm.s32 $0x0;
	[bflag:$0x0] =	sbarrier.arrive $0xFFFF  }
.LBB2_2:
0x1c: {  	p0 =	sne.s32 s17, $0x4E00  }
.Ltmp0:
0x1d: {  	_ = 	snop;
	(pc) =	sbr.rel @p0 .LBB2_2-.Ltmp0, $4  }
0x1e: {  	_ = 	snop  }
0x1f: {  	s18 =	sshra.s32 s17, $0x2  }
0x20: {  	[spmem:s2] =	stream.indirect.scatter.add.f32 [tilespmem:s16], [sflag:$0x1], $0x10, s18, s11, $0xb8;
	[tilespmem:$0x17C00] =	vst v63  }
0x21: {  	s17 =	sadd.s32 $0x200, s17;
	s16 =	sadd.s32 $0x800, s16  }
0x22: {  	_ =	swait.ge [sflag:s12], $0x800  }
0x23: {  	s16 =	simm.s32 $0x27;
	[sflag:s12] =	ssyncset.done $0x0  }
.LBB2_4:
0x24: {  	p0 =	sne.s32 s16, $0x1;
	s16 =	sadd.s32 $0xFFFFFFFF, s16;
	[sflag:s12] =	ssyncadd.s32 $0xFFFFF800  }
.Ltmp1:
0x25: {  	(pc) =	sbr.rel @p0 .LBB2_4-.Ltmp1, $3  }
0x26: {  	_ =	sdelay $0x1  }
0x27: {  	_ =	swait.ge [sflag:s12], $0x800  }
0x28: {  	[sflag:s12] =	ssyncset.done $0x0  }
0x29: {  	s15 =	sadd.s32 $0x1, s15  }
0x2a: {  	[sflag:s12] =	ssyncadd.s32 $0xFFFFF800;
	p0 =	sne.s32 s15, s7  }
.Ltmp2:
0x2b: {  	[bflag:$0x0] =	sbarrier.arrive $0xFFFF;
	(pc) =	sbr.rel @p0 .LBB2_1-.Ltmp2, $4  }
0x2c: {  	[hbm:s13], [sflag:s9] =	dma.local [spmem:s14], $0x4E2  }
0x2d: {  	_ =	swait.ge [sflag:s8], $0x4E2  }
0x2e: {  	[sflag:s8] =	ssyncset.done $0x0  }
0x2f: {  	[sflag:s8] =	ssyncadd.s32 $0xFFFFFB1E  }
0x30: {  	_ =	sfence.sel $0x180000  }
0x31: {  	[bflag:$0x0] =	sbarrier.arrive $0xFFFF  }
0x32: {  	p0 =	sne.s32 s0, $0x0;
	_ =	strace $0x90000050  }
0x33: {  	s0 =	sadd.s32 @!p0 $0x100000, s1;
	[bflag:$0x2] =	sbarrier.arrive $0xFFFF  }
0x34: {  	[sflag:s0] =	ssyncadd.tile.s32 @!p0 $0x1;
	_ =	shalt  }
.Lfunc_end2:
_tile_overlayer_lowered:
.L_overlay_start_2:
0x35: {  	(tag) =	ssettag $0x2  }
0x36: {  	s0 =	rddreg [dreg:$0x0];
	s2 =	stileid.u32  }
0x37: {  	s1 =	rddreg [dreg:$0x1];
	p0 =	sne.s32 s2, $0x0  }
0x38: {  	s3 =	rddreg [dreg:$0x2];
	[bflag:$0x3] =	sbarrier.arrive $0xFFFF;
	s2 =	simm.s32 @!p0 $0x1C02  }
0x39: {  	[timem:s3], [sflag:s2] =	dma.local @!p0 [hbm:s0], s1  }
0x3a: {  	s0 =	simm.s32 @!p0 $0x2  }
0x3b: {  	_ =	swait.ge @!p0 [sflag:s0], s1  }
0x3c: {  	s1 =	ssub.s32 @!p0 $0x0, s1;
	[sflag:s0] =	ssyncset.done @!p0 $0x0  }
0x3d: {  	[sflag:s0] =	ssyncadd.s32 @!p0 s1  }
0x3e: {  	[bflag:$0x3] =	sbarrier.arrive $0xFFFF  }
0x3f: {  	_ =	shalt  }

</sc_bundles>
